<compile_context>
chip_gen: v7x
topology: tpu7x:2x2x1
jax: 0.10.2.dev20260603
libtpu: 0.0.44.dev20260713+nightly
codegen_flags: <defaults>
</compile_context>

<pallas_src>
import functools

import jax
import jax.numpy as jnp
from jax import lax
from jax.experimental import pallas as pl
from jax.experimental.pallas import tpu as pltpu
from jax.experimental.pallas import tpu_sc as plsc

EPS = 1e-5
KNN = 16
F32 = jnp.float32


def _sc_gather(table, idx, chunk=256):
    V, D = table.shape
    B = idx.shape[0]
    info = plsc.get_sparse_core_info()
    nw = info.num_cores * info.num_subcores
    bpw = B // nw
    ch = min(bpw, chunk)
    nch = bpw // ch
    mesh = plsc.VectorSubcoreMesh(core_axis_name="c", subcore_axis_name="s")

    @functools.partial(
        pl.kernel,
        mesh=mesh,
        out_type=jax.ShapeDtypeStruct((B, D), F32),
        scratch_types=[
            pltpu.VMEM((ch,), jnp.int32),
            pltpu.VMEM((ch, D), F32),
            pltpu.SemaphoreType.DMA,
        ],
    )
    def k(table_hbm, idx_hbm, out_hbm, idx_v, rows_v, sem):
        wid = lax.axis_index("s") * info.num_cores + lax.axis_index("c")

        def body(i, carry):
            base = wid * bpw + i * ch
            pltpu.sync_copy(idx_hbm.at[pl.ds(base, ch)], idx_v)
            pltpu.async_copy(table_hbm.at[idx_v], rows_v, sem).wait()
            pltpu.sync_copy(rows_v, out_hbm.at[pl.ds(base, ch)])
            return carry

        if nch == 1:
            body(0, 0)
        else:
            lax.fori_loop(0, nch, body, 0)

    return k(table, idx)


def _topk_body(pos_ref, c_ref, out_ref, *, rm, n, c0, b0):
    b = pl.program_id(0)
    p8 = pos_ref[0]
    cs = c_ref[0]
    c8 = cs[:, c0:c0 + 8]
    pn2 = jnp.sum(p8 * p8, axis=0, keepdims=True)
    d = pn2 - 2.0 * jnp.dot(c8, p8, preferred_element_type=F32,
                            precision=lax.Precision.HIGHEST)
    iota = lax.broadcasted_iota(jnp.int32, (rm, n), 1).astype(F32)
    nf = jnp.float32(n)
    big = jnp.float32(jnp.inf)
    cols = []
    for j in range(KNN):
        mn = jnp.min(d, axis=1, keepdims=True)
        msk = d == mn
        ij = jnp.min(jnp.where(msk, iota, nf), axis=1, keepdims=True)
        cols.append(ij)
        if j != KNN - 1:
            d = jnp.where(msk, big, d)
    idx = jnp.concatenate(cols, axis=1).astype(jnp.int32)
    out_ref[0] = idx + (b + b0) * n


def _topk(pos8_t, centers, c0, b0, rm=256):
    bz, _, n = pos8_t.shape
    m, w = centers.shape[1], centers.shape[2]
    grid = (bz, m // rm)
    return pl.pallas_call(
        functools.partial(_topk_body, rm=rm, n=n, c0=c0, b0=b0),
        grid=grid,
        in_specs=[
            pl.BlockSpec((1, 8, n), lambda b, r: (b, 0, 0)),
            pl.BlockSpec((1, rm, w), lambda b, r: (b, r, 0)),
        ],
        out_specs=pl.BlockSpec((1, rm, 16), lambda b, r: (b, r, 0)),
        out_shape=jax.ShapeDtypeStruct((bz, m, KNN), jnp.int32),
        compiler_params=pltpu.CompilerParams(
            dimension_semantics=("parallel", "parallel")),
    )(pos8_t, centers)


def _mlp_body(g_ref, c_ref, w1a_ref, w1b_ref, b1_ref, w2_ref, b2_ref,
              out_ref, *, rc, d_in, d_out):
    gx = g_ref[:, :d_in]
    gp = g_ref[:, d_in:d_in + 8]
    c8 = c_ref[:, d_in:d_in + 8]
    w1b = w1b_ref[...]
    h = (jnp.dot(gx, w1a_ref[...], preferred_element_type=F32)
         + jnp.dot(gp, w1b, preferred_element_type=F32)
         + b1_ref[...])
    cc = jnp.dot(c8, w1b, preferred_element_type=F32)
    h = h.reshape(rc, KNN, d_out) - cc[:, None, :]
    h = jnp.maximum(h, 0.0).reshape(rc * KNN, d_out)
    z = jnp.dot(h, w2_ref[...], preferred_element_type=F32) + b2_ref[...]
    out_ref[...] = jnp.max(z.reshape(rc, KNN, d_out), axis=1)


def _mlp_pool(g, centers, w1a, w1b8, b1f, w2f, b2f, rc=256):
    bm = centers.shape[0]
    d_in = w1a.shape[0]
    d_out = w1a.shape[1]
    grid = (bm // rc,)
    return pl.pallas_call(
        functools.partial(_mlp_body, rc=rc, d_in=d_in, d_out=d_out),
        grid=grid,
        in_specs=[
            pl.BlockSpec((rc * KNN, g.shape[1]), lambda r: (r, 0)),
            pl.BlockSpec((rc, centers.shape[1]), lambda r: (r, 0)),
            pl.BlockSpec(w1a.shape, lambda r: (0, 0)),
            pl.BlockSpec(w1b8.shape, lambda r: (0, 0)),
            pl.BlockSpec(b1f.shape, lambda r: (0, 0)),
            pl.BlockSpec(w2f.shape, lambda r: (0, 0)),
            pl.BlockSpec(b2f.shape, lambda r: (0, 0)),
        ],
        out_specs=pl.BlockSpec((rc, d_out), lambda r: (r, 0)),
        out_shape=jax.ShapeDtypeStruct((bm, d_out), F32),
        compiler_params=pltpu.CompilerParams(
            dimension_semantics=("parallel",)),
    )(g, centers, w1a, w1b8, b1f, w2f, b2f)


def kernel(x, pos, sampled_idx, n_sampling, W1, b1, g1, be1, rm1, rv1,
           W2, b2, g2, be2, rm2, rv2):
    bz, N, d_in = x.shape
    M = sampled_idx.shape[0] // bz
    d_out = W1.shape[1]

    s1 = g1 / jnp.sqrt(rv1 + EPS)
    w1f = W1 * s1
    b1f = ((b1 - rm1) * s1 + be1).reshape(1, d_out)
    s2 = g2 / jnp.sqrt(rv2 + EPS)
    w2f = W2 * s2
    b2f = ((b2 - rm2) * s2 + be2).reshape(1, d_out)
    w1a = w1f[:d_in]
    w1b8 = jnp.zeros((8, d_out), F32).at[:3].set(w1f[d_in:d_in + 3])

    tw = 2 * 128
    table = jnp.zeros((bz * N, tw), F32)
    table = table.at[:, :d_in].set(x.reshape(bz * N, d_in))
    table = table.at[:, d_in:d_in + 3].set(pos.reshape(bz * N, 3))

    centers = _sc_gather(table, sampled_idx)
    pos8_t = jnp.zeros((bz, 8, N), F32).at[:, :3].set(pos.transpose(0, 2, 1))
    cen3 = centers.reshape(bz, M, tw)

    nchunk = 4
    cb = bz // nchunk
    outs = []
    for c in range(nchunk):
        sl = slice(c * cb, (c + 1) * cb)
        idxg = _topk(pos8_t[sl], cen3[sl], d_in, c * cb)
        g = _sc_gather(table, idxg.reshape(-1))
        outs.append(_mlp_pool(g, centers[c * cb * M:(c + 1) * cb * M],
                              w1a, w1b8, b1f, w2f, b2f))
    return jnp.concatenate(outs, axis=0).reshape(bz, M, d_out)

# --- scband reference (transcript-rebuilt; emitter-appended) ---
"""Pipeline reference for scband-transition-down-90185723281821 (READ-ONLY COPY).

The authoritative reference and input builder live on the scoring server;
editing this copy changes nothing except your own understanding.
"""

import jax, jax.numpy as jnp
import numpy as np

K = 16
EPS = 1e-5

def _gather(values, idx):
    # batched_index_select over dim=1: values [B,N,D], idx [B,M,K] -> [B,M,K,D]
    return jax.vmap(lambda v, i: v[i])(values, idx)

def _mlp_bn(feat, W1, b1, g1, be1, rm1, rv1, W2, b2, g2, be2, rm2, rv2):
    h = feat @ W1 + b1
    h = (h - rm1) / jnp.sqrt(rv1 + EPS) * g1 + be1
    h = jax.nn.relu(h)
    h = h @ W2 + b2
    h = (h - rm2) / jnp.sqrt(rv2 + EPS) * g2 + be2
    return h

def setup_inputs(seed: int = 0):
    key = jax.random.key(seed)
    ks = jax.random.split(key, 6)
    bz, N, M = 8, 4096, 1024
    d_in, d_out = 128, 256
    mlp_in = d_in + 3
    inp = {}
    inp['x'] = jax.random.normal(ks[0], (bz, N, d_in), dtype=jnp.float32)
    inp['pos'] = jax.random.normal(ks[1], (bz, N, 3), dtype=jnp.float32)
    inp['sampled_idx'] = jax.random.randint(ks[2], (bz * M,), 0, bz * N, dtype=jnp.int32)
    inp['n_sampling'] = M
    inp['W1'] = jax.random.normal(ks[3], (mlp_in, d_out), dtype=jnp.float32) * (1.0 / np.sqrt(mlp_in))
    inp['b1'] = jnp.zeros((d_out,), jnp.float32)
    inp['g1'] = jnp.ones((d_out,), jnp.float32)
    inp['be1'] = jnp.zeros((d_out,), jnp.float32)
    inp['rm1'] = jnp.zeros((d_out,), jnp.float32)
    inp['rv1'] = jnp.ones((d_out,), jnp.float32)
    inp['W2'] = jax.random.normal(ks[4], (d_out, d_out), dtype=jnp.float32) * (1.0 / np.sqrt(d_out))
    inp['b2'] = jnp.zeros((d_out,), jnp.float32)
    inp['g2'] = jnp.ones((d_out,), jnp.float32)
    inp['be2'] = jnp.zeros((d_out,), jnp.float32)
    inp['rm2'] = jnp.zeros((d_out,), jnp.float32)
    inp['rv2'] = jnp.ones((d_out,), jnp.float32)
    return inp

def reference(x, pos, sampled_idx, n_sampling, W1, b1, g1, be1, rm1, rv1, W2, b2, g2, be2, rm2, rv2):
    bz, N, _ = pos.shape
    M = sampled_idx.shape[0] // bz
    sampled_idx = sampled_idx + jnp.asarray(n_sampling).astype(sampled_idx.dtype) * 0
    # TransitionDown: select sampled centers, kNN group, relative pos, shared MLP(conv+bn), max pool (r=None)
    sampled_pos = pos.reshape(bz * N, -1)[sampled_idx].reshape(bz, M, 3)
    sampled_dist = jnp.sum((sampled_pos[:, :, None, :] - pos[:, None, :, :]) ** 2, axis=-1)  # [B,M,N]
    neg_topk, nearest_k_idx = jax.lax.top_k(-sampled_dist, K)  # smallest distances
    gathered_pos = _gather(pos, nearest_k_idx)  # [B,M,K,3]
    gathered_x = _gather(x, nearest_k_idx)      # [B,M,K,d_in]
    gathered_pos = gathered_pos - sampled_pos[:, :, None, :]
    gathered_feat = jnp.concatenate([gathered_x, gathered_pos], axis=-1)  # [B,M,K,d_in+3]
    h = _mlp_bn(gathered_feat, W1, b1, g1, be1, rm1, rv1, W2, b2, g2, be2, rm2, rv2)
    out = jnp.max(h, axis=2)  # max_pooling_with_r with r=None
    return out

if __name__ == "__main__":
    import jax
    _d = setup_inputs()
    print(jax.jit(kernel)(*tuple(_d.values())))

</pallas_src>

<mosaic_0001>
#map = affine_map<(d0, d1) -> (0, 0)>
#map1 = affine_map<(d0, d1) -> (0)>
module attributes {stable_mosaic.version = 14 : i64} {
  func.func @k(%arg0: i32, %arg1: i32, %arg2: memref<32768x256xf32, #tpu.memory_space<hbm>>, %arg3: memref<32768xi32, #tpu.memory_space<hbm>>, %arg4: memref<32768x256xf32, #tpu.memory_space<hbm>>, %arg5: memref<256xi32, #tpu.memory_space<vmem>>, %arg6: memref<256x256xf32, #tpu.memory_space<vmem>>, %arg7: memref<!tpu.dma_semaphore, #tpu.memory_space<semaphore_mem>>) attributes {dimension_semantics = [#tpu.dimension_semantics<core_parallel>, #tpu.dimension_semantics<subcore_parallel>], iteration_bounds = array<i64: 2, 16>, scalar_prefetch = 0 : i64, scratch_operands = 3 : i64, tpu.core_type = #tpu.core_type<sc_vector_subcore>, window_params = [{transform_indices = #map}, {transform_indices = #map1}, {transform_indices = #map}]} {
    %mul3A = arith.constant 2 : i32
    %mul3A_0 = arith.muli %arg1, %mul3A : i32
    %add3A = arith.addi %mul3A_0, %arg0 : i32
    %scan3A = arith.constant 0 : i32
    %scan3A_1 = arith.constant 0 : i32
    %scan3A_2 = arith.constant 4 : i32
    %scan3A_3 = arith.addi %scan3A_1, %scan3A_2 : i32
    %scan3A_4 = arith.constant 1 : i32
    scf.for %scan3A_6 = %scan3A_1 to %scan3A_3 step %scan3A_4  : i32 {
      %mul3A_7 = arith.constant 1024 : i32
      %mul3A_8 = arith.muli %add3A, %mul3A_7 : i32
      %mul3A_9 = arith.constant 256 : i32
      %mul3A_10 = arith.muli %scan3A_6, %mul3A_9 : i32
      %add3A_11 = arith.addi %mul3A_8, %mul3A_10 : i32
      "tpu.region"() ({
        %run_scoped3A = tpu.sem_alloc : memref<!tpu.dma_semaphore, #tpu.memory_space<semaphore_mem>>
        %dma_start3A_16 = tpu.memref_slice %arg3[%add3A_11] : memref<32768xi32, #tpu.memory_space<hbm>> -> memref<256xi32, #tpu.memory_space<hbm>>
        %dma_start3A_17 = tpu.memref_slice %arg3[%add3A_11] : memref<32768xi32, #tpu.memory_space<hbm>> -> memref<256xi32, #tpu.memory_space<hbm>>
        tpu.enqueue_dma source(%dma_start3A_17 : memref<256xi32, #tpu.memory_space<hbm>>) target(%arg5 : memref<256xi32, #tpu.memory_space<vmem>>) target_semaphore(%run_scoped3A : memref<!tpu.dma_semaphore, #tpu.memory_space<semaphore_mem>>)
        %dma_wait3A_18 = tpu.memref_slice %arg3[%add3A_11] : memref<32768xi32, #tpu.memory_space<hbm>> -> memref<256xi32, #tpu.memory_space<hbm>>
        %dma_wait3A_19 = tpu.memref_slice %arg3[%add3A_11] : memref<32768xi32, #tpu.memory_space<hbm>> -> memref<256xi32, #tpu.memory_space<hbm>>
        tpu.wait_dma2 semaphore(%run_scoped3A : memref<!tpu.dma_semaphore, #tpu.memory_space<semaphore_mem>>) src(%dma_wait3A_19 : memref<256xi32, #tpu.memory_space<hbm>>) dst(%arg5 : memref<256xi32, #tpu.memory_space<vmem>>)
        tpu.yield
      }) : () -> ()
      %dma_start3A = arith.constant 0 : i32
      %dma_start3A_12 = arith.constant 0 : i32
      %dma_start3A_13 = tpu.memref_slice %arg2[%dma_start3A, %dma_start3A_12] : memref<32768x256xf32, #tpu.memory_space<hbm>> -> memref<32768x256xf32, #tpu.memory_space<hbm>>
      tpu.enqueue_indirect_dma source(%dma_start3A_13 : memref<32768x256xf32, #tpu.memory_space<hbm>>) target(%arg6 : memref<256x256xf32, #tpu.memory_space<vmem>>) offsets(%arg5 : memref<256xi32, #tpu.memory_space<vmem>>) semaphore(%arg7 : memref<!tpu.dma_semaphore, #tpu.memory_space<semaphore_mem>>)
      %dma_wait3A = arith.constant 0 : i32
      %dma_wait3A_14 = arith.constant 0 : i32
      %dma_wait3A_15 = tpu.memref_slice %arg2[%dma_wait3A, %dma_wait3A_14] : memref<32768x256xf32, #tpu.memory_space<hbm>> -> memref<32768x256xf32, #tpu.memory_space<hbm>>
      tpu.wait_indirect_dma semaphore(%arg7 : memref<!tpu.dma_semaphore, #tpu.memory_space<semaphore_mem>>) src(%dma_wait3A_15 : memref<32768x256xf32, #tpu.memory_space<hbm>>) dst(%arg6 : memref<256x256xf32, #tpu.memory_space<vmem>>)
      "tpu.region"() ({
        %run_scoped3A = tpu.sem_alloc : memref<!tpu.dma_semaphore, #tpu.memory_space<semaphore_mem>>
        %dma_start3A_16 = arith.constant 0 : i32
        %dma_start3A_17 = tpu.memref_slice %arg4[%add3A_11, %dma_start3A_16] : memref<32768x256xf32, #tpu.memory_space<hbm>> -> memref<256x256xf32, #tpu.memory_space<hbm>>
        %dma_start3A_18 = arith.constant 0 : i32
        %dma_start3A_19 = tpu.memref_slice %arg4[%add3A_11, %dma_start3A_18] : memref<32768x256xf32, #tpu.memory_space<hbm>> -> memref<256x256xf32, #tpu.memory_space<hbm>>
        tpu.enqueue_dma source(%arg6 : memref<256x256xf32, #tpu.memory_space<vmem>>) target(%dma_start3A_19 : memref<256x256xf32, #tpu.memory_space<hbm>>) target_semaphore(%run_scoped3A : memref<!tpu.dma_semaphore, #tpu.memory_space<semaphore_mem>>)
        %dma_wait3A_20 = arith.constant 0 : i32
        %dma_wait3A_21 = tpu.memref_slice %arg4[%add3A_11, %dma_wait3A_20] : memref<32768x256xf32, #tpu.memory_space<hbm>> -> memref<256x256xf32, #tpu.memory_space<hbm>>
        %dma_wait3A_22 = arith.constant 0 : i32
        %dma_wait3A_23 = tpu.memref_slice %arg4[%add3A_11, %dma_wait3A_22] : memref<32768x256xf32, #tpu.memory_space<hbm>> -> memref<256x256xf32, #tpu.memory_space<hbm>>
        tpu.wait_dma2 semaphore(%run_scoped3A : memref<!tpu.dma_semaphore, #tpu.memory_space<semaphore_mem>>) src(%arg6 : memref<256x256xf32, #tpu.memory_space<vmem>>) dst(%dma_wait3A_23 : memref<256x256xf32, #tpu.memory_space<hbm>>)
        tpu.yield
      }) : () -> ()
    }
    %scan3A_5 = arith.constant 4 : i32
    return
  }
}

#map = affine_map<(d0, d1) -> (0, 0)>
#map1 = affine_map<(d0, d1) -> (0)>
module attributes {stable_mosaic.version = 14 : i64} {
  func.func @k(%arg0: i32, %arg1: i32, %arg2: memref<32768x256xf32, #tpu.memory_space<hbm>>, %arg3: memref<32768xi32, #tpu.memory_space<hbm>>, %arg4: memref<32768x256xf32, #tpu.memory_space<hbm>>, %arg5: memref<256xi32, #tpu.memory_space<vmem>>, %arg6: memref<256x256xf32, #tpu.memory_space<vmem>>, %arg7: memref<!tpu.dma_semaphore, #tpu.memory_space<semaphore_mem>>) attributes {dimension_semantics = [#tpu.dimension_semantics<core_parallel>, #tpu.dimension_semantics<subcore_parallel>], iteration_bounds = array<i64: 2, 16>, scalar_prefetch = 0 : i64, scratch_operands = 3 : i64, tpu.core_type = #tpu.core_type<sc_vector_subcore>, window_params = [{transform_indices = #map}, {transform_indices = #map1}, {transform_indices = #map}]} {
    %mul3A = arith.constant 2 : i32
    %mul3A_0 = arith.muli %arg1, %mul3A : i32
    %add3A = arith.addi %mul3A_0, %arg0 : i32
    %scan3A = arith.constant 0 : i32
    %scan3A_1 = arith.constant 0 : i32
    %scan3A_2 = arith.constant 4 : i32
    %scan3A_3 = arith.addi %scan3A_1, %scan3A_2 : i32
    %scan3A_4 = arith.constant 1 : i32
    scf.for %scan3A_6 = %scan3A_1 to %scan3A_3 step %scan3A_4  : i32 {
      %mul3A_7 = arith.constant 1024 : i32
      %mul3A_8 = arith.muli %add3A, %mul3A_7 : i32
      %mul3A_9 = arith.constant 256 : i32
      %mul3A_10 = arith.muli %scan3A_6, %mul3A_9 : i32
      %add3A_11 = arith.addi %mul3A_8, %mul3A_10 : i32
      "tpu.region"() ({
        %run_scoped3A = tpu.sem_alloc : memref<!tpu.dma_semaphore, #tpu.memory_space<semaphore_mem>>
        %dma_start3A_16 = tpu.memref_slice %arg3[%add3A_11] : memref<32768xi32, #tpu.memory_space<hbm>> -> memref<256xi32, #tpu.memory_space<hbm>>
        %dma_start3A_17 = tpu.memref_slice %arg3[%add3A_11] : memref<32768xi32, #tpu.memory_space<hbm>> -> memref<256xi32, #tpu.memory_space<hbm>>
        tpu.enqueue_dma source(%dma_start3A_17 : memref<256xi32, #tpu.memory_space<hbm>>) target(%arg5 : memref<256xi32, #tpu.memory_space<vmem>>) target_semaphore(%run_scoped3A : memref<!tpu.dma_semaphore, #tpu.memory_space<semaphore_mem>>)
        %dma_wait3A_18 = tpu.memref_slice %arg3[%add3A_11] : memref<32768xi32, #tpu.memory_space<hbm>> -> memref<256xi32, #tpu.memory_space<hbm>>
        %dma_wait3A_19 = tpu.memref_slice %arg3[%add3A_11] : memref<32768xi32, #tpu.memory_space<hbm>> -> memref<256xi32, #tpu.memory_space<hbm>>
        tpu.wait_dma2 semaphore(%run_scoped3A : memref<!tpu.dma_semaphore, #tpu.memory_space<semaphore_mem>>) src(%dma_wait3A_19 : memref<256xi32, #tpu.memory_space<hbm>>) dst(%arg5 : memref<256xi32, #tpu.memory_space<vmem>>)
        tpu.yield
      }) : () -> ()
      %dma_start3A = arith.constant 0 : i32
      %dma_start3A_12 = arith.constant 0 : i32
      %dma_start3A_13 = tpu.memref_slice %arg2[%dma_start3A, %dma_start3A_12] : memref<32768x256xf32, #tpu.memory_space<hbm>> -> memref<32768x256xf32, #tpu.memory_space<hbm>>
      tpu.enqueue_indirect_dma source(%dma_start3A_13 : memref<32768x256xf32, #tpu.memory_space<hbm>>) target(%arg6 : memref<256x256xf32, #tpu.memory_space<vmem>>) offsets(%arg5 : memref<256xi32, #tpu.memory_space<vmem>>) semaphore(%arg7 : memref<!tpu.dma_semaphore, #tpu.memory_space<semaphore_mem>>)
      %dma_wait3A = arith.constant 0 : i32
      %dma_wait3A_14 = arith.constant 0 : i32
      %dma_wait3A_15 = tpu.memref_slice %arg2[%dma_wait3A, %dma_wait3A_14] : memref<32768x256xf32, #tpu.memory_space<hbm>> -> memref<32768x256xf32, #tpu.memory_space<hbm>>
      tpu.wait_indirect_dma semaphore(%arg7 : memref<!tpu.dma_semaphore, #tpu.memory_space<semaphore_mem>>) src(%dma_wait3A_15 : memref<32768x256xf32, #tpu.memory_space<hbm>>) dst(%arg6 : memref<256x256xf32, #tpu.memory_space<vmem>>)
      "tpu.region"() ({
        %run_scoped3A = tpu.sem_alloc : memref<!tpu.dma_semaphore, #tpu.memory_space<semaphore_mem>>
        %dma_start3A_16 = arith.constant 0 : i32
        %dma_start3A_17 = tpu.memref_slice %arg4[%add3A_11, %dma_start3A_16] : memref<32768x256xf32, #tpu.memory_space<hbm>> -> memref<256x256xf32, #tpu.memory_space<hbm>>
        %dma_start3A_18 = arith.constant 0 : i32
        %dma_start3A_19 = tpu.memref_slice %arg4[%add3A_11, %dma_start3A_18] : memref<32768x256xf32, #tpu.memory_space<hbm>> -> memref<256x256xf32, #tpu.memory_space<hbm>>
        tpu.enqueue_dma source(%arg6 : memref<256x256xf32, #tpu.memory_space<vmem>>) target(%dma_start3A_19 : memref<256x256xf32, #tpu.memory_space<hbm>>) target_semaphore(%run_scoped3A : memref<!tpu.dma_semaphore, #tpu.memory_space<semaphore_mem>>)
        %dma_wait3A_20 = arith.constant 0 : i32
        %dma_wait3A_21 = tpu.memref_slice %arg4[%add3A_11, %dma_wait3A_20] : memref<32768x256xf32, #tpu.memory_space<hbm>> -> memref<256x256xf32, #tpu.memory_space<hbm>>
        %dma_wait3A_22 = arith.constant 0 : i32
        %dma_wait3A_23 = tpu.memref_slice %arg4[%add3A_11, %dma_wait3A_22] : memref<32768x256xf32, #tpu.memory_space<hbm>> -> memref<256x256xf32, #tpu.memory_space<hbm>>
        tpu.wait_dma2 semaphore(%run_scoped3A : memref<!tpu.dma_semaphore, #tpu.memory_space<semaphore_mem>>) src(%arg6 : memref<256x256xf32, #tpu.memory_space<vmem>>) dst(%dma_wait3A_23 : memref<256x256xf32, #tpu.memory_space<hbm>>)
        tpu.yield
      }) : () -> ()
    }
    %scan3A_5 = arith.constant 4 : i32
    return
  }
}

#map = affine_map<(d0, d1) -> (0, 0)>
#map1 = affine_map<(d0, d1) -> (0)>
module attributes {stable_mosaic.version = 14 : i64} {
  func.func @k(%arg0: i32, %arg1: i32, %arg2: memref<32768x256xf32, #tpu.memory_space<hbm>>, %arg3: memref<8192xi32, #tpu.memory_space<hbm>>, %arg4: memref<8192x256xf32, #tpu.memory_space<hbm>>, %arg5: memref<256xi32, #tpu.memory_space<vmem>>, %arg6: memref<256x256xf32, #tpu.memory_space<vmem>>, %arg7: memref<!tpu.dma_semaphore, #tpu.memory_space<semaphore_mem>>) attributes {dimension_semantics = [#tpu.dimension_semantics<core_parallel>, #tpu.dimension_semantics<subcore_parallel>], iteration_bounds = array<i64: 2, 16>, scalar_prefetch = 0 : i64, scratch_operands = 3 : i64, tpu.core_type = #tpu.core_type<sc_vector_subcore>, window_params = [{transform_indices = #map}, {transform_indices = #map1}, {transform_indices = #map}]} {
    %mul3A = arith.constant 2 : i32
    %mul3A_0 = arith.muli %arg1, %mul3A : i32
    %add3A = arith.addi %mul3A_0, %arg0 : i32
    %mul3A_1 = arith.constant 256 : i32
    %mul3A_2 = arith.muli %add3A, %mul3A_1 : i32
    %add3A_3 = arith.constant 0 : i32
    %add3A_4 = arith.addi %mul3A_2, %add3A_3 : i32
    "tpu.region"() ({
      %run_scoped3A = tpu.sem_alloc : memref<!tpu.dma_semaphore, #tpu.memory_space<semaphore_mem>>
      %dma_start3A_9 = tpu.memref_slice %arg3[%add3A_4] : memref<8192xi32, #tpu.memory_space<hbm>> -> memref<256xi32, #tpu.memory_space<hbm>>
      %dma_start3A_10 = tpu.memref_slice %arg3[%add3A_4] : memref<8192xi32, #tpu.memory_space<hbm>> -> memref<256xi32, #tpu.memory_space<hbm>>
      tpu.enqueue_dma source(%dma_start3A_10 : memref<256xi32, #tpu.memory_space<hbm>>) target(%arg5 : memref<256xi32, #tpu.memory_space<vmem>>) target_semaphore(%run_scoped3A : memref<!tpu.dma_semaphore, #tpu.memory_space<semaphore_mem>>)
      %dma_wait3A_11 = tpu.memref_slice %arg3[%add3A_4] : memref<8192xi32, #tpu.memory_space<hbm>> -> memref<256xi32, #tpu.memory_space<hbm>>
      %dma_wait3A_12 = tpu.memref_slice %arg3[%add3A_4] : memref<8192xi32, #tpu.memory_space<hbm>> -> memref<256xi32, #tpu.memory_space<hbm>>
      tpu.wait_dma2 semaphore(%run_scoped3A : memref<!tpu.dma_semaphore, #tpu.memory_space<semaphore_mem>>) src(%dma_wait3A_12 : memref<256xi32, #tpu.memory_space<hbm>>) dst(%arg5 : memref<256xi32, #tpu.memory_space<vmem>>)
      tpu.yield
    }) : () -> ()
    %dma_start3A = arith.constant 0 : i32
    %dma_start3A_5 = arith.constant 0 : i32
    %dma_start3A_6 = tpu.memref_slice %arg2[%dma_start3A, %dma_start3A_5] : memref<32768x256xf32, #tpu.memory_space<hbm>> -> memref<32768x256xf32, #tpu.memory_space<hbm>>
    tpu.enqueue_indirect_dma source(%dma_start3A_6 : memref<32768x256xf32, #tpu.memory_space<hbm>>) target(%arg6 : memref<256x256xf32, #tpu.memory_space<vmem>>) offsets(%arg5 : memref<256xi32, #tpu.memory_space<vmem>>) semaphore(%arg7 : memref<!tpu.dma_semaphore, #tpu.memory_space<semaphore_mem>>)
    %dma_wait3A = arith.constant 0 : i32
    %dma_wait3A_7 = arith.constant 0 : i32
    %dma_wait3A_8 = tpu.memref_slice %arg2[%dma_wait3A, %dma_wait3A_7] : memref<32768x256xf32, #tpu.memory_space<hbm>> -> memref<32768x256xf32, #tpu.memory_space<hbm>>
    tpu.wait_indirect_dma semaphore(%arg7 : memref<!tpu.dma_semaphore, #tpu.memory_space<semaphore_mem>>) src(%dma_wait3A_8 : memref<32768x256xf32, #tpu.memory_space<hbm>>) dst(%arg6 : memref<256x256xf32, #tpu.memory_space<vmem>>)
    "tpu.region"() ({
      %run_scoped3A = tpu.sem_alloc : memref<!tpu.dma_semaphore, #tpu.memory_space<semaphore_mem>>
      %dma_start3A_9 = arith.constant 0 : i32
      %dma_start3A_10 = tpu.memref_slice %arg4[%add3A_4, %dma_start3A_9] : memref<8192x256xf32, #tpu.memory_space<hbm>> -> memref<256x256xf32, #tpu.memory_space<hbm>>
      %dma_start3A_11 = arith.constant 0 : i32
      %dma_start3A_12 = tpu.memref_slice %arg4[%add3A_4, %dma_start3A_11] : memref<8192x256xf32, #tpu.memory_space<hbm>> -> memref<256x256xf32, #tpu.memory_space<hbm>>
      tpu.enqueue_dma source(%arg6 : memref<256x256xf32, #tpu.memory_space<vmem>>) target(%dma_start3A_12 : memref<256x256xf32, #tpu.memory_space<hbm>>) target_semaphore(%run_scoped3A : memref<!tpu.dma_semaphore, #tpu.memory_space<semaphore_mem>>)
      %dma_wait3A_13 = arith.constant 0 : i32
      %dma_wait3A_14 = tpu.memref_slice %arg4[%add3A_4, %dma_wait3A_13] : memref<8192x256xf32, #tpu.memory_space<hbm>> -> memref<256x256xf32, #tpu.memory_space<hbm>>
      %dma_wait3A_15 = arith.constant 0 : i32
      %dma_wait3A_16 = tpu.memref_slice %arg4[%add3A_4, %dma_wait3A_15] : memref<8192x256xf32, #tpu.memory_space<hbm>> -> memref<256x256xf32, #tpu.memory_space<hbm>>
      tpu.wait_dma2 semaphore(%run_scoped3A : memref<!tpu.dma_semaphore, #tpu.memory_space<semaphore_mem>>) src(%arg6 : memref<256x256xf32, #tpu.memory_space<vmem>>) dst(%dma_wait3A_16 : memref<256x256xf32, #tpu.memory_space<hbm>>)
      tpu.yield
    }) : () -> ()
    return
  }
}

#map = affine_map<(d0, d1) -> (0, 0)>
#map1 = affine_map<(d0, d1) -> (0)>
module attributes {stable_mosaic.version = 14 : i64} {
  func.func @k(%arg0: i32, %arg1: i32, %arg2: memref<32768x256xf32, #tpu.memory_space<hbm>>, %arg3: memref<32768xi32, #tpu.memory_space<hbm>>, %arg4: memref<32768x256xf32, #tpu.memory_space<hbm>>, %arg5: memref<256xi32, #tpu.memory_space<vmem>>, %arg6: memref<256x256xf32, #tpu.memory_space<vmem>>, %arg7: memref<!tpu.dma_semaphore, #tpu.memory_space<semaphore_mem>>) attributes {dimension_semantics = [#tpu.dimension_semantics<core_parallel>, #tpu.dimension_semantics<subcore_parallel>], iteration_bounds = array<i64: 2, 16>, scalar_prefetch = 0 : i64, scratch_operands = 3 : i64, tpu.core_type = #tpu.core_type<sc_vector_subcore>, window_params = [{transform_indices = #map}, {transform_indices = #map1}, {transform_indices = #map}]} {
    %mul3A = arith.constant 2 : i32
    %mul3A_0 = arith.muli %arg1, %mul3A : i32
    %add3A = arith.addi %mul3A_0, %arg0 : i32
    %scan3A = arith.constant 0 : i32
    %scan3A_1 = arith.constant 0 : i32
    %scan3A_2 = arith.constant 4 : i32
    %scan3A_3 = arith.addi %scan3A_1, %scan3A_2 : i32
    %scan3A_4 = arith.constant 1 : i32
    scf.for %scan3A_6 = %scan3A_1 to %scan3A_3 step %scan3A_4  : i32 {
      %mul3A_7 = arith.constant 1024 : i32
      %mul3A_8 = arith.muli %add3A, %mul3A_7 : i32
      %mul3A_9 = arith.constant 256 : i32
      %mul3A_10 = arith.muli %scan3A_6, %mul3A_9 : i32
      %add3A_11 = arith.addi %mul3A_8, %mul3A_10 : i32
      "tpu.region"() ({
        %run_scoped3A = tpu.sem_alloc : memref<!tpu.dma_semaphore, #tpu.memory_space<semaphore_mem>>
        %dma_start3A_16 = tpu.memref_slice %arg3[%add3A_11] : memref<32768xi32, #tpu.memory_space<hbm>> -> memref<256xi32, #tpu.memory_space<hbm>>
        %dma_start3A_17 = tpu.memref_slice %arg3[%add3A_11] : memref<32768xi32, #tpu.memory_space<hbm>> -> memref<256xi32, #tpu.memory_space<hbm>>
        tpu.enqueue_dma source(%dma_start3A_17 : memref<256xi32, #tpu.memory_space<hbm>>) target(%arg5 : memref<256xi32, #tpu.memory_space<vmem>>) target_semaphore(%run_scoped3A : memref<!tpu.dma_semaphore, #tpu.memory_space<semaphore_mem>>)
        %dma_wait3A_18 = tpu.memref_slice %arg3[%add3A_11] : memref<32768xi32, #tpu.memory_space<hbm>> -> memref<256xi32, #tpu.memory_space<hbm>>
        %dma_wait3A_19 = tpu.memref_slice %arg3[%add3A_11] : memref<32768xi32, #tpu.memory_space<hbm>> -> memref<256xi32, #tpu.memory_space<hbm>>
        tpu.wait_dma2 semaphore(%run_scoped3A : memref<!tpu.dma_semaphore, #tpu.memory_space<semaphore_mem>>) src(%dma_wait3A_19 : memref<256xi32, #tpu.memory_space<hbm>>) dst(%arg5 : memref<256xi32, #tpu.memory_space<vmem>>)
        tpu.yield
      }) : () -> ()
      %dma_start3A = arith.constant 0 : i32
      %dma_start3A_12 = arith.constant 0 : i32
      %dma_start3A_13 = tpu.memref_slice %arg2[%dma_start3A, %dma_start3A_12] : memref<32768x256xf32, #tpu.memory_space<hbm>> -> memref<32768x256xf32, #tpu.memory_space<hbm>>
      tpu.enqueue_indirect_dma source(%dma_start3A_13 : memref<32768x256xf32, #tpu.memory_space<hbm>>) target(%arg6 : memref<256x256xf32, #tpu.memory_space<vmem>>) offsets(%arg5 : memref<256xi32, #tpu.memory_space<vmem>>) semaphore(%arg7 : memref<!tpu.dma_semaphore, #tpu.memory_space<semaphore_mem>>)
      %dma_wait3A = arith.constant 0 : i32
      %dma_wait3A_14 = arith.constant 0 : i32
      %dma_wait3A_15 = tpu.memref_slice %arg2[%dma_wait3A, %dma_wait3A_14] : memref<32768x256xf32, #tpu.memory_space<hbm>> -> memref<32768x256xf32, #tpu.memory_space<hbm>>
      tpu.wait_indirect_dma semaphore(%arg7 : memref<!tpu.dma_semaphore, #tpu.memory_space<semaphore_mem>>) src(%dma_wait3A_15 : memref<32768x256xf32, #tpu.memory_space<hbm>>) dst(%arg6 : memref<256x256xf32, #tpu.memory_space<vmem>>)
      "tpu.region"() ({
        %run_scoped3A = tpu.sem_alloc : memref<!tpu.dma_semaphore, #tpu.memory_space<semaphore_mem>>
        %dma_start3A_16 = arith.constant 0 : i32
        %dma_start3A_17 = tpu.memref_slice %arg4[%add3A_11, %dma_start3A_16] : memref<32768x256xf32, #tpu.memory_space<hbm>> -> memref<256x256xf32, #tpu.memory_space<hbm>>
        %dma_start3A_18 = arith.constant 0 : i32
        %dma_start3A_19 = tpu.memref_slice %arg4[%add3A_11, %dma_start3A_18] : memref<32768x256xf32, #tpu.memory_space<hbm>> -> memref<256x256xf32, #tpu.memory_space<hbm>>
        tpu.enqueue_dma source(%arg6 : memref<256x256xf32, #tpu.memory_space<vmem>>) target(%dma_start3A_19 : memref<256x256xf32, #tpu.memory_space<hbm>>) target_semaphore(%run_scoped3A : memref<!tpu.dma_semaphore, #tpu.memory_space<semaphore_mem>>)
        %dma_wait3A_20 = arith.constant 0 : i32
        %dma_wait3A_21 = tpu.memref_slice %arg4[%add3A_11, %dma_wait3A_20] : memref<32768x256xf32, #tpu.memory_space<hbm>> -> memref<256x256xf32, #tpu.memory_space<hbm>>
        %dma_wait3A_22 = arith.constant 0 : i32
        %dma_wait3A_23 = tpu.memref_slice %arg4[%add3A_11, %dma_wait3A_22] : memref<32768x256xf32, #tpu.memory_space<hbm>> -> memref<256x256xf32, #tpu.memory_space<hbm>>
        tpu.wait_dma2 semaphore(%run_scoped3A : memref<!tpu.dma_semaphore, #tpu.memory_space<semaphore_mem>>) src(%arg6 : memref<256x256xf32, #tpu.memory_space<vmem>>) dst(%dma_wait3A_23 : memref<256x256xf32, #tpu.memory_space<hbm>>)
        tpu.yield
      }) : () -> ()
    }
    %scan3A_5 = arith.constant 4 : i32
    return
  }
}

#map = affine_map<(d0, d1) -> (0, 0)>
#map1 = affine_map<(d0, d1) -> (0)>
module attributes {stable_mosaic.version = 14 : i64} {
  func.func @k(%arg0: i32, %arg1: i32, %arg2: memref<32768x256xf32, #tpu.memory_space<hbm>>, %arg3: memref<32768xi32, #tpu.memory_space<hbm>>, %arg4: memref<32768x256xf32, #tpu.memory_space<hbm>>, %arg5: memref<256xi32, #tpu.memory_space<vmem>>, %arg6: memref<256x256xf32, #tpu.memory_space<vmem>>, %arg7: memref<!tpu.dma_semaphore, #tpu.memory_space<semaphore_mem>>) attributes {dimension_semantics = [#tpu.dimension_semantics<core_parallel>, #tpu.dimension_semantics<subcore_parallel>], iteration_bounds = array<i64: 2, 16>, scalar_prefetch = 0 : i64, scratch_operands = 3 : i64, tpu.core_type = #tpu.core_type<sc_vector_subcore>, window_params = [{transform_indices = #map}, {transform_indices = #map1}, {transform_indices = #map}]} {
    %mul3A = arith.constant 2 : i32
    %mul3A_0 = arith.muli %arg1, %mul3A : i32
    %add3A = arith.addi %mul3A_0, %arg0 : i32
    %scan3A = arith.constant 0 : i32
    %scan3A_1 = arith.constant 0 : i32
    %scan3A_2 = arith.constant 4 : i32
    %scan3A_3 = arith.addi %scan3A_1, %scan3A_2 : i32
    %scan3A_4 = arith.constant 1 : i32
    scf.for %scan3A_6 = %scan3A_1 to %scan3A_3 step %scan3A_4  : i32 {
      %mul3A_7 = arith.constant 1024 : i32
      %mul3A_8 = arith.muli %add3A, %mul3A_7 : i32
      %mul3A_9 = arith.constant 256 : i32
      %mul3A_10 = arith.muli %scan3A_6, %mul3A_9 : i32
      %add3A_11 = arith.addi %mul3A_8, %mul3A_10 : i32
      "tpu.region"() ({
        %run_scoped3A = tpu.sem_alloc : memref<!tpu.dma_semaphore, #tpu.memory_space<semaphore_mem>>
        %dma_start3A_16 = tpu.memref_slice %arg3[%add3A_11] : memref<32768xi32, #tpu.memory_space<hbm>> -> memref<256xi32, #tpu.memory_space<hbm>>
        %dma_start3A_17 = tpu.memref_slice %arg3[%add3A_11] : memref<32768xi32, #tpu.memory_space<hbm>> -> memref<256xi32, #tpu.memory_space<hbm>>
        tpu.enqueue_dma source(%dma_start3A_17 : memref<256xi32, #tpu.memory_space<hbm>>) target(%arg5 : memref<256xi32, #tpu.memory_space<vmem>>) target_semaphore(%run_scoped3A : memref<!tpu.dma_semaphore, #tpu.memory_space<semaphore_mem>>)
        %dma_wait3A_18 = tpu.memref_slice %arg3[%add3A_11] : memref<32768xi32, #tpu.memory_space<hbm>> -> memref<256xi32, #tpu.memory_space<hbm>>
        %dma_wait3A_19 = tpu.memref_slice %arg3[%add3A_11] : memref<32768xi32, #tpu.memory_space<hbm>> -> memref<256xi32, #tpu.memory_space<hbm>>
        tpu.wait_dma2 semaphore(%run_scoped3A : memref<!tpu.dma_semaphore, #tpu.memory_space<semaphore_mem>>) src(%dma_wait3A_19 : memref<256xi32, #tpu.memory_space<hbm>>) dst(%arg5 : memref<256xi32, #tpu.memory_space<vmem>>)
        tpu.yield
      }) : () -> ()
      %dma_start3A = arith.constant 0 : i32
      %dma_start3A_12 = arith.constant 0 : i32
      %dma_start3A_13 = tpu.memref_slice %arg2[%dma_start3A, %dma_start3A_12] : memref<32768x256xf32, #tpu.memory_space<hbm>> -> memref<32768x256xf32, #tpu.memory_space<hbm>>
      tpu.enqueue_indirect_dma source(%dma_start3A_13 : memref<32768x256xf32, #tpu.memory_space<hbm>>) target(%arg6 : memref<256x256xf32, #tpu.memory_space<vmem>>) offsets(%arg5 : memref<256xi32, #tpu.memory_space<vmem>>) semaphore(%arg7 : memref<!tpu.dma_semaphore, #tpu.memory_space<semaphore_mem>>)
      %dma_wait3A = arith.constant 0 : i32
      %dma_wait3A_14 = arith.constant 0 : i32
      %dma_wait3A_15 = tpu.memref_slice %arg2[%dma_wait3A, %dma_wait3A_14] : memref<32768x256xf32, #tpu.memory_space<hbm>> -> memref<32768x256xf32, #tpu.memory_space<hbm>>
      tpu.wait_indirect_dma semaphore(%arg7 : memref<!tpu.dma_semaphore, #tpu.memory_space<semaphore_mem>>) src(%dma_wait3A_15 : memref<32768x256xf32, #tpu.memory_space<hbm>>) dst(%arg6 : memref<256x256xf32, #tpu.memory_space<vmem>>)
      "tpu.region"() ({
        %run_scoped3A = tpu.sem_alloc : memref<!tpu.dma_semaphore, #tpu.memory_space<semaphore_mem>>
        %dma_start3A_16 = arith.constant 0 : i32
        %dma_start3A_17 = tpu.memref_slice %arg4[%add3A_11, %dma_start3A_16] : memref<32768x256xf32, #tpu.memory_space<hbm>> -> memref<256x256xf32, #tpu.memory_space<hbm>>
        %dma_start3A_18 = arith.constant 0 : i32
        %dma_start3A_19 = tpu.memref_slice %arg4[%add3A_11, %dma_start3A_18] : memref<32768x256xf32, #tpu.memory_space<hbm>> -> memref<256x256xf32, #tpu.memory_space<hbm>>
        tpu.enqueue_dma source(%arg6 : memref<256x256xf32, #tpu.memory_space<vmem>>) target(%dma_start3A_19 : memref<256x256xf32, #tpu.memory_space<hbm>>) target_semaphore(%run_scoped3A : memref<!tpu.dma_semaphore, #tpu.memory_space<semaphore_mem>>)
        %dma_wait3A_20 = arith.constant 0 : i32
        %dma_wait3A_21 = tpu.memref_slice %arg4[%add3A_11, %dma_wait3A_20] : memref<32768x256xf32, #tpu.memory_space<hbm>> -> memref<256x256xf32, #tpu.memory_space<hbm>>
        %dma_wait3A_22 = arith.constant 0 : i32
        %dma_wait3A_23 = tpu.memref_slice %arg4[%add3A_11, %dma_wait3A_22] : memref<32768x256xf32, #tpu.memory_space<hbm>> -> memref<256x256xf32, #tpu.memory_space<hbm>>
        tpu.wait_dma2 semaphore(%run_scoped3A : memref<!tpu.dma_semaphore, #tpu.memory_space<semaphore_mem>>) src(%arg6 : memref<256x256xf32, #tpu.memory_space<vmem>>) dst(%dma_wait3A_23 : memref<256x256xf32, #tpu.memory_space<hbm>>)
        tpu.yield
      }) : () -> ()
    }
    %scan3A_5 = arith.constant 4 : i32
    return
  }
}

module attributes {stable_mosaic.version = 14 : i64} {
  func.func @_topk_body(%arg0: i32, %arg1: i32, %arg2: memref<1x8x4096xf32, #tpu.memory_space<vmem>>, %arg3: memref<1x256x256xf32, #tpu.memory_space<vmem>>, %arg4: memref<1x256x16xi32, #tpu.memory_space<vmem>>) attributes {dimension_semantics = [#tpu.dimension_semantics<parallel>, #tpu.dimension_semantics<parallel>], iteration_bounds = array<i64: 2, 4>, scalar_prefetch = 0 : i64, scratch_operands = 0 : i64, tpu.core_type = #tpu.core_type<tc>, window_params = [{transform_indices = @transform_0, window_bounds = array<i64: 1, 8, 4096>}, {transform_indices = @transform_1, window_bounds = array<i64: 1, 256, 256>}, {transform_indices = @transform_2, window_bounds = array<i64: 1, 256, 16>}]} {
    %get3A = arith.constant 0 : index
    %get3A_0 = arith.constant 0 : index
    %get3A_1 = arith.constant 0 : index
    %get3A_2 = vector.load %arg2[%get3A, %get3A_0, %get3A_1] : memref<1x8x4096xf32, #tpu.memory_space<vmem>>, vector<1x8x4096xf32>
    %get3A_3 = vector.shape_cast %get3A_2 : vector<1x8x4096xf32> to vector<8x4096xf32>
    %get3A_4 = arith.constant 0 : index
    %get3A_5 = arith.constant 0 : index
    %get3A_6 = arith.constant 0 : index
    %get3A_7 = vector.load %arg3[%get3A_4, %get3A_5, %get3A_6] : memref<1x256x256xf32, #tpu.memory_space<vmem>>, vector<1x256x256xf32>
    %get3A_8 = vector.shape_cast %get3A_7 : vector<1x256x256xf32> to vector<256x256xf32>
    %slice3A = vector.extract_strided_slice %get3A_8 {offsets = [0, 128], sizes = [256, 8], strides = [1, 1]} : vector<256x256xf32> to vector<256x8xf32>
    %mul3A = arith.mulf %get3A_3, %get3A_3 : vector<8x4096xf32>
    %reduce_sum3A = arith.constant dense<0.000000e+00> : vector<4096xf32>
    %reduce_sum3A_9 = vector.multi_reduction <add>, %mul3A, %reduce_sum3A [0] : vector<8x4096xf32> to vector<4096xf32>
    %broadcast_in_dim3A = vector.shape_cast %reduce_sum3A_9 : vector<4096xf32> to vector<1x4096xf32>
    %dot_general3A = arith.constant dense<0.000000e+00> : vector<256x4096xf32>
    %dot_general3A_10 = tpu.matmul %slice3A, %get3A_3, %dot_general3A {dimension_numbers = #tpu.dot_dimension_numbers<[1], [0], [0], [1], [0, 0, 1, 1], [], []>, precision = #tpu.contract_precision<fp32>, transpose_lhs_hint = false} : vector<256x8xf32>, vector<8x4096xf32>, vector<256x4096xf32> -> vector<256x4096xf32>
    %mul3A_11 = arith.constant 2.000000e+00 : f32
    %mul3A_12 = vector.broadcast %mul3A_11 : f32 to vector<256x4096xf32>
    %mul3A_13 = arith.mulf %mul3A_12, %dot_general3A_10 : vector<256x4096xf32>
    %sub3A = vector.broadcast %broadcast_in_dim3A : vector<1x4096xf32> to vector<256x4096xf32>
    %sub3A_14 = arith.subf %sub3A, %mul3A_13 : vector<256x4096xf32>
    %iota3A = tpu.iota {dimensions = array<i32: 1>} : vector<256x4096xi32>
    %convert_element_type3A = arith.sitofp %iota3A : vector<256x4096xi32> to vector<256x4096xf32>
    %reduce_min3A = arith.constant dense<0x7F800000> : vector<256xf32>
    %reduce_min3A_15 = vector.multi_reduction <minimumf>, %sub3A_14, %reduce_min3A [1] : vector<256x4096xf32> to vector<256xf32>
    %broadcast_in_dim3A_16 = vector.shape_cast %reduce_min3A_15 : vector<256xf32> to vector<256x1xf32>
    %eq3A = vector.broadcast %broadcast_in_dim3A_16 : vector<256x1xf32> to vector<256x4096xf32>
    %eq3A_17 = arith.cmpf oeq, %sub3A_14, %eq3A : vector<256x4096xf32>
    %jit3A = arith.constant 4.096000e+03 : f32
    %broadcast_in_dim3A_18 = vector.broadcast %jit3A : f32 to vector<256x4096xf32>
    %select_n3A = arith.select %eq3A_17, %convert_element_type3A, %broadcast_in_dim3A_18 : vector<256x4096xi1>, vector<256x4096xf32>
    %reduce_min3A_19 = arith.constant dense<0x7F800000> : vector<256xf32>
    %reduce_min3A_20 = vector.multi_reduction <minimumf>, %select_n3A, %reduce_min3A_19 [1] : vector<256x4096xf32> to vector<256xf32>
    %broadcast_in_dim3A_21 = vector.shape_cast %reduce_min3A_20 : vector<256xf32> to vector<256x1xf32>
    %jit3A_22 = arith.constant 0x7F800000 : f32
    %broadcast_in_dim3A_23 = vector.broadcast %jit3A_22 : f32 to vector<256x4096xf32>
    %select_n3A_24 = arith.select %eq3A_17, %broadcast_in_dim3A_23, %sub3A_14 : vector<256x4096xi1>, vector<256x4096xf32>
    %reduce_min3A_25 = arith.constant dense<0x7F800000> : vector<256xf32>
    %reduce_min3A_26 = vector.multi_reduction <minimumf>, %select_n3A_24, %reduce_min3A_25 [1] : vector<256x4096xf32> to vector<256xf32>
    %broadcast_in_dim3A_27 = vector.shape_cast %reduce_min3A_26 : vector<256xf32> to vector<256x1xf32>
    %eq3A_28 = vector.broadcast %broadcast_in_dim3A_27 : vector<256x1xf32> to vector<256x4096xf32>
    %eq3A_29 = arith.cmpf oeq, %select_n3A_24, %eq3A_28 : vector<256x4096xf32>
    %jit3A_30 = arith.constant 4.096000e+03 : f32
    %broadcast_in_dim3A_31 = vector.broadcast %jit3A_30 : f32 to vector<256x4096xf32>
    %select_n3A_32 = arith.select %eq3A_29, %convert_element_type3A, %broadcast_in_dim3A_31 : vector<256x4096xi1>, vector<256x4096xf32>
    %reduce_min3A_33 = arith.constant dense<0x7F800000> : vector<256xf32>
    %reduce_min3A_34 = vector.multi_reduction <minimumf>, %select_n3A_32, %reduce_min3A_33 [1] : vector<256x4096xf32> to vector<256xf32>
    %broadcast_in_dim3A_35 = vector.shape_cast %reduce_min3A_34 : vector<256xf32> to vector<256x1xf32>
    %jit3A_36 = arith.constant 0x7F800000 : f32
    %broadcast_in_dim3A_37 = vector.broadcast %jit3A_36 : f32 to vector<256x4096xf32>
    %select_n3A_38 = arith.select %eq3A_29, %broadcast_in_dim3A_37, %select_n3A_24 : vector<256x4096xi1>, vector<256x4096xf32>
    %reduce_min3A_39 = arith.constant dense<0x7F800000> : vector<256xf32>
    %reduce_min3A_40 = vector.multi_reduction <minimumf>, %select_n3A_38, %reduce_min3A_39 [1] : vector<256x4096xf32> to vector<256xf32>
    %broadcast_in_dim3A_41 = vector.shape_cast %reduce_min3A_40 : vector<256xf32> to vector<256x1xf32>
    %eq3A_42 = vector.broadcast %broadcast_in_dim3A_41 : vector<256x1xf32> to vector<256x4096xf32>
    %eq3A_43 = arith.cmpf oeq, %select_n3A_38, %eq3A_42 : vector<256x4096xf32>
    %jit3A_44 = arith.constant 4.096000e+03 : f32
    %broadcast_in_dim3A_45 = vector.broadcast %jit3A_44 : f32 to vector<256x4096xf32>
    %select_n3A_46 = arith.select %eq3A_43, %convert_element_type3A, %broadcast_in_dim3A_45 : vector<256x4096xi1>, vector<256x4096xf32>
    %reduce_min3A_47 = arith.constant dense<0x7F800000> : vector<256xf32>
    %reduce_min3A_48 = vector.multi_reduction <minimumf>, %select_n3A_46, %reduce_min3A_47 [1] : vector<256x4096xf32> to vector<256xf32>
    %broadcast_in_dim3A_49 = vector.shape_cast %reduce_min3A_48 : vector<256xf32> to vector<256x1xf32>
    %jit3A_50 = arith.constant 0x7F800000 : f32
    %broadcast_in_dim3A_51 = vector.broadcast %jit3A_50 : f32 to vector<256x4096xf32>
    %select_n3A_52 = arith.select %eq3A_43, %broadcast_in_dim3A_51, %select_n3A_38 : vector<256x4096xi1>, vector<256x4096xf32>
    %reduce_min3A_53 = arith.constant dense<0x7F800000> : vector<256xf32>
    %reduce_min3A_54 = vector.multi_reduction <minimumf>, %select_n3A_52, %reduce_min3A_53 [1] : vector<256x4096xf32> to vector<256xf32>
    %broadcast_in_dim3A_55 = vector.shape_cast %reduce_min3A_54 : vector<256xf32> to vector<256x1xf32>
    %eq3A_56 = vector.broadcast %broadcast_in_dim3A_55 : vector<256x1xf32> to vector<256x4096xf32>
    %eq3A_57 = arith.cmpf oeq, %select_n3A_52, %eq3A_56 : vector<256x4096xf32>
    %jit3A_58 = arith.constant 4.096000e+03 : f32
    %broadcast_in_dim3A_59 = vector.broadcast %jit3A_58 : f32 to vector<256x4096xf32>
    %select_n3A_60 = arith.select %eq3A_57, %convert_element_type3A, %broadcast_in_dim3A_59 : vector<256x4096xi1>, vector<256x4096xf32>
    %reduce_min3A_61 = arith.constant dense<0x7F800000> : vector<256xf32>
    %reduce_min3A_62 = vector.multi_reduction <minimumf>, %select_n3A_60, %reduce_min3A_61 [1] : vector<256x4096xf32> to vector<256xf32>
    %broadcast_in_dim3A_63 = vector.shape_cast %reduce_min3A_62 : vector<256xf32> to vector<256x1xf32>
    %jit3A_64 = arith.constant 0x7F800000 : f32
    %broadcast_in_dim3A_65 = vector.broadcast %jit3A_64 : f32 to vector<256x4096xf32>
    %select_n3A_66 = arith.select %eq3A_57, %broadcast_in_dim3A_65, %select_n3A_52 : vector<256x4096xi1>, vector<256x4096xf32>
    %reduce_min3A_67 = arith.constant dense<0x7F800000> : vector<256xf32>
    %reduce_min3A_68 = vector.multi_reduction <minimumf>, %select_n3A_66, %reduce_min3A_67 [1] : vector<256x4096xf32> to vector<256xf32>
    %broadcast_in_dim3A_69 = vector.shape_cast %reduce_min3A_68 : vector<256xf32> to vector<256x1xf32>
    %eq3A_70 = vector.broadcast %broadcast_in_dim3A_69 : vector<256x1xf32> to vector<256x4096xf32>
    %eq3A_71 = arith.cmpf oeq, %select_n3A_66, %eq3A_70 : vector<256x4096xf32>
    %jit3A_72 = arith.constant 4.096000e+03 : f32
    %broadcast_in_dim3A_73 = vector.broadcast %jit3A_72 : f32 to vector<256x4096xf32>
    %select_n3A_74 = arith.select %eq3A_71, %convert_element_type3A, %broadcast_in_dim3A_73 : vector<256x4096xi1>, vector<256x4096xf32>
    %reduce_min3A_75 = arith.constant dense<0x7F800000> : vector<256xf32>
    %reduce_min3A_76 = vector.multi_reduction <minimumf>, %select_n3A_74, %reduce_min3A_75 [1] : vector<256x4096xf32> to vector<256xf32>
    %broadcast_in_dim3A_77 = vector.shape_cast %reduce_min3A_76 : vector<256xf32> to vector<256x1xf32>
    %jit3A_78 = arith.constant 0x7F800000 : f32
    %broadcast_in_dim3A_79 = vector.broadcast %jit3A_78 : f32 to vector<256x4096xf32>
    %select_n3A_80 = arith.select %eq3A_71, %broadcast_in_dim3A_79, %select_n3A_66 : vector<256x4096xi1>, vector<256x4096xf32>
    %reduce_min3A_81 = arith.constant dense<0x7F800000> : vector<256xf32>
    %reduce_min3A_82 = vector.multi_reduction <minimumf>, %select_n3A_80, %reduce_min3A_81 [1] : vector<256x4096xf32> to vector<256xf32>
    %broadcast_in_dim3A_83 = vector.shape_cast %reduce_min3A_82 : vector<256xf32> to vector<256x1xf32>
    %eq3A_84 = vector.broadcast %broadcast_in_dim3A_83 : vector<256x1xf32> to vector<256x4096xf32>
    %eq3A_85 = arith.cmpf oeq, %select_n3A_80, %eq3A_84 : vector<256x4096xf32>
    %jit3A_86 = arith.constant 4.096000e+03 : f32
    %broadcast_in_dim3A_87 = vector.broadcast %jit3A_86 : f32 to vector<256x4096xf32>
    %select_n3A_88 = arith.select %eq3A_85, %convert_element_type3A, %broadcast_in_dim3A_87 : vector<256x4096xi1>, vector<256x4096xf32>
    %reduce_min3A_89 = arith.constant dense<0x7F800000> : vector<256xf32>
    %reduce_min3A_90 = vector.multi_reduction <minimumf>, %select_n3A_88, %reduce_min3A_89 [1] : vector<256x4096xf32> to vector<256xf32>
    %broadcast_in_dim3A_91 = vector.shape_cast %reduce_min3A_90 : vector<256xf32> to vector<256x1xf32>
    %jit3A_92 = arith.constant 0x7F800000 : f32
    %broadcast_in_dim3A_93 = vector.broadcast %jit3A_92 : f32 to vector<256x4096xf32>
    %select_n3A_94 = arith.select %eq3A_85, %broadcast_in_dim3A_93, %select_n3A_80 : vector<256x4096xi1>, vector<256x4096xf32>
    %reduce_min3A_95 = arith.constant dense<0x7F800000> : vector<256xf32>
    %reduce_min3A_96 = vector.multi_reduction <minimumf>, %select_n3A_94, %reduce_min3A_95 [1] : vector<256x4096xf32> to vector<256xf32>
    %broadcast_in_dim3A_97 = vector.shape_cast %reduce_min3A_96 : vector<256xf32> to vector<256x1xf32>
    %eq3A_98 = vector.broadcast %broadcast_in_dim3A_97 : vector<256x1xf32> to vector<256x4096xf32>
    %eq3A_99 = arith.cmpf oeq, %select_n3A_94, %eq3A_98 : vector<256x4096xf32>
    %jit3A_100 = arith.constant 4.096000e+03 : f32
    %broadcast_in_dim3A_101 = vector.broadcast %jit3A_100 : f32 to vector<256x4096xf32>
    %select_n3A_102 = arith.select %eq3A_99, %convert_element_type3A, %broadcast_in_dim3A_101 : vector<256x4096xi1>, vector<256x4096xf32>
    %reduce_min3A_103 = arith.constant dense<0x7F800000> : vector<256xf32>
    %reduce_min3A_104 = vector.multi_reduction <minimumf>, %select_n3A_102, %reduce_min3A_103 [1] : vector<256x4096xf32> to vector<256xf32>
    %broadcast_in_dim3A_105 = vector.shape_cast %reduce_min3A_104 : vector<256xf32> to vector<256x1xf32>
    %jit3A_106 = arith.constant 0x7F800000 : f32
    %broadcast_in_dim3A_107 = vector.broadcast %jit3A_106 : f32 to vector<256x4096xf32>
    %select_n3A_108 = arith.select %eq3A_99, %broadcast_in_dim3A_107, %select_n3A_94 : vector<256x4096xi1>, vector<256x4096xf32>
    %reduce_min3A_109 = arith.constant dense<0x7F800000> : vector<256xf32>
    %reduce_min3A_110 = vector.multi_reduction <minimumf>, %select_n3A_108, %reduce_min3A_109 [1] : vector<256x4096xf32> to vector<256xf32>
    %broadcast_in_dim3A_111 = vector.shape_cast %reduce_min3A_110 : vector<256xf32> to vector<256x1xf32>
    %eq3A_112 = vector.broadcast %broadcast_in_dim3A_111 : vector<256x1xf32> to vector<256x4096xf32>
    %eq3A_113 = arith.cmpf oeq, %select_n3A_108, %eq3A_112 : vector<256x4096xf32>
    %jit3A_114 = arith.constant 4.096000e+03 : f32
    %broadcast_in_dim3A_115 = vector.broadcast %jit3A_114 : f32 to vector<256x4096xf32>
    %select_n3A_116 = arith.select %eq3A_113, %convert_element_type3A, %broadcast_in_dim3A_115 : vector<256x4096xi1>, vector<256x4096xf32>
    %reduce_min3A_117 = arith.constant dense<0x7F800000> : vector<256xf32>
    %reduce_min3A_118 = vector.multi_reduction <minimumf>, %select_n3A_116, %reduce_min3A_117 [1] : vector<256x4096xf32> to vector<256xf32>
    %broadcast_in_dim3A_119 = vector.shape_cast %reduce_min3A_118 : vector<256xf32> to vector<256x1xf32>
    %jit3A_120 = arith.constant 0x7F800000 : f32
    %broadcast_in_dim3A_121 = vector.broadcast %jit3A_120 : f32 to vector<256x4096xf32>
    %select_n3A_122 = arith.select %eq3A_113, %broadcast_in_dim3A_121, %select_n3A_108 : vector<256x4096xi1>, vector<256x4096xf32>
    %reduce_min3A_123 = arith.constant dense<0x7F800000> : vector<256xf32>
    %reduce_min3A_124 = vector.multi_reduction <minimumf>, %select_n3A_122, %reduce_min3A_123 [1] : vector<256x4096xf32> to vector<256xf32>
    %broadcast_in_dim3A_125 = vector.shape_cast %reduce_min3A_124 : vector<256xf32> to vector<256x1xf32>
    %eq3A_126 = vector.broadcast %broadcast_in_dim3A_125 : vector<256x1xf32> to vector<256x4096xf32>
    %eq3A_127 = arith.cmpf oeq, %select_n3A_122, %eq3A_126 : vector<256x4096xf32>
    %jit3A_128 = arith.constant 4.096000e+03 : f32
    %broadcast_in_dim3A_129 = vector.broadcast %jit3A_128 : f32 to vector<256x4096xf32>
    %select_n3A_130 = arith.select %eq3A_127, %convert_element_type3A, %broadcast_in_dim3A_129 : vector<256x4096xi1>, vector<256x4096xf32>
    %reduce_min3A_131 = arith.constant dense<0x7F800000> : vector<256xf32>
    %reduce_min3A_132 = vector.multi_reduction <minimumf>, %select_n3A_130, %reduce_min3A_131 [1] : vector<256x4096xf32> to vector<256xf32>
    %broadcast_in_dim3A_133 = vector.shape_cast %reduce_min3A_132 : vector<256xf32> to vector<256x1xf32>
    %jit3A_134 = arith.constant 0x7F800000 : f32
    %broadcast_in_dim3A_135 = vector.broadcast %jit3A_134 : f32 to vector<256x4096xf32>
    %select_n3A_136 = arith.select %eq3A_127, %broadcast_in_dim3A_135, %select_n3A_122 : vector<256x4096xi1>, vector<256x4096xf32>
    %reduce_min3A_137 = arith.constant dense<0x7F800000> : vector<256xf32>
    %reduce_min3A_138 = vector.multi_reduction <minimumf>, %select_n3A_136, %reduce_min3A_137 [1] : vector<256x4096xf32> to vector<256xf32>
    %broadcast_in_dim3A_139 = vector.shape_cast %reduce_min3A_138 : vector<256xf32> to vector<256x1xf32>
    %eq3A_140 = vector.broadcast %broadcast_in_dim3A_139 : vector<256x1xf32> to vector<256x4096xf32>
    %eq3A_141 = arith.cmpf oeq, %select_n3A_136, %eq3A_140 : vector<256x4096xf32>
    %jit3A_142 = arith.constant 4.096000e+03 : f32
    %broadcast_in_dim3A_143 = vector.broadcast %jit3A_142 : f32 to vector<256x4096xf32>
    %select_n3A_144 = arith.select %eq3A_141, %convert_element_type3A, %broadcast_in_dim3A_143 : vector<256x4096xi1>, vector<256x4096xf32>
    %reduce_min3A_145 = arith.constant dense<0x7F800000> : vector<256xf32>
    %reduce_min3A_146 = vector.multi_reduction <minimumf>, %select_n3A_144, %reduce_min3A_145 [1] : vector<256x4096xf32> to vector<256xf32>
    %broadcast_in_dim3A_147 = vector.shape_cast %reduce_min3A_146 : vector<256xf32> to vector<256x1xf32>
    %jit3A_148 = arith.constant 0x7F800000 : f32
    %broadcast_in_dim3A_149 = vector.broadcast %jit3A_148 : f32 to vector<256x4096xf32>
    %select_n3A_150 = arith.select %eq3A_141, %broadcast_in_dim3A_149, %select_n3A_136 : vector<256x4096xi1>, vector<256x4096xf32>
    %reduce_min3A_151 = arith.constant dense<0x7F800000> : vector<256xf32>
    %reduce_min3A_152 = vector.multi_reduction <minimumf>, %select_n3A_150, %reduce_min3A_151 [1] : vector<256x4096xf32> to vector<256xf32>
    %broadcast_in_dim3A_153 = vector.shape_cast %reduce_min3A_152 : vector<256xf32> to vector<256x1xf32>
    %eq3A_154 = vector.broadcast %broadcast_in_dim3A_153 : vector<256x1xf32> to vector<256x4096xf32>
    %eq3A_155 = arith.cmpf oeq, %select_n3A_150, %eq3A_154 : vector<256x4096xf32>
    %jit3A_156 = arith.constant 4.096000e+03 : f32
    %broadcast_in_dim3A_157 = vector.broadcast %jit3A_156 : f32 to vector<256x4096xf32>
    %select_n3A_158 = arith.select %eq3A_155, %convert_element_type3A, %broadcast_in_dim3A_157 : vector<256x4096xi1>, vector<256x4096xf32>
    %reduce_min3A_159 = arith.constant dense<0x7F800000> : vector<256xf32>
    %reduce_min3A_160 = vector.multi_reduction <minimumf>, %select_n3A_158, %reduce_min3A_159 [1] : vector<256x4096xf32> to vector<256xf32>
    %broadcast_in_dim3A_161 = vector.shape_cast %reduce_min3A_160 : vector<256xf32> to vector<256x1xf32>
    %jit3A_162 = arith.constant 0x7F800000 : f32
    %broadcast_in_dim3A_163 = vector.broadcast %jit3A_162 : f32 to vector<256x4096xf32>
    %select_n3A_164 = arith.select %eq3A_155, %broadcast_in_dim3A_163, %select_n3A_150 : vector<256x4096xi1>, vector<256x4096xf32>
    %reduce_min3A_165 = arith.constant dense<0x7F800000> : vector<256xf32>
    %reduce_min3A_166 = vector.multi_reduction <minimumf>, %select_n3A_164, %reduce_min3A_165 [1] : vector<256x4096xf32> to vector<256xf32>
    %broadcast_in_dim3A_167 = vector.shape_cast %reduce_min3A_166 : vector<256xf32> to vector<256x1xf32>
    %eq3A_168 = vector.broadcast %broadcast_in_dim3A_167 : vector<256x1xf32> to vector<256x4096xf32>
    %eq3A_169 = arith.cmpf oeq, %select_n3A_164, %eq3A_168 : vector<256x4096xf32>
    %jit3A_170 = arith.constant 4.096000e+03 : f32
    %broadcast_in_dim3A_171 = vector.broadcast %jit3A_170 : f32 to vector<256x4096xf32>
    %select_n3A_172 = arith.select %eq3A_169, %convert_element_type3A, %broadcast_in_dim3A_171 : vector<256x4096xi1>, vector<256x4096xf32>
    %reduce_min3A_173 = arith.constant dense<0x7F800000> : vector<256xf32>
    %reduce_min3A_174 = vector.multi_reduction <minimumf>, %select_n3A_172, %reduce_min3A_173 [1] : vector<256x4096xf32> to vector<256xf32>
    %broadcast_in_dim3A_175 = vector.shape_cast %reduce_min3A_174 : vector<256xf32> to vector<256x1xf32>
    %jit3A_176 = arith.constant 0x7F800000 : f32
    %broadcast_in_dim3A_177 = vector.broadcast %jit3A_176 : f32 to vector<256x4096xf32>
    %select_n3A_178 = arith.select %eq3A_169, %broadcast_in_dim3A_177, %select_n3A_164 : vector<256x4096xi1>, vector<256x4096xf32>
    %reduce_min3A_179 = arith.constant dense<0x7F800000> : vector<256xf32>
    %reduce_min3A_180 = vector.multi_reduction <minimumf>, %select_n3A_178, %reduce_min3A_179 [1] : vector<256x4096xf32> to vector<256xf32>
    %broadcast_in_dim3A_181 = vector.shape_cast %reduce_min3A_180 : vector<256xf32> to vector<256x1xf32>
    %eq3A_182 = vector.broadcast %broadcast_in_dim3A_181 : vector<256x1xf32> to vector<256x4096xf32>
    %eq3A_183 = arith.cmpf oeq, %select_n3A_178, %eq3A_182 : vector<256x4096xf32>
    %jit3A_184 = arith.constant 4.096000e+03 : f32
    %broadcast_in_dim3A_185 = vector.broadcast %jit3A_184 : f32 to vector<256x4096xf32>
    %select_n3A_186 = arith.select %eq3A_183, %convert_element_type3A, %broadcast_in_dim3A_185 : vector<256x4096xi1>, vector<256x4096xf32>
    %reduce_min3A_187 = arith.constant dense<0x7F800000> : vector<256xf32>
    %reduce_min3A_188 = vector.multi_reduction <minimumf>, %select_n3A_186, %reduce_min3A_187 [1] : vector<256x4096xf32> to vector<256xf32>
    %broadcast_in_dim3A_189 = vector.shape_cast %reduce_min3A_188 : vector<256xf32> to vector<256x1xf32>
    %jit3A_190 = arith.constant 0x7F800000 : f32
    %broadcast_in_dim3A_191 = vector.broadcast %jit3A_190 : f32 to vector<256x4096xf32>
    %select_n3A_192 = arith.select %eq3A_183, %broadcast_in_dim3A_191, %select_n3A_178 : vector<256x4096xi1>, vector<256x4096xf32>
    %reduce_min3A_193 = arith.constant dense<0x7F800000> : vector<256xf32>
    %reduce_min3A_194 = vector.multi_reduction <minimumf>, %select_n3A_192, %reduce_min3A_193 [1] : vector<256x4096xf32> to vector<256xf32>
    %broadcast_in_dim3A_195 = vector.shape_cast %reduce_min3A_194 : vector<256xf32> to vector<256x1xf32>
    %eq3A_196 = vector.broadcast %broadcast_in_dim3A_195 : vector<256x1xf32> to vector<256x4096xf32>
    %eq3A_197 = arith.cmpf oeq, %select_n3A_192, %eq3A_196 : vector<256x4096xf32>
    %jit3A_198 = arith.constant 4.096000e+03 : f32
    %broadcast_in_dim3A_199 = vector.broadcast %jit3A_198 : f32 to vector<256x4096xf32>
    %select_n3A_200 = arith.select %eq3A_197, %convert_element_type3A, %broadcast_in_dim3A_199 : vector<256x4096xi1>, vector<256x4096xf32>
    %reduce_min3A_201 = arith.constant dense<0x7F800000> : vector<256xf32>
    %reduce_min3A_202 = vector.multi_reduction <minimumf>, %select_n3A_200, %reduce_min3A_201 [1] : vector<256x4096xf32> to vector<256xf32>
    %broadcast_in_dim3A_203 = vector.shape_cast %reduce_min3A_202 : vector<256xf32> to vector<256x1xf32>
    %jit3A_204 = arith.constant 0x7F800000 : f32
    %broadcast_in_dim3A_205 = vector.broadcast %jit3A_204 : f32 to vector<256x4096xf32>
    %select_n3A_206 = arith.select %eq3A_197, %broadcast_in_dim3A_205, %select_n3A_192 : vector<256x4096xi1>, vector<256x4096xf32>
    %reduce_min3A_207 = arith.constant dense<0x7F800000> : vector<256xf32>
    %reduce_min3A_208 = vector.multi_reduction <minimumf>, %select_n3A_206, %reduce_min3A_207 [1] : vector<256x4096xf32> to vector<256xf32>
    %broadcast_in_dim3A_209 = vector.shape_cast %reduce_min3A_208 : vector<256xf32> to vector<256x1xf32>
    %eq3A_210 = vector.broadcast %broadcast_in_dim3A_209 : vector<256x1xf32> to vector<256x4096xf32>
    %eq3A_211 = arith.cmpf oeq, %select_n3A_206, %eq3A_210 : vector<256x4096xf32>
    %jit3A_212 = arith.constant 4.096000e+03 : f32
    %broadcast_in_dim3A_213 = vector.broadcast %jit3A_212 : f32 to vector<256x4096xf32>
    %select_n3A_214 = arith.select %eq3A_211, %convert_element_type3A, %broadcast_in_dim3A_213 : vector<256x4096xi1>, vector<256x4096xf32>
    %reduce_min3A_215 = arith.constant dense<0x7F800000> : vector<256xf32>
    %reduce_min3A_216 = vector.multi_reduction <minimumf>, %select_n3A_214, %reduce_min3A_215 [1] : vector<256x4096xf32> to vector<256xf32>
    %broadcast_in_dim3A_217 = vector.shape_cast %reduce_min3A_216 : vector<256xf32> to vector<256x1xf32>
    %jit3A_218 = arith.constant 0x7F800000 : f32
    %broadcast_in_dim3A_219 = vector.broadcast %jit3A_218 : f32 to vector<256x4096xf32>
    %select_n3A_220 = arith.select %eq3A_211, %broadcast_in_dim3A_219, %select_n3A_206 : vector<256x4096xi1>, vector<256x4096xf32>
    %reduce_min3A_221 = arith.constant dense<0x7F800000> : vector<256xf32>
    %reduce_min3A_222 = vector.multi_reduction <minimumf>, %select_n3A_220, %reduce_min3A_221 [1] : vector<256x4096xf32> to vector<256xf32>
    %broadcast_in_dim3A_223 = vector.shape_cast %reduce_min3A_222 : vector<256xf32> to vector<256x1xf32>
    %eq3A_224 = vector.broadcast %broadcast_in_dim3A_223 : vector<256x1xf32> to vector<256x4096xf32>
    %eq3A_225 = arith.cmpf oeq, %select_n3A_220, %eq3A_224 : vector<256x4096xf32>
    %jit3A_226 = arith.constant 4.096000e+03 : f32
    %broadcast_in_dim3A_227 = vector.broadcast %jit3A_226 : f32 to vector<256x4096xf32>
    %select_n3A_228 = arith.select %eq3A_225, %convert_element_type3A, %broadcast_in_dim3A_227 : vector<256x4096xi1>, vector<256x4096xf32>
    %reduce_min3A_229 = arith.constant dense<0x7F800000> : vector<256xf32>
    %reduce_min3A_230 = vector.multi_reduction <minimumf>, %select_n3A_228, %reduce_min3A_229 [1] : vector<256x4096xf32> to vector<256xf32>
    %broadcast_in_dim3A_231 = vector.shape_cast %reduce_min3A_230 : vector<256xf32> to vector<256x1xf32>
    %concatenate3A = tpu.concatenate %broadcast_in_dim3A_21, %broadcast_in_dim3A_35, %broadcast_in_dim3A_49, %broadcast_in_dim3A_63, %broadcast_in_dim3A_77, %broadcast_in_dim3A_91, %broadcast_in_dim3A_105, %broadcast_in_dim3A_119, %broadcast_in_dim3A_133, %broadcast_in_dim3A_147, %broadcast_in_dim3A_161, %broadcast_in_dim3A_175, %broadcast_in_dim3A_189, %broadcast_in_dim3A_203, %broadcast_in_dim3A_217, %broadcast_in_dim3A_231 in 1 : vector<256x1xf32>, vector<256x1xf32>, vector<256x1xf32>, vector<256x1xf32>, vector<256x1xf32>, vector<256x1xf32>, vector<256x1xf32>, vector<256x1xf32>, vector<256x1xf32>, vector<256x1xf32>, vector<256x1xf32>, vector<256x1xf32>, vector<256x1xf32>, vector<256x1xf32>, vector<256x1xf32>, vector<256x1xf32> -> vector<256x16xf32>
    %convert_element_type3A_232 = arith.fptosi %concatenate3A : vector<256x16xf32> to vector<256x16xi32>
    %add3A = arith.constant 0 : i32
    %add3A_233 = arith.addi %arg0, %add3A : i32
    %mul3A_234 = arith.constant 4096 : i32
    %mul3A_235 = arith.muli %add3A_233, %mul3A_234 : i32
    %add3A_236 = vector.broadcast %mul3A_235 : i32 to vector<256x16xi32>
    %add3A_237 = arith.addi %convert_element_type3A_232, %add3A_236 : vector<256x16xi32>
    %swap3A = arith.constant 0 : index
    %swap3A_238 = arith.constant 0 : index
    %swap3A_239 = arith.constant 0 : index
    %swap3A_240 = vector.load %arg4[%swap3A, %swap3A_238, %swap3A_239] : memref<1x256x16xi32, #tpu.memory_space<vmem>>, vector<1x256x16xi32>
    %swap3A_241 = vector.shape_cast %swap3A_240 : vector<1x256x16xi32> to vector<256x16xi32>
    %swap3A_242 = vector.shape_cast %add3A_237 : vector<256x16xi32> to vector<1x256x16xi32>
    tpu.vector_store %arg4[%swap3A, %swap3A_238, %swap3A_239], %swap3A_242 {strides = array<i32>} : memref<1x256x16xi32, #tpu.memory_space<vmem>>, vector<1x256x16xi32>,
    return
  }
  func.func @transform_0(%arg0: i32, %arg1: i32) -> (i32, i32, i32) {
    %c0_i32 = arith.constant 0 : i32
    %c0_i32_0 = arith.constant 0 : i32
    %c0_i32_1 = arith.constant 0 : i32
    return %arg0, %c0_i32, %c0_i32_0 : i32, i32, i32
  }
  func.func @transform_1(%arg0: i32, %arg1: i32) -> (i32, i32, i32) {
    %c0_i32 = arith.constant 0 : i32
    %c0_i32_0 = arith.constant 0 : i32
    return %arg0, %arg1, %c0_i32 : i32, i32, i32
  }
  func.func @transform_2(%arg0: i32, %arg1: i32) -> (i32, i32, i32) {
    %c0_i32 = arith.constant 0 : i32
    %c0_i32_0 = arith.constant 0 : i32
    return %arg0, %arg1, %c0_i32 : i32, i32, i32
  }
}

module attributes {stable_mosaic.version = 14 : i64} {
  func.func @_topk_body(%arg0: i32, %arg1: i32, %arg2: memref<1x8x4096xf32, #tpu.memory_space<vmem>>, %arg3: memref<1x256x256xf32, #tpu.memory_space<vmem>>, %arg4: memref<1x256x16xi32, #tpu.memory_space<vmem>>) attributes {dimension_semantics = [#tpu.dimension_semantics<parallel>, #tpu.dimension_semantics<parallel>], iteration_bounds = array<i64: 2, 4>, scalar_prefetch = 0 : i64, scratch_operands = 0 : i64, tpu.core_type = #tpu.core_type<tc>, window_params = [{transform_indices = @transform_0, window_bounds = array<i64: 1, 8, 4096>}, {transform_indices = @transform_1, window_bounds = array<i64: 1, 256, 256>}, {transform_indices = @transform_2, window_bounds = array<i64: 1, 256, 16>}]} {
    %get3A = arith.constant 0 : index
    %get3A_0 = arith.constant 0 : index
    %get3A_1 = arith.constant 0 : index
    %get3A_2 = vector.load %arg2[%get3A, %get3A_0, %get3A_1] : memref<1x8x4096xf32, #tpu.memory_space<vmem>>, vector<1x8x4096xf32>
    %get3A_3 = vector.shape_cast %get3A_2 : vector<1x8x4096xf32> to vector<8x4096xf32>
    %get3A_4 = arith.constant 0 : index
    %get3A_5 = arith.constant 0 : index
    %get3A_6 = arith.constant 0 : index
    %get3A_7 = vector.load %arg3[%get3A_4, %get3A_5, %get3A_6] : memref<1x256x256xf32, #tpu.memory_space<vmem>>, vector<1x256x256xf32>
    %get3A_8 = vector.shape_cast %get3A_7 : vector<1x256x256xf32> to vector<256x256xf32>
    %slice3A = vector.extract_strided_slice %get3A_8 {offsets = [0, 128], sizes = [256, 8], strides = [1, 1]} : vector<256x256xf32> to vector<256x8xf32>
    %mul3A = arith.mulf %get3A_3, %get3A_3 : vector<8x4096xf32>
    %reduce_sum3A = arith.constant dense<0.000000e+00> : vector<4096xf32>
    %reduce_sum3A_9 = vector.multi_reduction <add>, %mul3A, %reduce_sum3A [0] : vector<8x4096xf32> to vector<4096xf32>
    %broadcast_in_dim3A = vector.shape_cast %reduce_sum3A_9 : vector<4096xf32> to vector<1x4096xf32>
    %dot_general3A = arith.constant dense<0.000000e+00> : vector<256x4096xf32>
    %dot_general3A_10 = tpu.matmul %slice3A, %get3A_3, %dot_general3A {dimension_numbers = #tpu.dot_dimension_numbers<[1], [0], [0], [1], [0, 0, 1, 1], [], []>, precision = #tpu.contract_precision<fp32>, transpose_lhs_hint = false} : vector<256x8xf32>, vector<8x4096xf32>, vector<256x4096xf32> -> vector<256x4096xf32>
    %mul3A_11 = arith.constant 2.000000e+00 : f32
    %mul3A_12 = vector.broadcast %mul3A_11 : f32 to vector<256x4096xf32>
    %mul3A_13 = arith.mulf %mul3A_12, %dot_general3A_10 : vector<256x4096xf32>
    %sub3A = vector.broadcast %broadcast_in_dim3A : vector<1x4096xf32> to vector<256x4096xf32>
    %sub3A_14 = arith.subf %sub3A, %mul3A_13 : vector<256x4096xf32>
    %iota3A = tpu.iota {dimensions = array<i32: 1>} : vector<256x4096xi32>
    %convert_element_type3A = arith.sitofp %iota3A : vector<256x4096xi32> to vector<256x4096xf32>
    %reduce_min3A = arith.constant dense<0x7F800000> : vector<256xf32>
    %reduce_min3A_15 = vector.multi_reduction <minimumf>, %sub3A_14, %reduce_min3A [1] : vector<256x4096xf32> to vector<256xf32>
    %broadcast_in_dim3A_16 = vector.shape_cast %reduce_min3A_15 : vector<256xf32> to vector<256x1xf32>
    %eq3A = vector.broadcast %broadcast_in_dim3A_16 : vector<256x1xf32> to vector<256x4096xf32>
    %eq3A_17 = arith.cmpf oeq, %sub3A_14, %eq3A : vector<256x4096xf32>
    %jit3A = arith.constant 4.096000e+03 : f32
    %broadcast_in_dim3A_18 = vector.broadcast %jit3A : f32 to vector<256x4096xf32>
    %select_n3A = arith.select %eq3A_17, %convert_element_type3A, %broadcast_in_dim3A_18 : vector<256x4096xi1>, vector<256x4096xf32>
    %reduce_min3A_19 = arith.constant dense<0x7F800000> : vector<256xf32>
    %reduce_min3A_20 = vector.multi_reduction <minimumf>, %select_n3A, %reduce_min3A_19 [1] : vector<256x4096xf32> to vector<256xf32>
    %broadcast_in_dim3A_21 = vector.shape_cast %reduce_min3A_20 : vector<256xf32> to vector<256x1xf32>
    %jit3A_22 = arith.constant 0x7F800000 : f32
    %broadcast_in_dim3A_23 = vector.broadcast %jit3A_22 : f32 to vector<256x4096xf32>
    %select_n3A_24 = arith.select %eq3A_17, %broadcast_in_dim3A_23, %sub3A_14 : vector<256x4096xi1>, vector<256x4096xf32>
    %reduce_min3A_25 = arith.constant dense<0x7F800000> : vector<256xf32>
    %reduce_min3A_26 = vector.multi_reduction <minimumf>, %select_n3A_24, %reduce_min3A_25 [1] : vector<256x4096xf32> to vector<256xf32>
    %broadcast_in_dim3A_27 = vector.shape_cast %reduce_min3A_26 : vector<256xf32> to vector<256x1xf32>
    %eq3A_28 = vector.broadcast %broadcast_in_dim3A_27 : vector<256x1xf32> to vector<256x4096xf32>
    %eq3A_29 = arith.cmpf oeq, %select_n3A_24, %eq3A_28 : vector<256x4096xf32>
    %jit3A_30 = arith.constant 4.096000e+03 : f32
    %broadcast_in_dim3A_31 = vector.broadcast %jit3A_30 : f32 to vector<256x4096xf32>
    %select_n3A_32 = arith.select %eq3A_29, %convert_element_type3A, %broadcast_in_dim3A_31 : vector<256x4096xi1>, vector<256x4096xf32>
    %reduce_min3A_33 = arith.constant dense<0x7F800000> : vector<256xf32>
    %reduce_min3A_34 = vector.multi_reduction <minimumf>, %select_n3A_32, %reduce_min3A_33 [1] : vector<256x4096xf32> to vector<256xf32>
    %broadcast_in_dim3A_35 = vector.shape_cast %reduce_min3A_34 : vector<256xf32> to vector<256x1xf32>
    %jit3A_36 = arith.constant 0x7F800000 : f32
    %broadcast_in_dim3A_37 = vector.broadcast %jit3A_36 : f32 to vector<256x4096xf32>
    %select_n3A_38 = arith.select %eq3A_29, %broadcast_in_dim3A_37, %select_n3A_24 : vector<256x4096xi1>, vector<256x4096xf32>
    %reduce_min3A_39 = arith.constant dense<0x7F800000> : vector<256xf32>
    %reduce_min3A_40 = vector.multi_reduction <minimumf>, %select_n3A_38, %reduce_min3A_39 [1] : vector<256x4096xf32> to vector<256xf32>
    %broadcast_in_dim3A_41 = vector.shape_cast %reduce_min3A_40 : vector<256xf32> to vector<256x1xf32>
    %eq3A_42 = vector.broadcast %broadcast_in_dim3A_41 : vector<256x1xf32> to vector<256x4096xf32>
    %eq3A_43 = arith.cmpf oeq, %select_n3A_38, %eq3A_42 : vector<256x4096xf32>
    %jit3A_44 = arith.constant 4.096000e+03 : f32
    %broadcast_in_dim3A_45 = vector.broadcast %jit3A_44 : f32 to vector<256x4096xf32>
    %select_n3A_46 = arith.select %eq3A_43, %convert_element_type3A, %broadcast_in_dim3A_45 : vector<256x4096xi1>, vector<256x4096xf32>
    %reduce_min3A_47 = arith.constant dense<0x7F800000> : vector<256xf32>
    %reduce_min3A_48 = vector.multi_reduction <minimumf>, %select_n3A_46, %reduce_min3A_47 [1] : vector<256x4096xf32> to vector<256xf32>
    %broadcast_in_dim3A_49 = vector.shape_cast %reduce_min3A_48 : vector<256xf32> to vector<256x1xf32>
    %jit3A_50 = arith.constant 0x7F800000 : f32
    %broadcast_in_dim3A_51 = vector.broadcast %jit3A_50 : f32 to vector<256x4096xf32>
    %select_n3A_52 = arith.select %eq3A_43, %broadcast_in_dim3A_51, %select_n3A_38 : vector<256x4096xi1>, vector<256x4096xf32>
    %reduce_min3A_53 = arith.constant dense<0x7F800000> : vector<256xf32>
    %reduce_min3A_54 = vector.multi_reduction <minimumf>, %select_n3A_52, %reduce_min3A_53 [1] : vector<256x4096xf32> to vector<256xf32>
    %broadcast_in_dim3A_55 = vector.shape_cast %reduce_min3A_54 : vector<256xf32> to vector<256x1xf32>
    %eq3A_56 = vector.broadcast %broadcast_in_dim3A_55 : vector<256x1xf32> to vector<256x4096xf32>
    %eq3A_57 = arith.cmpf oeq, %select_n3A_52, %eq3A_56 : vector<256x4096xf32>
    %jit3A_58 = arith.constant 4.096000e+03 : f32
    %broadcast_in_dim3A_59 = vector.broadcast %jit3A_58 : f32 to vector<256x4096xf32>
    %select_n3A_60 = arith.select %eq3A_57, %convert_element_type3A, %broadcast_in_dim3A_59 : vector<256x4096xi1>, vector<256x4096xf32>
    %reduce_min3A_61 = arith.constant dense<0x7F800000> : vector<256xf32>
    %reduce_min3A_62 = vector.multi_reduction <minimumf>, %select_n3A_60, %reduce_min3A_61 [1] : vector<256x4096xf32> to vector<256xf32>
    %broadcast_in_dim3A_63 = vector.shape_cast %reduce_min3A_62 : vector<256xf32> to vector<256x1xf32>
    %jit3A_64 = arith.constant 0x7F800000 : f32
    %broadcast_in_dim3A_65 = vector.broadcast %jit3A_64 : f32 to vector<256x4096xf32>
    %select_n3A_66 = arith.select %eq3A_57, %broadcast_in_dim3A_65, %select_n3A_52 : vector<256x4096xi1>, vector<256x4096xf32>
    %reduce_min3A_67 = arith.constant dense<0x7F800000> : vector<256xf32>
    %reduce_min3A_68 = vector.multi_reduction <minimumf>, %select_n3A_66, %reduce_min3A_67 [1] : vector<256x4096xf32> to vector<256xf32>
    %broadcast_in_dim3A_69 = vector.shape_cast %reduce_min3A_68 : vector<256xf32> to vector<256x1xf32>
    %eq3A_70 = vector.broadcast %broadcast_in_dim3A_69 : vector<256x1xf32> to vector<256x4096xf32>
    %eq3A_71 = arith.cmpf oeq, %select_n3A_66, %eq3A_70 : vector<256x4096xf32>
    %jit3A_72 = arith.constant 4.096000e+03 : f32
    %broadcast_in_dim3A_73 = vector.broadcast %jit3A_72 : f32 to vector<256x4096xf32>
    %select_n3A_74 = arith.select %eq3A_71, %convert_element_type3A, %broadcast_in_dim3A_73 : vector<256x4096xi1>, vector<256x4096xf32>
    %reduce_min3A_75 = arith.constant dense<0x7F800000> : vector<256xf32>
    %reduce_min3A_76 = vector.multi_reduction <minimumf>, %select_n3A_74, %reduce_min3A_75 [1] : vector<256x4096xf32> to vector<256xf32>
    %broadcast_in_dim3A_77 = vector.shape_cast %reduce_min3A_76 : vector<256xf32> to vector<256x1xf32>
    %jit3A_78 = arith.constant 0x7F800000 : f32
    %broadcast_in_dim3A_79 = vector.broadcast %jit3A_78 : f32 to vector<256x4096xf32>
    %select_n3A_80 = arith.select %eq3A_71, %broadcast_in_dim3A_79, %select_n3A_66 : vector<256x4096xi1>, vector<256x4096xf32>
    %reduce_min3A_81 = arith.constant dense<0x7F800000> : vector<256xf32>
    %reduce_min3A_82 = vector.multi_reduction <minimumf>, %select_n3A_80, %reduce_min3A_81 [1] : vector<256x4096xf32> to vector<256xf32>
    %broadcast_in_dim3A_83 = vector.shape_cast %reduce_min3A_82 : vector<256xf32> to vector<256x1xf32>
    %eq3A_84 = vector.broadcast %broadcast_in_dim3A_83 : vector<256x1xf32> to vector<256x4096xf32>
    %eq3A_85 = arith.cmpf oeq, %select_n3A_80, %eq3A_84 : vector<256x4096xf32>
    %jit3A_86 = arith.constant 4.096000e+03 : f32
    %broadcast_in_dim3A_87 = vector.broadcast %jit3A_86 : f32 to vector<256x4096xf32>
    %select_n3A_88 = arith.select %eq3A_85, %convert_element_type3A, %broadcast_in_dim3A_87 : vector<256x4096xi1>, vector<256x4096xf32>
    %reduce_min3A_89 = arith.constant dense<0x7F800000> : vector<256xf32>
    %reduce_min3A_90 = vector.multi_reduction <minimumf>, %select_n3A_88, %reduce_min3A_89 [1] : vector<256x4096xf32> to vector<256xf32>
    %broadcast_in_dim3A_91 = vector.shape_cast %reduce_min3A_90 : vector<256xf32> to vector<256x1xf32>
    %jit3A_92 = arith.constant 0x7F800000 : f32
    %broadcast_in_dim3A_93 = vector.broadcast %jit3A_92 : f32 to vector<256x4096xf32>
    %select_n3A_94 = arith.select %eq3A_85, %broadcast_in_dim3A_93, %select_n3A_80 : vector<256x4096xi1>, vector<256x4096xf32>
    %reduce_min3A_95 = arith.constant dense<0x7F800000> : vector<256xf32>
    %reduce_min3A_96 = vector.multi_reduction <minimumf>, %select_n3A_94, %reduce_min3A_95 [1] : vector<256x4096xf32> to vector<256xf32>
    %broadcast_in_dim3A_97 = vector.shape_cast %reduce_min3A_96 : vector<256xf32> to vector<256x1xf32>
    %eq3A_98 = vector.broadcast %broadcast_in_dim3A_97 : vector<256x1xf32> to vector<256x4096xf32>
    %eq3A_99 = arith.cmpf oeq, %select_n3A_94, %eq3A_98 : vector<256x4096xf32>
    %jit3A_100 = arith.constant 4.096000e+03 : f32
    %broadcast_in_dim3A_101 = vector.broadcast %jit3A_100 : f32 to vector<256x4096xf32>
    %select_n3A_102 = arith.select %eq3A_99, %convert_element_type3A, %broadcast_in_dim3A_101 : vector<256x4096xi1>, vector<256x4096xf32>
    %reduce_min3A_103 = arith.constant dense<0x7F800000> : vector<256xf32>
    %reduce_min3A_104 = vector.multi_reduction <minimumf>, %select_n3A_102, %reduce_min3A_103 [1] : vector<256x4096xf32> to vector<256xf32>
    %broadcast_in_dim3A_105 = vector.shape_cast %reduce_min3A_104 : vector<256xf32> to vector<256x1xf32>
    %jit3A_106 = arith.constant 0x7F800000 : f32
    %broadcast_in_dim3A_107 = vector.broadcast %jit3A_106 : f32 to vector<256x4096xf32>
    %select_n3A_108 = arith.select %eq3A_99, %broadcast_in_dim3A_107, %select_n3A_94 : vector<256x4096xi1>, vector<256x4096xf32>
    %reduce_min3A_109 = arith.constant dense<0x7F800000> : vector<256xf32>
    %reduce_min3A_110 = vector.multi_reduction <minimumf>, %select_n3A_108, %reduce_min3A_109 [1] : vector<256x4096xf32> to vector<256xf32>
    %broadcast_in_dim3A_111 = vector.shape_cast %reduce_min3A_110 : vector<256xf32> to vector<256x1xf32>
    %eq3A_112 = vector.broadcast %broadcast_in_dim3A_111 : vector<256x1xf32> to vector<256x4096xf32>
    %eq3A_113 = arith.cmpf oeq, %select_n3A_108, %eq3A_112 : vector<256x4096xf32>
    %jit3A_114 = arith.constant 4.096000e+03 : f32
    %broadcast_in_dim3A_115 = vector.broadcast %jit3A_114 : f32 to vector<256x4096xf32>
    %select_n3A_116 = arith.select %eq3A_113, %convert_element_type3A, %broadcast_in_dim3A_115 : vector<256x4096xi1>, vector<256x4096xf32>
    %reduce_min3A_117 = arith.constant dense<0x7F800000> : vector<256xf32>
    %reduce_min3A_118 = vector.multi_reduction <minimumf>, %select_n3A_116, %reduce_min3A_117 [1] : vector<256x4096xf32> to vector<256xf32>
    %broadcast_in_dim3A_119 = vector.shape_cast %reduce_min3A_118 : vector<256xf32> to vector<256x1xf32>
    %jit3A_120 = arith.constant 0x7F800000 : f32
    %broadcast_in_dim3A_121 = vector.broadcast %jit3A_120 : f32 to vector<256x4096xf32>
    %select_n3A_122 = arith.select %eq3A_113, %broadcast_in_dim3A_121, %select_n3A_108 : vector<256x4096xi1>, vector<256x4096xf32>
    %reduce_min3A_123 = arith.constant dense<0x7F800000> : vector<256xf32>
    %reduce_min3A_124 = vector.multi_reduction <minimumf>, %select_n3A_122, %reduce_min3A_123 [1] : vector<256x4096xf32> to vector<256xf32>
    %broadcast_in_dim3A_125 = vector.shape_cast %reduce_min3A_124 : vector<256xf32> to vector<256x1xf32>
    %eq3A_126 = vector.broadcast %broadcast_in_dim3A_125 : vector<256x1xf32> to vector<256x4096xf32>
    %eq3A_127 = arith.cmpf oeq, %select_n3A_122, %eq3A_126 : vector<256x4096xf32>
    %jit3A_128 = arith.constant 4.096000e+03 : f32
    %broadcast_in_dim3A_129 = vector.broadcast %jit3A_128 : f32 to vector<256x4096xf32>
    %select_n3A_130 = arith.select %eq3A_127, %convert_element_type3A, %broadcast_in_dim3A_129 : vector<256x4096xi1>, vector<256x4096xf32>
    %reduce_min3A_131 = arith.constant dense<0x7F800000> : vector<256xf32>
    %reduce_min3A_132 = vector.multi_reduction <minimumf>, %select_n3A_130, %reduce_min3A_131 [1] : vector<256x4096xf32> to vector<256xf32>
    %broadcast_in_dim3A_133 = vector.shape_cast %reduce_min3A_132 : vector<256xf32> to vector<256x1xf32>
    %jit3A_134 = arith.constant 0x7F800000 : f32
    %broadcast_in_dim3A_135 = vector.broadcast %jit3A_134 : f32 to vector<256x4096xf32>
    %select_n3A_136 = arith.select %eq3A_127, %broadcast_in_dim3A_135, %select_n3A_122 : vector<256x4096xi1>, vector<256x4096xf32>
    %reduce_min3A_137 = arith.constant dense<0x7F800000> : vector<256xf32>
    %reduce_min3A_138 = vector.multi_reduction <minimumf>, %select_n3A_136, %reduce_min3A_137 [1] : vector<256x4096xf32> to vector<256xf32>
    %broadcast_in_dim3A_139 = vector.shape_cast %reduce_min3A_138 : vector<256xf32> to vector<256x1xf32>
    %eq3A_140 = vector.broadcast %broadcast_in_dim3A_139 : vector<256x1xf32> to vector<256x4096xf32>
    %eq3A_141 = arith.cmpf oeq, %select_n3A_136, %eq3A_140 : vector<256x4096xf32>
    %jit3A_142 = arith.constant 4.096000e+03 : f32
    %broadcast_in_dim3A_143 = vector.broadcast %jit3A_142 : f32 to vector<256x4096xf32>
    %select_n3A_144 = arith.select %eq3A_141, %convert_element_type3A, %broadcast_in_dim3A_143 : vector<256x4096xi1>, vector<256x4096xf32>
    %reduce_min3A_145 = arith.constant dense<0x7F800000> : vector<256xf32>
    %reduce_min3A_146 = vector.multi_reduction <minimumf>, %select_n3A_144, %reduce_min3A_145 [1] : vector<256x4096xf32> to vector<256xf32>
    %broadcast_in_dim3A_147 = vector.shape_cast %reduce_min3A_146 : vector<256xf32> to vector<256x1xf32>
    %jit3A_148 = arith.constant 0x7F800000 : f32
    %broadcast_in_dim3A_149 = vector.broadcast %jit3A_148 : f32 to vector<256x4096xf32>
    %select_n3A_150 = arith.select %eq3A_141, %broadcast_in_dim3A_149, %select_n3A_136 : vector<256x4096xi1>, vector<256x4096xf32>
    %reduce_min3A_151 = arith.constant dense<0x7F800000> : vector<256xf32>
    %reduce_min3A_152 = vector.multi_reduction <minimumf>, %select_n3A_150, %reduce_min3A_151 [1] : vector<256x4096xf32> to vector<256xf32>
    %broadcast_in_dim3A_153 = vector.shape_cast %reduce_min3A_152 : vector<256xf32> to vector<256x1xf32>
    %eq3A_154 = vector.broadcast %broadcast_in_dim3A_153 : vector<256x1xf32> to vector<256x4096xf32>
    %eq3A_155 = arith.cmpf oeq, %select_n3A_150, %eq3A_154 : vector<256x4096xf32>
    %jit3A_156 = arith.constant 4.096000e+03 : f32
    %broadcast_in_dim3A_157 = vector.broadcast %jit3A_156 : f32 to vector<256x4096xf32>
    %select_n3A_158 = arith.select %eq3A_155, %convert_element_type3A, %broadcast_in_dim3A_157 : vector<256x4096xi1>, vector<256x4096xf32>
    %reduce_min3A_159 = arith.constant dense<0x7F800000> : vector<256xf32>
    %reduce_min3A_160 = vector.multi_reduction <minimumf>, %select_n3A_158, %reduce_min3A_159 [1] : vector<256x4096xf32> to vector<256xf32>
    %broadcast_in_dim3A_161 = vector.shape_cast %reduce_min3A_160 : vector<256xf32> to vector<256x1xf32>
    %jit3A_162 = arith.constant 0x7F800000 : f32
    %broadcast_in_dim3A_163 = vector.broadcast %jit3A_162 : f32 to vector<256x4096xf32>
    %select_n3A_164 = arith.select %eq3A_155, %broadcast_in_dim3A_163, %select_n3A_150 : vector<256x4096xi1>, vector<256x4096xf32>
    %reduce_min3A_165 = arith.constant dense<0x7F800000> : vector<256xf32>
    %reduce_min3A_166 = vector.multi_reduction <minimumf>, %select_n3A_164, %reduce_min3A_165 [1] : vector<256x4096xf32> to vector<256xf32>
    %broadcast_in_dim3A_167 = vector.shape_cast %reduce_min3A_166 : vector<256xf32> to vector<256x1xf32>
    %eq3A_168 = vector.broadcast %broadcast_in_dim3A_167 : vector<256x1xf32> to vector<256x4096xf32>
    %eq3A_169 = arith.cmpf oeq, %select_n3A_164, %eq3A_168 : vector<256x4096xf32>
    %jit3A_170 = arith.constant 4.096000e+03 : f32
    %broadcast_in_dim3A_171 = vector.broadcast %jit3A_170 : f32 to vector<256x4096xf32>
    %select_n3A_172 = arith.select %eq3A_169, %convert_element_type3A, %broadcast_in_dim3A_171 : vector<256x4096xi1>, vector<256x4096xf32>
    %reduce_min3A_173 = arith.constant dense<0x7F800000> : vector<256xf32>
    %reduce_min3A_174 = vector.multi_reduction <minimumf>, %select_n3A_172, %reduce_min3A_173 [1] : vector<256x4096xf32> to vector<256xf32>
    %broadcast_in_dim3A_175 = vector.shape_cast %reduce_min3A_174 : vector<256xf32> to vector<256x1xf32>
    %jit3A_176 = arith.constant 0x7F800000 : f32
    %broadcast_in_dim3A_177 = vector.broadcast %jit3A_176 : f32 to vector<256x4096xf32>
    %select_n3A_178 = arith.select %eq3A_169, %broadcast_in_dim3A_177, %select_n3A_164 : vector<256x4096xi1>, vector<256x4096xf32>
    %reduce_min3A_179 = arith.constant dense<0x7F800000> : vector<256xf32>
    %reduce_min3A_180 = vector.multi_reduction <minimumf>, %select_n3A_178, %reduce_min3A_179 [1] : vector<256x4096xf32> to vector<256xf32>
    %broadcast_in_dim3A_181 = vector.shape_cast %reduce_min3A_180 : vector<256xf32> to vector<256x1xf32>
    %eq3A_182 = vector.broadcast %broadcast_in_dim3A_181 : vector<256x1xf32> to vector<256x4096xf32>
    %eq3A_183 = arith.cmpf oeq, %select_n3A_178, %eq3A_182 : vector<256x4096xf32>
    %jit3A_184 = arith.constant 4.096000e+03 : f32
    %broadcast_in_dim3A_185 = vector.broadcast %jit3A_184 : f32 to vector<256x4096xf32>
    %select_n3A_186 = arith.select %eq3A_183, %convert_element_type3A, %broadcast_in_dim3A_185 : vector<256x4096xi1>, vector<256x4096xf32>
    %reduce_min3A_187 = arith.constant dense<0x7F800000> : vector<256xf32>
    %reduce_min3A_188 = vector.multi_reduction <minimumf>, %select_n3A_186, %reduce_min3A_187 [1] : vector<256x4096xf32> to vector<256xf32>
    %broadcast_in_dim3A_189 = vector.shape_cast %reduce_min3A_188 : vector<256xf32> to vector<256x1xf32>
    %jit3A_190 = arith.constant 0x7F800000 : f32
    %broadcast_in_dim3A_191 = vector.broadcast %jit3A_190 : f32 to vector<256x4096xf32>
    %select_n3A_192 = arith.select %eq3A_183, %broadcast_in_dim3A_191, %select_n3A_178 : vector<256x4096xi1>, vector<256x4096xf32>
    %reduce_min3A_193 = arith.constant dense<0x7F800000> : vector<256xf32>
    %reduce_min3A_194 = vector.multi_reduction <minimumf>, %select_n3A_192, %reduce_min3A_193 [1] : vector<256x4096xf32> to vector<256xf32>
    %broadcast_in_dim3A_195 = vector.shape_cast %reduce_min3A_194 : vector<256xf32> to vector<256x1xf32>
    %eq3A_196 = vector.broadcast %broadcast_in_dim3A_195 : vector<256x1xf32> to vector<256x4096xf32>
    %eq3A_197 = arith.cmpf oeq, %select_n3A_192, %eq3A_196 : vector<256x4096xf32>
    %jit3A_198 = arith.constant 4.096000e+03 : f32
    %broadcast_in_dim3A_199 = vector.broadcast %jit3A_198 : f32 to vector<256x4096xf32>
    %select_n3A_200 = arith.select %eq3A_197, %convert_element_type3A, %broadcast_in_dim3A_199 : vector<256x4096xi1>, vector<256x4096xf32>
    %reduce_min3A_201 = arith.constant dense<0x7F800000> : vector<256xf32>
    %reduce_min3A_202 = vector.multi_reduction <minimumf>, %select_n3A_200, %reduce_min3A_201 [1] : vector<256x4096xf32> to vector<256xf32>
    %broadcast_in_dim3A_203 = vector.shape_cast %reduce_min3A_202 : vector<256xf32> to vector<256x1xf32>
    %jit3A_204 = arith.constant 0x7F800000 : f32
    %broadcast_in_dim3A_205 = vector.broadcast %jit3A_204 : f32 to vector<256x4096xf32>
    %select_n3A_206 = arith.select %eq3A_197, %broadcast_in_dim3A_205, %select_n3A_192 : vector<256x4096xi1>, vector<256x4096xf32>
    %reduce_min3A_207 = arith.constant dense<0x7F800000> : vector<256xf32>
    %reduce_min3A_208 = vector.multi_reduction <minimumf>, %select_n3A_206, %reduce_min3A_207 [1] : vector<256x4096xf32> to vector<256xf32>
    %broadcast_in_dim3A_209 = vector.shape_cast %reduce_min3A_208 : vector<256xf32> to vector<256x1xf32>
    %eq3A_210 = vector.broadcast %broadcast_in_dim3A_209 : vector<256x1xf32> to vector<256x4096xf32>
    %eq3A_211 = arith.cmpf oeq, %select_n3A_206, %eq3A_210 : vector<256x4096xf32>
    %jit3A_212 = arith.constant 4.096000e+03 : f32
    %broadcast_in_dim3A_213 = vector.broadcast %jit3A_212 : f32 to vector<256x4096xf32>
    %select_n3A_214 = arith.select %eq3A_211, %convert_element_type3A, %broadcast_in_dim3A_213 : vector<256x4096xi1>, vector<256x4096xf32>
    %reduce_min3A_215 = arith.constant dense<0x7F800000> : vector<256xf32>
    %reduce_min3A_216 = vector.multi_reduction <minimumf>, %select_n3A_214, %reduce_min3A_215 [1] : vector<256x4096xf32> to vector<256xf32>
    %broadcast_in_dim3A_217 = vector.shape_cast %reduce_min3A_216 : vector<256xf32> to vector<256x1xf32>
    %jit3A_218 = arith.constant 0x7F800000 : f32
    %broadcast_in_dim3A_219 = vector.broadcast %jit3A_218 : f32 to vector<256x4096xf32>
    %select_n3A_220 = arith.select %eq3A_211, %broadcast_in_dim3A_219, %select_n3A_206 : vector<256x4096xi1>, vector<256x4096xf32>
    %reduce_min3A_221 = arith.constant dense<0x7F800000> : vector<256xf32>
    %reduce_min3A_222 = vector.multi_reduction <minimumf>, %select_n3A_220, %reduce_min3A_221 [1] : vector<256x4096xf32> to vector<256xf32>
    %broadcast_in_dim3A_223 = vector.shape_cast %reduce_min3A_222 : vector<256xf32> to vector<256x1xf32>
    %eq3A_224 = vector.broadcast %broadcast_in_dim3A_223 : vector<256x1xf32> to vector<256x4096xf32>
    %eq3A_225 = arith.cmpf oeq, %select_n3A_220, %eq3A_224 : vector<256x4096xf32>
    %jit3A_226 = arith.constant 4.096000e+03 : f32
    %broadcast_in_dim3A_227 = vector.broadcast %jit3A_226 : f32 to vector<256x4096xf32>
    %select_n3A_228 = arith.select %eq3A_225, %convert_element_type3A, %broadcast_in_dim3A_227 : vector<256x4096xi1>, vector<256x4096xf32>
    %reduce_min3A_229 = arith.constant dense<0x7F800000> : vector<256xf32>
    %reduce_min3A_230 = vector.multi_reduction <minimumf>, %select_n3A_228, %reduce_min3A_229 [1] : vector<256x4096xf32> to vector<256xf32>
    %broadcast_in_dim3A_231 = vector.shape_cast %reduce_min3A_230 : vector<256xf32> to vector<256x1xf32>
    %concatenate3A = tpu.concatenate %broadcast_in_dim3A_21, %broadcast_in_dim3A_35, %broadcast_in_dim3A_49, %broadcast_in_dim3A_63, %broadcast_in_dim3A_77, %broadcast_in_dim3A_91, %broadcast_in_dim3A_105, %broadcast_in_dim3A_119, %broadcast_in_dim3A_133, %broadcast_in_dim3A_147, %broadcast_in_dim3A_161, %broadcast_in_dim3A_175, %broadcast_in_dim3A_189, %broadcast_in_dim3A_203, %broadcast_in_dim3A_217, %broadcast_in_dim3A_231 in 1 : vector<256x1xf32>, vector<256x1xf32>, vector<256x1xf32>, vector<256x1xf32>, vector<256x1xf32>, vector<256x1xf32>, vector<256x1xf32>, vector<256x1xf32>, vector<256x1xf32>, vector<256x1xf32>, vector<256x1xf32>, vector<256x1xf32>, vector<256x1xf32>, vector<256x1xf32>, vector<256x1xf32>, vector<256x1xf32> -> vector<256x16xf32>
    %convert_element_type3A_232 = arith.fptosi %concatenate3A : vector<256x16xf32> to vector<256x16xi32>
    %add3A = arith.constant 6 : i32
    %add3A_233 = arith.addi %arg0, %add3A : i32
    %mul3A_234 = arith.constant 4096 : i32
    %mul3A_235 = arith.muli %add3A_233, %mul3A_234 : i32
    %add3A_236 = vector.broadcast %mul3A_235 : i32 to vector<256x16xi32>
    %add3A_237 = arith.addi %convert_element_type3A_232, %add3A_236 : vector<256x16xi32>
    %swap3A = arith.constant 0 : index
    %swap3A_238 = arith.constant 0 : index
    %swap3A_239 = arith.constant 0 : index
    %swap3A_240 = vector.load %arg4[%swap3A, %swap3A_238, %swap3A_239] : memref<1x256x16xi32, #tpu.memory_space<vmem>>, vector<1x256x16xi32>
    %swap3A_241 = vector.shape_cast %swap3A_240 : vector<1x256x16xi32> to vector<256x16xi32>
    %swap3A_242 = vector.shape_cast %add3A_237 : vector<256x16xi32> to vector<1x256x16xi32>
    tpu.vector_store %arg4[%swap3A, %swap3A_238, %swap3A_239], %swap3A_242 {strides = array<i32>} : memref<1x256x16xi32, #tpu.memory_space<vmem>>, vector<1x256x16xi32>,
    return
  }
  func.func @transform_0(%arg0: i32, %arg1: i32) -> (i32, i32, i32) {
    %c0_i32 = arith.constant 0 : i32
    %c0_i32_0 = arith.constant 0 : i32
    %c0_i32_1 = arith.constant 0 : i32
    return %arg0, %c0_i32, %c0_i32_0 : i32, i32, i32
  }
  func.func @transform_1(%arg0: i32, %arg1: i32) -> (i32, i32, i32) {
    %c0_i32 = arith.constant 0 : i32
    %c0_i32_0 = arith.constant 0 : i32
    return %arg0, %arg1, %c0_i32 : i32, i32, i32
  }
  func.func @transform_2(%arg0: i32, %arg1: i32) -> (i32, i32, i32) {
    %c0_i32 = arith.constant 0 : i32
    %c0_i32_0 = arith.constant 0 : i32
    return %arg0, %arg1, %c0_i32 : i32, i32, i32
  }
}

module attributes {stable_mosaic.version = 14 : i64} {
  func.func @_topk_body(%arg0: i32, %arg1: i32, %arg2: memref<1x8x4096xf32, #tpu.memory_space<vmem>>, %arg3: memref<1x256x256xf32, #tpu.memory_space<vmem>>, %arg4: memref<1x256x16xi32, #tpu.memory_space<vmem>>) attributes {dimension_semantics = [#tpu.dimension_semantics<parallel>, #tpu.dimension_semantics<parallel>], iteration_bounds = array<i64: 2, 4>, scalar_prefetch = 0 : i64, scratch_operands = 0 : i64, tpu.core_type = #tpu.core_type<tc>, window_params = [{transform_indices = @transform_0, window_bounds = array<i64: 1, 8, 4096>}, {transform_indices = @transform_1, window_bounds = array<i64: 1, 256, 256>}, {transform_indices = @transform_2, window_bounds = array<i64: 1, 256, 16>}]} {
    %get3A = arith.constant 0 : index
    %get3A_0 = arith.constant 0 : index
    %get3A_1 = arith.constant 0 : index
    %get3A_2 = vector.load %arg2[%get3A, %get3A_0, %get3A_1] : memref<1x8x4096xf32, #tpu.memory_space<vmem>>, vector<1x8x4096xf32>
    %get3A_3 = vector.shape_cast %get3A_2 : vector<1x8x4096xf32> to vector<8x4096xf32>
    %get3A_4 = arith.constant 0 : index
    %get3A_5 = arith.constant 0 : index
    %get3A_6 = arith.constant 0 : index
    %get3A_7 = vector.load %arg3[%get3A_4, %get3A_5, %get3A_6] : memref<1x256x256xf32, #tpu.memory_space<vmem>>, vector<1x256x256xf32>
    %get3A_8 = vector.shape_cast %get3A_7 : vector<1x256x256xf32> to vector<256x256xf32>
    %slice3A = vector.extract_strided_slice %get3A_8 {offsets = [0, 128], sizes = [256, 8], strides = [1, 1]} : vector<256x256xf32> to vector<256x8xf32>
    %mul3A = arith.mulf %get3A_3, %get3A_3 : vector<8x4096xf32>
    %reduce_sum3A = arith.constant dense<0.000000e+00> : vector<4096xf32>
    %reduce_sum3A_9 = vector.multi_reduction <add>, %mul3A, %reduce_sum3A [0] : vector<8x4096xf32> to vector<4096xf32>
    %broadcast_in_dim3A = vector.shape_cast %reduce_sum3A_9 : vector<4096xf32> to vector<1x4096xf32>
    %dot_general3A = arith.constant dense<0.000000e+00> : vector<256x4096xf32>
    %dot_general3A_10 = tpu.matmul %slice3A, %get3A_3, %dot_general3A {dimension_numbers = #tpu.dot_dimension_numbers<[1], [0], [0], [1], [0, 0, 1, 1], [], []>, precision = #tpu.contract_precision<fp32>, transpose_lhs_hint = false} : vector<256x8xf32>, vector<8x4096xf32>, vector<256x4096xf32> -> vector<256x4096xf32>
    %mul3A_11 = arith.constant 2.000000e+00 : f32
    %mul3A_12 = vector.broadcast %mul3A_11 : f32 to vector<256x4096xf32>
    %mul3A_13 = arith.mulf %mul3A_12, %dot_general3A_10 : vector<256x4096xf32>
    %sub3A = vector.broadcast %broadcast_in_dim3A : vector<1x4096xf32> to vector<256x4096xf32>
    %sub3A_14 = arith.subf %sub3A, %mul3A_13 : vector<256x4096xf32>
    %iota3A = tpu.iota {dimensions = array<i32: 1>} : vector<256x4096xi32>
    %convert_element_type3A = arith.sitofp %iota3A : vector<256x4096xi32> to vector<256x4096xf32>
    %reduce_min3A = arith.constant dense<0x7F800000> : vector<256xf32>
    %reduce_min3A_15 = vector.multi_reduction <minimumf>, %sub3A_14, %reduce_min3A [1] : vector<256x4096xf32> to vector<256xf32>
    %broadcast_in_dim3A_16 = vector.shape_cast %reduce_min3A_15 : vector<256xf32> to vector<256x1xf32>
    %eq3A = vector.broadcast %broadcast_in_dim3A_16 : vector<256x1xf32> to vector<256x4096xf32>
    %eq3A_17 = arith.cmpf oeq, %sub3A_14, %eq3A : vector<256x4096xf32>
    %jit3A = arith.constant 4.096000e+03 : f32
    %broadcast_in_dim3A_18 = vector.broadcast %jit3A : f32 to vector<256x4096xf32>
    %select_n3A = arith.select %eq3A_17, %convert_element_type3A, %broadcast_in_dim3A_18 : vector<256x4096xi1>, vector<256x4096xf32>
    %reduce_min3A_19 = arith.constant dense<0x7F800000> : vector<256xf32>
    %reduce_min3A_20 = vector.multi_reduction <minimumf>, %select_n3A, %reduce_min3A_19 [1] : vector<256x4096xf32> to vector<256xf32>
    %broadcast_in_dim3A_21 = vector.shape_cast %reduce_min3A_20 : vector<256xf32> to vector<256x1xf32>
    %jit3A_22 = arith.constant 0x7F800000 : f32
    %broadcast_in_dim3A_23 = vector.broadcast %jit3A_22 : f32 to vector<256x4096xf32>
    %select_n3A_24 = arith.select %eq3A_17, %broadcast_in_dim3A_23, %sub3A_14 : vector<256x4096xi1>, vector<256x4096xf32>
    %reduce_min3A_25 = arith.constant dense<0x7F800000> : vector<256xf32>
    %reduce_min3A_26 = vector.multi_reduction <minimumf>, %select_n3A_24, %reduce_min3A_25 [1] : vector<256x4096xf32> to vector<256xf32>
    %broadcast_in_dim3A_27 = vector.shape_cast %reduce_min3A_26 : vector<256xf32> to vector<256x1xf32>
    %eq3A_28 = vector.broadcast %broadcast_in_dim3A_27 : vector<256x1xf32> to vector<256x4096xf32>
    %eq3A_29 = arith.cmpf oeq, %select_n3A_24, %eq3A_28 : vector<256x4096xf32>
    %jit3A_30 = arith.constant 4.096000e+03 : f32
    %broadcast_in_dim3A_31 = vector.broadcast %jit3A_30 : f32 to vector<256x4096xf32>
    %select_n3A_32 = arith.select %eq3A_29, %convert_element_type3A, %broadcast_in_dim3A_31 : vector<256x4096xi1>, vector<256x4096xf32>
    %reduce_min3A_33 = arith.constant dense<0x7F800000> : vector<256xf32>
    %reduce_min3A_34 = vector.multi_reduction <minimumf>, %select_n3A_32, %reduce_min3A_33 [1] : vector<256x4096xf32> to vector<256xf32>
    %broadcast_in_dim3A_35 = vector.shape_cast %reduce_min3A_34 : vector<256xf32> to vector<256x1xf32>
    %jit3A_36 = arith.constant 0x7F800000 : f32
    %broadcast_in_dim3A_37 = vector.broadcast %jit3A_36 : f32 to vector<256x4096xf32>
    %select_n3A_38 = arith.select %eq3A_29, %broadcast_in_dim3A_37, %select_n3A_24 : vector<256x4096xi1>, vector<256x4096xf32>
    %reduce_min3A_39 = arith.constant dense<0x7F800000> : vector<256xf32>
    %reduce_min3A_40 = vector.multi_reduction <minimumf>, %select_n3A_38, %reduce_min3A_39 [1] : vector<256x4096xf32> to vector<256xf32>
    %broadcast_in_dim3A_41 = vector.shape_cast %reduce_min3A_40 : vector<256xf32> to vector<256x1xf32>
    %eq3A_42 = vector.broadcast %broadcast_in_dim3A_41 : vector<256x1xf32> to vector<256x4096xf32>
    %eq3A_43 = arith.cmpf oeq, %select_n3A_38, %eq3A_42 : vector<256x4096xf32>
    %jit3A_44 = arith.constant 4.096000e+03 : f32
    %broadcast_in_dim3A_45 = vector.broadcast %jit3A_44 : f32 to vector<256x4096xf32>
    %select_n3A_46 = arith.select %eq3A_43, %convert_element_type3A, %broadcast_in_dim3A_45 : vector<256x4096xi1>, vector<256x4096xf32>
    %reduce_min3A_47 = arith.constant dense<0x7F800000> : vector<256xf32>
    %reduce_min3A_48 = vector.multi_reduction <minimumf>, %select_n3A_46, %reduce_min3A_47 [1] : vector<256x4096xf32> to vector<256xf32>
    %broadcast_in_dim3A_49 = vector.shape_cast %reduce_min3A_48 : vector<256xf32> to vector<256x1xf32>
    %jit3A_50 = arith.constant 0x7F800000 : f32
    %broadcast_in_dim3A_51 = vector.broadcast %jit3A_50 : f32 to vector<256x4096xf32>
    %select_n3A_52 = arith.select %eq3A_43, %broadcast_in_dim3A_51, %select_n3A_38 : vector<256x4096xi1>, vector<256x4096xf32>
    %reduce_min3A_53 = arith.constant dense<0x7F800000> : vector<256xf32>
    %reduce_min3A_54 = vector.multi_reduction <minimumf>, %select_n3A_52, %reduce_min3A_53 [1] : vector<256x4096xf32> to vector<256xf32>
    %broadcast_in_dim3A_55 = vector.shape_cast %reduce_min3A_54 : vector<256xf32> to vector<256x1xf32>
    %eq3A_56 = vector.broadcast %broadcast_in_dim3A_55 : vector<256x1xf32> to vector<256x4096xf32>
    %eq3A_57 = arith.cmpf oeq, %select_n3A_52, %eq3A_56 : vector<256x4096xf32>
    %jit3A_58 = arith.constant 4.096000e+03 : f32
    %broadcast_in_dim3A_59 = vector.broadcast %jit3A_58 : f32 to vector<256x4096xf32>
    %select_n3A_60 = arith.select %eq3A_57, %convert_element_type3A, %broadcast_in_dim3A_59 : vector<256x4096xi1>, vector<256x4096xf32>
    %reduce_min3A_61 = arith.constant dense<0x7F800000> : vector<256xf32>
    %reduce_min3A_62 = vector.multi_reduction <minimumf>, %select_n3A_60, %reduce_min3A_61 [1] : vector<256x4096xf32> to vector<256xf32>
    %broadcast_in_dim3A_63 = vector.shape_cast %reduce_min3A_62 : vector<256xf32> to vector<256x1xf32>
    %jit3A_64 = arith.constant 0x7F800000 : f32
    %broadcast_in_dim3A_65 = vector.broadcast %jit3A_64 : f32 to vector<256x4096xf32>
    %select_n3A_66 = arith.select %eq3A_57, %broadcast_in_dim3A_65, %select_n3A_52 : vector<256x4096xi1>, vector<256x4096xf32>
    %reduce_min3A_67 = arith.constant dense<0x7F800000> : vector<256xf32>
    %reduce_min3A_68 = vector.multi_reduction <minimumf>, %select_n3A_66, %reduce_min3A_67 [1] : vector<256x4096xf32> to vector<256xf32>
    %broadcast_in_dim3A_69 = vector.shape_cast %reduce_min3A_68 : vector<256xf32> to vector<256x1xf32>
    %eq3A_70 = vector.broadcast %broadcast_in_dim3A_69 : vector<256x1xf32> to vector<256x4096xf32>
    %eq3A_71 = arith.cmpf oeq, %select_n3A_66, %eq3A_70 : vector<256x4096xf32>
    %jit3A_72 = arith.constant 4.096000e+03 : f32
    %broadcast_in_dim3A_73 = vector.broadcast %jit3A_72 : f32 to vector<256x4096xf32>
    %select_n3A_74 = arith.select %eq3A_71, %convert_element_type3A, %broadcast_in_dim3A_73 : vector<256x4096xi1>, vector<256x4096xf32>
    %reduce_min3A_75 = arith.constant dense<0x7F800000> : vector<256xf32>
    %reduce_min3A_76 = vector.multi_reduction <minimumf>, %select_n3A_74, %reduce_min3A_75 [1] : vector<256x4096xf32> to vector<256xf32>
    %broadcast_in_dim3A_77 = vector.shape_cast %reduce_min3A_76 : vector<256xf32> to vector<256x1xf32>
    %jit3A_78 = arith.constant 0x7F800000 : f32
    %broadcast_in_dim3A_79 = vector.broadcast %jit3A_78 : f32 to vector<256x4096xf32>
    %select_n3A_80 = arith.select %eq3A_71, %broadcast_in_dim3A_79, %select_n3A_66 : vector<256x4096xi1>, vector<256x4096xf32>
    %reduce_min3A_81 = arith.constant dense<0x7F800000> : vector<256xf32>
    %reduce_min3A_82 = vector.multi_reduction <minimumf>, %select_n3A_80, %reduce_min3A_81 [1] : vector<256x4096xf32> to vector<256xf32>
    %broadcast_in_dim3A_83 = vector.shape_cast %reduce_min3A_82 : vector<256xf32> to vector<256x1xf32>
    %eq3A_84 = vector.broadcast %broadcast_in_dim3A_83 : vector<256x1xf32> to vector<256x4096xf32>
    %eq3A_85 = arith.cmpf oeq, %select_n3A_80, %eq3A_84 : vector<256x4096xf32>
    %jit3A_86 = arith.constant 4.096000e+03 : f32
    %broadcast_in_dim3A_87 = vector.broadcast %jit3A_86 : f32 to vector<256x4096xf32>
    %select_n3A_88 = arith.select %eq3A_85, %convert_element_type3A, %broadcast_in_dim3A_87 : vector<256x4096xi1>, vector<256x4096xf32>
    %reduce_min3A_89 = arith.constant dense<0x7F800000> : vector<256xf32>
    %reduce_min3A_90 = vector.multi_reduction <minimumf>, %select_n3A_88, %reduce_min3A_89 [1] : vector<256x4096xf32> to vector<256xf32>
    %broadcast_in_dim3A_91 = vector.shape_cast %reduce_min3A_90 : vector<256xf32> to vector<256x1xf32>
    %jit3A_92 = arith.constant 0x7F800000 : f32
    %broadcast_in_dim3A_93 = vector.broadcast %jit3A_92 : f32 to vector<256x4096xf32>
    %select_n3A_94 = arith.select %eq3A_85, %broadcast_in_dim3A_93, %select_n3A_80 : vector<256x4096xi1>, vector<256x4096xf32>
    %reduce_min3A_95 = arith.constant dense<0x7F800000> : vector<256xf32>
    %reduce_min3A_96 = vector.multi_reduction <minimumf>, %select_n3A_94, %reduce_min3A_95 [1] : vector<256x4096xf32> to vector<256xf32>
    %broadcast_in_dim3A_97 = vector.shape_cast %reduce_min3A_96 : vector<256xf32> to vector<256x1xf32>
    %eq3A_98 = vector.broadcast %broadcast_in_dim3A_97 : vector<256x1xf32> to vector<256x4096xf32>
    %eq3A_99 = arith.cmpf oeq, %select_n3A_94, %eq3A_98 : vector<256x4096xf32>
    %jit3A_100 = arith.constant 4.096000e+03 : f32
    %broadcast_in_dim3A_101 = vector.broadcast %jit3A_100 : f32 to vector<256x4096xf32>
    %select_n3A_102 = arith.select %eq3A_99, %convert_element_type3A, %broadcast_in_dim3A_101 : vector<256x4096xi1>, vector<256x4096xf32>
    %reduce_min3A_103 = arith.constant dense<0x7F800000> : vector<256xf32>
    %reduce_min3A_104 = vector.multi_reduction <minimumf>, %select_n3A_102, %reduce_min3A_103 [1] : vector<256x4096xf32> to vector<256xf32>
    %broadcast_in_dim3A_105 = vector.shape_cast %reduce_min3A_104 : vector<256xf32> to vector<256x1xf32>
    %jit3A_106 = arith.constant 0x7F800000 : f32
    %broadcast_in_dim3A_107 = vector.broadcast %jit3A_106 : f32 to vector<256x4096xf32>
    %select_n3A_108 = arith.select %eq3A_99, %broadcast_in_dim3A_107, %select_n3A_94 : vector<256x4096xi1>, vector<256x4096xf32>
    %reduce_min3A_109 = arith.constant dense<0x7F800000> : vector<256xf32>
    %reduce_min3A_110 = vector.multi_reduction <minimumf>, %select_n3A_108, %reduce_min3A_109 [1] : vector<256x4096xf32> to vector<256xf32>
    %broadcast_in_dim3A_111 = vector.shape_cast %reduce_min3A_110 : vector<256xf32> to vector<256x1xf32>
    %eq3A_112 = vector.broadcast %broadcast_in_dim3A_111 : vector<256x1xf32> to vector<256x4096xf32>
    %eq3A_113 = arith.cmpf oeq, %select_n3A_108, %eq3A_112 : vector<256x4096xf32>
    %jit3A_114 = arith.constant 4.096000e+03 : f32
    %broadcast_in_dim3A_115 = vector.broadcast %jit3A_114 : f32 to vector<256x4096xf32>
    %select_n3A_116 = arith.select %eq3A_113, %convert_element_type3A, %broadcast_in_dim3A_115 : vector<256x4096xi1>, vector<256x4096xf32>
    %reduce_min3A_117 = arith.constant dense<0x7F800000> : vector<256xf32>
    %reduce_min3A_118 = vector.multi_reduction <minimumf>, %select_n3A_116, %reduce_min3A_117 [1] : vector<256x4096xf32> to vector<256xf32>
    %broadcast_in_dim3A_119 = vector.shape_cast %reduce_min3A_118 : vector<256xf32> to vector<256x1xf32>
    %jit3A_120 = arith.constant 0x7F800000 : f32
    %broadcast_in_dim3A_121 = vector.broadcast %jit3A_120 : f32 to vector<256x4096xf32>
    %select_n3A_122 = arith.select %eq3A_113, %broadcast_in_dim3A_121, %select_n3A_108 : vector<256x4096xi1>, vector<256x4096xf32>
    %reduce_min3A_123 = arith.constant dense<0x7F800000> : vector<256xf32>
    %reduce_min3A_124 = vector.multi_reduction <minimumf>, %select_n3A_122, %reduce_min3A_123 [1] : vector<256x4096xf32> to vector<256xf32>
    %broadcast_in_dim3A_125 = vector.shape_cast %reduce_min3A_124 : vector<256xf32> to vector<256x1xf32>
    %eq3A_126 = vector.broadcast %broadcast_in_dim3A_125 : vector<256x1xf32> to vector<256x4096xf32>
    %eq3A_127 = arith.cmpf oeq, %select_n3A_122, %eq3A_126 : vector<256x4096xf32>
    %jit3A_128 = arith.constant 4.096000e+03 : f32
    %broadcast_in_dim3A_129 = vector.broadcast %jit3A_128 : f32 to vector<256x4096xf32>
    %select_n3A_130 = arith.select %eq3A_127, %convert_element_type3A, %broadcast_in_dim3A_129 : vector<256x4096xi1>, vector<256x4096xf32>
    %reduce_min3A_131 = arith.constant dense<0x7F800000> : vector<256xf32>
    %reduce_min3A_132 = vector.multi_reduction <minimumf>, %select_n3A_130, %reduce_min3A_131 [1] : vector<256x4096xf32> to vector<256xf32>
    %broadcast_in_dim3A_133 = vector.shape_cast %reduce_min3A_132 : vector<256xf32> to vector<256x1xf32>
    %jit3A_134 = arith.constant 0x7F800000 : f32
    %broadcast_in_dim3A_135 = vector.broadcast %jit3A_134 : f32 to vector<256x4096xf32>
    %select_n3A_136 = arith.select %eq3A_127, %broadcast_in_dim3A_135, %select_n3A_122 : vector<256x4096xi1>, vector<256x4096xf32>
    %reduce_min3A_137 = arith.constant dense<0x7F800000> : vector<256xf32>
    %reduce_min3A_138 = vector.multi_reduction <minimumf>, %select_n3A_136, %reduce_min3A_137 [1] : vector<256x4096xf32> to vector<256xf32>
    %broadcast_in_dim3A_139 = vector.shape_cast %reduce_min3A_138 : vector<256xf32> to vector<256x1xf32>
    %eq3A_140 = vector.broadcast %broadcast_in_dim3A_139 : vector<256x1xf32> to vector<256x4096xf32>
    %eq3A_141 = arith.cmpf oeq, %select_n3A_136, %eq3A_140 : vector<256x4096xf32>
    %jit3A_142 = arith.constant 4.096000e+03 : f32
    %broadcast_in_dim3A_143 = vector.broadcast %jit3A_142 : f32 to vector<256x4096xf32>
    %select_n3A_144 = arith.select %eq3A_141, %convert_element_type3A, %broadcast_in_dim3A_143 : vector<256x4096xi1>, vector<256x4096xf32>
    %reduce_min3A_145 = arith.constant dense<0x7F800000> : vector<256xf32>
    %reduce_min3A_146 = vector.multi_reduction <minimumf>, %select_n3A_144, %reduce_min3A_145 [1] : vector<256x4096xf32> to vector<256xf32>
    %broadcast_in_dim3A_147 = vector.shape_cast %reduce_min3A_146 : vector<256xf32> to vector<256x1xf32>
    %jit3A_148 = arith.constant 0x7F800000 : f32
    %broadcast_in_dim3A_149 = vector.broadcast %jit3A_148 : f32 to vector<256x4096xf32>
    %select_n3A_150 = arith.select %eq3A_141, %broadcast_in_dim3A_149, %select_n3A_136 : vector<256x4096xi1>, vector<256x4096xf32>
    %reduce_min3A_151 = arith.constant dense<0x7F800000> : vector<256xf32>
    %reduce_min3A_152 = vector.multi_reduction <minimumf>, %select_n3A_150, %reduce_min3A_151 [1] : vector<256x4096xf32> to vector<256xf32>
    %broadcast_in_dim3A_153 = vector.shape_cast %reduce_min3A_152 : vector<256xf32> to vector<256x1xf32>
    %eq3A_154 = vector.broadcast %broadcast_in_dim3A_153 : vector<256x1xf32> to vector<256x4096xf32>
    %eq3A_155 = arith.cmpf oeq, %select_n3A_150, %eq3A_154 : vector<256x4096xf32>
    %jit3A_156 = arith.constant 4.096000e+03 : f32
    %broadcast_in_dim3A_157 = vector.broadcast %jit3A_156 : f32 to vector<256x4096xf32>
    %select_n3A_158 = arith.select %eq3A_155, %convert_element_type3A, %broadcast_in_dim3A_157 : vector<256x4096xi1>, vector<256x4096xf32>
    %reduce_min3A_159 = arith.constant dense<0x7F800000> : vector<256xf32>
    %reduce_min3A_160 = vector.multi_reduction <minimumf>, %select_n3A_158, %reduce_min3A_159 [1] : vector<256x4096xf32> to vector<256xf32>
    %broadcast_in_dim3A_161 = vector.shape_cast %reduce_min3A_160 : vector<256xf32> to vector<256x1xf32>
    %jit3A_162 = arith.constant 0x7F800000 : f32
    %broadcast_in_dim3A_163 = vector.broadcast %jit3A_162 : f32 to vector<256x4096xf32>
    %select_n3A_164 = arith.select %eq3A_155, %broadcast_in_dim3A_163, %select_n3A_150 : vector<256x4096xi1>, vector<256x4096xf32>
    %reduce_min3A_165 = arith.constant dense<0x7F800000> : vector<256xf32>
    %reduce_min3A_166 = vector.multi_reduction <minimumf>, %select_n3A_164, %reduce_min3A_165 [1] : vector<256x4096xf32> to vector<256xf32>
    %broadcast_in_dim3A_167 = vector.shape_cast %reduce_min3A_166 : vector<256xf32> to vector<256x1xf32>
    %eq3A_168 = vector.broadcast %broadcast_in_dim3A_167 : vector<256x1xf32> to vector<256x4096xf32>
    %eq3A_169 = arith.cmpf oeq, %select_n3A_164, %eq3A_168 : vector<256x4096xf32>
    %jit3A_170 = arith.constant 4.096000e+03 : f32
    %broadcast_in_dim3A_171 = vector.broadcast %jit3A_170 : f32 to vector<256x4096xf32>
    %select_n3A_172 = arith.select %eq3A_169, %convert_element_type3A, %broadcast_in_dim3A_171 : vector<256x4096xi1>, vector<256x4096xf32>
    %reduce_min3A_173 = arith.constant dense<0x7F800000> : vector<256xf32>
    %reduce_min3A_174 = vector.multi_reduction <minimumf>, %select_n3A_172, %reduce_min3A_173 [1] : vector<256x4096xf32> to vector<256xf32>
    %broadcast_in_dim3A_175 = vector.shape_cast %reduce_min3A_174 : vector<256xf32> to vector<256x1xf32>
    %jit3A_176 = arith.constant 0x7F800000 : f32
    %broadcast_in_dim3A_177 = vector.broadcast %jit3A_176 : f32 to vector<256x4096xf32>
    %select_n3A_178 = arith.select %eq3A_169, %broadcast_in_dim3A_177, %select_n3A_164 : vector<256x4096xi1>, vector<256x4096xf32>
    %reduce_min3A_179 = arith.constant dense<0x7F800000> : vector<256xf32>
    %reduce_min3A_180 = vector.multi_reduction <minimumf>, %select_n3A_178, %reduce_min3A_179 [1] : vector<256x4096xf32> to vector<256xf32>
    %broadcast_in_dim3A_181 = vector.shape_cast %reduce_min3A_180 : vector<256xf32> to vector<256x1xf32>
    %eq3A_182 = vector.broadcast %broadcast_in_dim3A_181 : vector<256x1xf32> to vector<256x4096xf32>
    %eq3A_183 = arith.cmpf oeq, %select_n3A_178, %eq3A_182 : vector<256x4096xf32>
    %jit3A_184 = arith.constant 4.096000e+03 : f32
    %broadcast_in_dim3A_185 = vector.broadcast %jit3A_184 : f32 to vector<256x4096xf32>
    %select_n3A_186 = arith.select %eq3A_183, %convert_element_type3A, %broadcast_in_dim3A_185 : vector<256x4096xi1>, vector<256x4096xf32>
    %reduce_min3A_187 = arith.constant dense<0x7F800000> : vector<256xf32>
    %reduce_min3A_188 = vector.multi_reduction <minimumf>, %select_n3A_186, %reduce_min3A_187 [1] : vector<256x4096xf32> to vector<256xf32>
    %broadcast_in_dim3A_189 = vector.shape_cast %reduce_min3A_188 : vector<256xf32> to vector<256x1xf32>
    %jit3A_190 = arith.constant 0x7F800000 : f32
    %broadcast_in_dim3A_191 = vector.broadcast %jit3A_190 : f32 to vector<256x4096xf32>
    %select_n3A_192 = arith.select %eq3A_183, %broadcast_in_dim3A_191, %select_n3A_178 : vector<256x4096xi1>, vector<256x4096xf32>
    %reduce_min3A_193 = arith.constant dense<0x7F800000> : vector<256xf32>
    %reduce_min3A_194 = vector.multi_reduction <minimumf>, %select_n3A_192, %reduce_min3A_193 [1] : vector<256x4096xf32> to vector<256xf32>
    %broadcast_in_dim3A_195 = vector.shape_cast %reduce_min3A_194 : vector<256xf32> to vector<256x1xf32>
    %eq3A_196 = vector.broadcast %broadcast_in_dim3A_195 : vector<256x1xf32> to vector<256x4096xf32>
    %eq3A_197 = arith.cmpf oeq, %select_n3A_192, %eq3A_196 : vector<256x4096xf32>
    %jit3A_198 = arith.constant 4.096000e+03 : f32
    %broadcast_in_dim3A_199 = vector.broadcast %jit3A_198 : f32 to vector<256x4096xf32>
    %select_n3A_200 = arith.select %eq3A_197, %convert_element_type3A, %broadcast_in_dim3A_199 : vector<256x4096xi1>, vector<256x4096xf32>
    %reduce_min3A_201 = arith.constant dense<0x7F800000> : vector<256xf32>
    %reduce_min3A_202 = vector.multi_reduction <minimumf>, %select_n3A_200, %reduce_min3A_201 [1] : vector<256x4096xf32> to vector<256xf32>
    %broadcast_in_dim3A_203 = vector.shape_cast %reduce_min3A_202 : vector<256xf32> to vector<256x1xf32>
    %jit3A_204 = arith.constant 0x7F800000 : f32
    %broadcast_in_dim3A_205 = vector.broadcast %jit3A_204 : f32 to vector<256x4096xf32>
    %select_n3A_206 = arith.select %eq3A_197, %broadcast_in_dim3A_205, %select_n3A_192 : vector<256x4096xi1>, vector<256x4096xf32>
    %reduce_min3A_207 = arith.constant dense<0x7F800000> : vector<256xf32>
    %reduce_min3A_208 = vector.multi_reduction <minimumf>, %select_n3A_206, %reduce_min3A_207 [1] : vector<256x4096xf32> to vector<256xf32>
    %broadcast_in_dim3A_209 = vector.shape_cast %reduce_min3A_208 : vector<256xf32> to vector<256x1xf32>
    %eq3A_210 = vector.broadcast %broadcast_in_dim3A_209 : vector<256x1xf32> to vector<256x4096xf32>
    %eq3A_211 = arith.cmpf oeq, %select_n3A_206, %eq3A_210 : vector<256x4096xf32>
    %jit3A_212 = arith.constant 4.096000e+03 : f32
    %broadcast_in_dim3A_213 = vector.broadcast %jit3A_212 : f32 to vector<256x4096xf32>
    %select_n3A_214 = arith.select %eq3A_211, %convert_element_type3A, %broadcast_in_dim3A_213 : vector<256x4096xi1>, vector<256x4096xf32>
    %reduce_min3A_215 = arith.constant dense<0x7F800000> : vector<256xf32>
    %reduce_min3A_216 = vector.multi_reduction <minimumf>, %select_n3A_214, %reduce_min3A_215 [1] : vector<256x4096xf32> to vector<256xf32>
    %broadcast_in_dim3A_217 = vector.shape_cast %reduce_min3A_216 : vector<256xf32> to vector<256x1xf32>
    %jit3A_218 = arith.constant 0x7F800000 : f32
    %broadcast_in_dim3A_219 = vector.broadcast %jit3A_218 : f32 to vector<256x4096xf32>
    %select_n3A_220 = arith.select %eq3A_211, %broadcast_in_dim3A_219, %select_n3A_206 : vector<256x4096xi1>, vector<256x4096xf32>
    %reduce_min3A_221 = arith.constant dense<0x7F800000> : vector<256xf32>
    %reduce_min3A_222 = vector.multi_reduction <minimumf>, %select_n3A_220, %reduce_min3A_221 [1] : vector<256x4096xf32> to vector<256xf32>
    %broadcast_in_dim3A_223 = vector.shape_cast %reduce_min3A_222 : vector<256xf32> to vector<256x1xf32>
    %eq3A_224 = vector.broadcast %broadcast_in_dim3A_223 : vector<256x1xf32> to vector<256x4096xf32>
    %eq3A_225 = arith.cmpf oeq, %select_n3A_220, %eq3A_224 : vector<256x4096xf32>
    %jit3A_226 = arith.constant 4.096000e+03 : f32
    %broadcast_in_dim3A_227 = vector.broadcast %jit3A_226 : f32 to vector<256x4096xf32>
    %select_n3A_228 = arith.select %eq3A_225, %convert_element_type3A, %broadcast_in_dim3A_227 : vector<256x4096xi1>, vector<256x4096xf32>
    %reduce_min3A_229 = arith.constant dense<0x7F800000> : vector<256xf32>
    %reduce_min3A_230 = vector.multi_reduction <minimumf>, %select_n3A_228, %reduce_min3A_229 [1] : vector<256x4096xf32> to vector<256xf32>
    %broadcast_in_dim3A_231 = vector.shape_cast %reduce_min3A_230 : vector<256xf32> to vector<256x1xf32>
    %concatenate3A = tpu.concatenate %broadcast_in_dim3A_21, %broadcast_in_dim3A_35, %broadcast_in_dim3A_49, %broadcast_in_dim3A_63, %broadcast_in_dim3A_77, %broadcast_in_dim3A_91, %broadcast_in_dim3A_105, %broadcast_in_dim3A_119, %broadcast_in_dim3A_133, %broadcast_in_dim3A_147, %broadcast_in_dim3A_161, %broadcast_in_dim3A_175, %broadcast_in_dim3A_189, %broadcast_in_dim3A_203, %broadcast_in_dim3A_217, %broadcast_in_dim3A_231 in 1 : vector<256x1xf32>, vector<256x1xf32>, vector<256x1xf32>, vector<256x1xf32>, vector<256x1xf32>, vector<256x1xf32>, vector<256x1xf32>, vector<256x1xf32>, vector<256x1xf32>, vector<256x1xf32>, vector<256x1xf32>, vector<256x1xf32>, vector<256x1xf32>, vector<256x1xf32>, vector<256x1xf32>, vector<256x1xf32> -> vector<256x16xf32>
    %convert_element_type3A_232 = arith.fptosi %concatenate3A : vector<256x16xf32> to vector<256x16xi32>
    %add3A = arith.constant 4 : i32
    %add3A_233 = arith.addi %arg0, %add3A : i32
    %mul3A_234 = arith.constant 4096 : i32
    %mul3A_235 = arith.muli %add3A_233, %mul3A_234 : i32
    %add3A_236 = vector.broadcast %mul3A_235 : i32 to vector<256x16xi32>
    %add3A_237 = arith.addi %convert_element_type3A_232, %add3A_236 : vector<256x16xi32>
    %swap3A = arith.constant 0 : index
    %swap3A_238 = arith.constant 0 : index
    %swap3A_239 = arith.constant 0 : index
    %swap3A_240 = vector.load %arg4[%swap3A, %swap3A_238, %swap3A_239] : memref<1x256x16xi32, #tpu.memory_space<vmem>>, vector<1x256x16xi32>
    %swap3A_241 = vector.shape_cast %swap3A_240 : vector<1x256x16xi32> to vector<256x16xi32>
    %swap3A_242 = vector.shape_cast %add3A_237 : vector<256x16xi32> to vector<1x256x16xi32>
    tpu.vector_store %arg4[%swap3A, %swap3A_238, %swap3A_239], %swap3A_242 {strides = array<i32>} : memref<1x256x16xi32, #tpu.memory_space<vmem>>, vector<1x256x16xi32>,
    return
  }
  func.func @transform_0(%arg0: i32, %arg1: i32) -> (i32, i32, i32) {
    %c0_i32 = arith.constant 0 : i32
    %c0_i32_0 = arith.constant 0 : i32
    %c0_i32_1 = arith.constant 0 : i32
    return %arg0, %c0_i32, %c0_i32_0 : i32, i32, i32
  }
  func.func @transform_1(%arg0: i32, %arg1: i32) -> (i32, i32, i32) {
    %c0_i32 = arith.constant 0 : i32
    %c0_i32_0 = arith.constant 0 : i32
    return %arg0, %arg1, %c0_i32 : i32, i32, i32
  }
  func.func @transform_2(%arg0: i32, %arg1: i32) -> (i32, i32, i32) {
    %c0_i32 = arith.constant 0 : i32
    %c0_i32_0 = arith.constant 0 : i32
    return %arg0, %arg1, %c0_i32 : i32, i32, i32
  }
}

module attributes {stable_mosaic.version = 14 : i64} {
  func.func @_topk_body(%arg0: i32, %arg1: i32, %arg2: memref<1x8x4096xf32, #tpu.memory_space<vmem>>, %arg3: memref<1x256x256xf32, #tpu.memory_space<vmem>>, %arg4: memref<1x256x16xi32, #tpu.memory_space<vmem>>) attributes {dimension_semantics = [#tpu.dimension_semantics<parallel>, #tpu.dimension_semantics<parallel>], iteration_bounds = array<i64: 2, 4>, scalar_prefetch = 0 : i64, scratch_operands = 0 : i64, tpu.core_type = #tpu.core_type<tc>, window_params = [{transform_indices = @transform_0, window_bounds = array<i64: 1, 8, 4096>}, {transform_indices = @transform_1, window_bounds = array<i64: 1, 256, 256>}, {transform_indices = @transform_2, window_bounds = array<i64: 1, 256, 16>}]} {
    %get3A = arith.constant 0 : index
    %get3A_0 = arith.constant 0 : index
    %get3A_1 = arith.constant 0 : index
    %get3A_2 = vector.load %arg2[%get3A, %get3A_0, %get3A_1] : memref<1x8x4096xf32, #tpu.memory_space<vmem>>, vector<1x8x4096xf32>
    %get3A_3 = vector.shape_cast %get3A_2 : vector<1x8x4096xf32> to vector<8x4096xf32>
    %get3A_4 = arith.constant 0 : index
    %get3A_5 = arith.constant 0 : index
    %get3A_6 = arith.constant 0 : index
    %get3A_7 = vector.load %arg3[%get3A_4, %get3A_5, %get3A_6] : memref<1x256x256xf32, #tpu.memory_space<vmem>>, vector<1x256x256xf32>
    %get3A_8 = vector.shape_cast %get3A_7 : vector<1x256x256xf32> to vector<256x256xf32>
    %slice3A = vector.extract_strided_slice %get3A_8 {offsets = [0, 128], sizes = [256, 8], strides = [1, 1]} : vector<256x256xf32> to vector<256x8xf32>
    %mul3A = arith.mulf %get3A_3, %get3A_3 : vector<8x4096xf32>
    %reduce_sum3A = arith.constant dense<0.000000e+00> : vector<4096xf32>
    %reduce_sum3A_9 = vector.multi_reduction <add>, %mul3A, %reduce_sum3A [0] : vector<8x4096xf32> to vector<4096xf32>
    %broadcast_in_dim3A = vector.shape_cast %reduce_sum3A_9 : vector<4096xf32> to vector<1x4096xf32>
    %dot_general3A = arith.constant dense<0.000000e+00> : vector<256x4096xf32>
    %dot_general3A_10 = tpu.matmul %slice3A, %get3A_3, %dot_general3A {dimension_numbers = #tpu.dot_dimension_numbers<[1], [0], [0], [1], [0, 0, 1, 1], [], []>, precision = #tpu.contract_precision<fp32>, transpose_lhs_hint = false} : vector<256x8xf32>, vector<8x4096xf32>, vector<256x4096xf32> -> vector<256x4096xf32>
    %mul3A_11 = arith.constant 2.000000e+00 : f32
    %mul3A_12 = vector.broadcast %mul3A_11 : f32 to vector<256x4096xf32>
    %mul3A_13 = arith.mulf %mul3A_12, %dot_general3A_10 : vector<256x4096xf32>
    %sub3A = vector.broadcast %broadcast_in_dim3A : vector<1x4096xf32> to vector<256x4096xf32>
    %sub3A_14 = arith.subf %sub3A, %mul3A_13 : vector<256x4096xf32>
    %iota3A = tpu.iota {dimensions = array<i32: 1>} : vector<256x4096xi32>
    %convert_element_type3A = arith.sitofp %iota3A : vector<256x4096xi32> to vector<256x4096xf32>
    %reduce_min3A = arith.constant dense<0x7F800000> : vector<256xf32>
    %reduce_min3A_15 = vector.multi_reduction <minimumf>, %sub3A_14, %reduce_min3A [1] : vector<256x4096xf32> to vector<256xf32>
    %broadcast_in_dim3A_16 = vector.shape_cast %reduce_min3A_15 : vector<256xf32> to vector<256x1xf32>
    %eq3A = vector.broadcast %broadcast_in_dim3A_16 : vector<256x1xf32> to vector<256x4096xf32>
    %eq3A_17 = arith.cmpf oeq, %sub3A_14, %eq3A : vector<256x4096xf32>
    %jit3A = arith.constant 4.096000e+03 : f32
    %broadcast_in_dim3A_18 = vector.broadcast %jit3A : f32 to vector<256x4096xf32>
    %select_n3A = arith.select %eq3A_17, %convert_element_type3A, %broadcast_in_dim3A_18 : vector<256x4096xi1>, vector<256x4096xf32>
    %reduce_min3A_19 = arith.constant dense<0x7F800000> : vector<256xf32>
    %reduce_min3A_20 = vector.multi_reduction <minimumf>, %select_n3A, %reduce_min3A_19 [1] : vector<256x4096xf32> to vector<256xf32>
    %broadcast_in_dim3A_21 = vector.shape_cast %reduce_min3A_20 : vector<256xf32> to vector<256x1xf32>
    %jit3A_22 = arith.constant 0x7F800000 : f32
    %broadcast_in_dim3A_23 = vector.broadcast %jit3A_22 : f32 to vector<256x4096xf32>
    %select_n3A_24 = arith.select %eq3A_17, %broadcast_in_dim3A_23, %sub3A_14 : vector<256x4096xi1>, vector<256x4096xf32>
    %reduce_min3A_25 = arith.constant dense<0x7F800000> : vector<256xf32>
    %reduce_min3A_26 = vector.multi_reduction <minimumf>, %select_n3A_24, %reduce_min3A_25 [1] : vector<256x4096xf32> to vector<256xf32>
    %broadcast_in_dim3A_27 = vector.shape_cast %reduce_min3A_26 : vector<256xf32> to vector<256x1xf32>
    %eq3A_28 = vector.broadcast %broadcast_in_dim3A_27 : vector<256x1xf32> to vector<256x4096xf32>
    %eq3A_29 = arith.cmpf oeq, %select_n3A_24, %eq3A_28 : vector<256x4096xf32>
    %jit3A_30 = arith.constant 4.096000e+03 : f32
    %broadcast_in_dim3A_31 = vector.broadcast %jit3A_30 : f32 to vector<256x4096xf32>
    %select_n3A_32 = arith.select %eq3A_29, %convert_element_type3A, %broadcast_in_dim3A_31 : vector<256x4096xi1>, vector<256x4096xf32>
    %reduce_min3A_33 = arith.constant dense<0x7F800000> : vector<256xf32>
    %reduce_min3A_34 = vector.multi_reduction <minimumf>, %select_n3A_32, %reduce_min3A_33 [1] : vector<256x4096xf32> to vector<256xf32>
    %broadcast_in_dim3A_35 = vector.shape_cast %reduce_min3A_34 : vector<256xf32> to vector<256x1xf32>
    %jit3A_36 = arith.constant 0x7F800000 : f32
    %broadcast_in_dim3A_37 = vector.broadcast %jit3A_36 : f32 to vector<256x4096xf32>
    %select_n3A_38 = arith.select %eq3A_29, %broadcast_in_dim3A_37, %select_n3A_24 : vector<256x4096xi1>, vector<256x4096xf32>
    %reduce_min3A_39 = arith.constant dense<0x7F800000> : vector<256xf32>
    %reduce_min3A_40 = vector.multi_reduction <minimumf>, %select_n3A_38, %reduce_min3A_39 [1] : vector<256x4096xf32> to vector<256xf32>
    %broadcast_in_dim3A_41 = vector.shape_cast %reduce_min3A_40 : vector<256xf32> to vector<256x1xf32>
    %eq3A_42 = vector.broadcast %broadcast_in_dim3A_41 : vector<256x1xf32> to vector<256x4096xf32>
    %eq3A_43 = arith.cmpf oeq, %select_n3A_38, %eq3A_42 : vector<256x4096xf32>
    %jit3A_44 = arith.constant 4.096000e+03 : f32
    %broadcast_in_dim3A_45 = vector.broadcast %jit3A_44 : f32 to vector<256x4096xf32>
    %select_n3A_46 = arith.select %eq3A_43, %convert_element_type3A, %broadcast_in_dim3A_45 : vector<256x4096xi1>, vector<256x4096xf32>
    %reduce_min3A_47 = arith.constant dense<0x7F800000> : vector<256xf32>
    %reduce_min3A_48 = vector.multi_reduction <minimumf>, %select_n3A_46, %reduce_min3A_47 [1] : vector<256x4096xf32> to vector<256xf32>
    %broadcast_in_dim3A_49 = vector.shape_cast %reduce_min3A_48 : vector<256xf32> to vector<256x1xf32>
    %jit3A_50 = arith.constant 0x7F800000 : f32
    %broadcast_in_dim3A_51 = vector.broadcast %jit3A_50 : f32 to vector<256x4096xf32>
    %select_n3A_52 = arith.select %eq3A_43, %broadcast_in_dim3A_51, %select_n3A_38 : vector<256x4096xi1>, vector<256x4096xf32>
    %reduce_min3A_53 = arith.constant dense<0x7F800000> : vector<256xf32>
    %reduce_min3A_54 = vector.multi_reduction <minimumf>, %select_n3A_52, %reduce_min3A_53 [1] : vector<256x4096xf32> to vector<256xf32>
    %broadcast_in_dim3A_55 = vector.shape_cast %reduce_min3A_54 : vector<256xf32> to vector<256x1xf32>
    %eq3A_56 = vector.broadcast %broadcast_in_dim3A_55 : vector<256x1xf32> to vector<256x4096xf32>
    %eq3A_57 = arith.cmpf oeq, %select_n3A_52, %eq3A_56 : vector<256x4096xf32>
    %jit3A_58 = arith.constant 4.096000e+03 : f32
    %broadcast_in_dim3A_59 = vector.broadcast %jit3A_58 : f32 to vector<256x4096xf32>
    %select_n3A_60 = arith.select %eq3A_57, %convert_element_type3A, %broadcast_in_dim3A_59 : vector<256x4096xi1>, vector<256x4096xf32>
    %reduce_min3A_61 = arith.constant dense<0x7F800000> : vector<256xf32>
    %reduce_min3A_62 = vector.multi_reduction <minimumf>, %select_n3A_60, %reduce_min3A_61 [1] : vector<256x4096xf32> to vector<256xf32>
    %broadcast_in_dim3A_63 = vector.shape_cast %reduce_min3A_62 : vector<256xf32> to vector<256x1xf32>
    %jit3A_64 = arith.constant 0x7F800000 : f32
    %broadcast_in_dim3A_65 = vector.broadcast %jit3A_64 : f32 to vector<256x4096xf32>
    %select_n3A_66 = arith.select %eq3A_57, %broadcast_in_dim3A_65, %select_n3A_52 : vector<256x4096xi1>, vector<256x4096xf32>
    %reduce_min3A_67 = arith.constant dense<0x7F800000> : vector<256xf32>
    %reduce_min3A_68 = vector.multi_reduction <minimumf>, %select_n3A_66, %reduce_min3A_67 [1] : vector<256x4096xf32> to vector<256xf32>
    %broadcast_in_dim3A_69 = vector.shape_cast %reduce_min3A_68 : vector<256xf32> to vector<256x1xf32>
    %eq3A_70 = vector.broadcast %broadcast_in_dim3A_69 : vector<256x1xf32> to vector<256x4096xf32>
    %eq3A_71 = arith.cmpf oeq, %select_n3A_66, %eq3A_70 : vector<256x4096xf32>
    %jit3A_72 = arith.constant 4.096000e+03 : f32
    %broadcast_in_dim3A_73 = vector.broadcast %jit3A_72 : f32 to vector<256x4096xf32>
    %select_n3A_74 = arith.select %eq3A_71, %convert_element_type3A, %broadcast_in_dim3A_73 : vector<256x4096xi1>, vector<256x4096xf32>
    %reduce_min3A_75 = arith.constant dense<0x7F800000> : vector<256xf32>
    %reduce_min3A_76 = vector.multi_reduction <minimumf>, %select_n3A_74, %reduce_min3A_75 [1] : vector<256x4096xf32> to vector<256xf32>
    %broadcast_in_dim3A_77 = vector.shape_cast %reduce_min3A_76 : vector<256xf32> to vector<256x1xf32>
    %jit3A_78 = arith.constant 0x7F800000 : f32
    %broadcast_in_dim3A_79 = vector.broadcast %jit3A_78 : f32 to vector<256x4096xf32>
    %select_n3A_80 = arith.select %eq3A_71, %broadcast_in_dim3A_79, %select_n3A_66 : vector<256x4096xi1>, vector<256x4096xf32>
    %reduce_min3A_81 = arith.constant dense<0x7F800000> : vector<256xf32>
    %reduce_min3A_82 = vector.multi_reduction <minimumf>, %select_n3A_80, %reduce_min3A_81 [1] : vector<256x4096xf32> to vector<256xf32>
    %broadcast_in_dim3A_83 = vector.shape_cast %reduce_min3A_82 : vector<256xf32> to vector<256x1xf32>
    %eq3A_84 = vector.broadcast %broadcast_in_dim3A_83 : vector<256x1xf32> to vector<256x4096xf32>
    %eq3A_85 = arith.cmpf oeq, %select_n3A_80, %eq3A_84 : vector<256x4096xf32>
    %jit3A_86 = arith.constant 4.096000e+03 : f32
    %broadcast_in_dim3A_87 = vector.broadcast %jit3A_86 : f32 to vector<256x4096xf32>
    %select_n3A_88 = arith.select %eq3A_85, %convert_element_type3A, %broadcast_in_dim3A_87 : vector<256x4096xi1>, vector<256x4096xf32>
    %reduce_min3A_89 = arith.constant dense<0x7F800000> : vector<256xf32>
    %reduce_min3A_90 = vector.multi_reduction <minimumf>, %select_n3A_88, %reduce_min3A_89 [1] : vector<256x4096xf32> to vector<256xf32>
    %broadcast_in_dim3A_91 = vector.shape_cast %reduce_min3A_90 : vector<256xf32> to vector<256x1xf32>
    %jit3A_92 = arith.constant 0x7F800000 : f32
    %broadcast_in_dim3A_93 = vector.broadcast %jit3A_92 : f32 to vector<256x4096xf32>
    %select_n3A_94 = arith.select %eq3A_85, %broadcast_in_dim3A_93, %select_n3A_80 : vector<256x4096xi1>, vector<256x4096xf32>
    %reduce_min3A_95 = arith.constant dense<0x7F800000> : vector<256xf32>
    %reduce_min3A_96 = vector.multi_reduction <minimumf>, %select_n3A_94, %reduce_min3A_95 [1] : vector<256x4096xf32> to vector<256xf32>
    %broadcast_in_dim3A_97 = vector.shape_cast %reduce_min3A_96 : vector<256xf32> to vector<256x1xf32>
    %eq3A_98 = vector.broadcast %broadcast_in_dim3A_97 : vector<256x1xf32> to vector<256x4096xf32>
    %eq3A_99 = arith.cmpf oeq, %select_n3A_94, %eq3A_98 : vector<256x4096xf32>
    %jit3A_100 = arith.constant 4.096000e+03 : f32
    %broadcast_in_dim3A_101 = vector.broadcast %jit3A_100 : f32 to vector<256x4096xf32>
    %select_n3A_102 = arith.select %eq3A_99, %convert_element_type3A, %broadcast_in_dim3A_101 : vector<256x4096xi1>, vector<256x4096xf32>
    %reduce_min3A_103 = arith.constant dense<0x7F800000> : vector<256xf32>
    %reduce_min3A_104 = vector.multi_reduction <minimumf>, %select_n3A_102, %reduce_min3A_103 [1] : vector<256x4096xf32> to vector<256xf32>
    %broadcast_in_dim3A_105 = vector.shape_cast %reduce_min3A_104 : vector<256xf32> to vector<256x1xf32>
    %jit3A_106 = arith.constant 0x7F800000 : f32
    %broadcast_in_dim3A_107 = vector.broadcast %jit3A_106 : f32 to vector<256x4096xf32>
    %select_n3A_108 = arith.select %eq3A_99, %broadcast_in_dim3A_107, %select_n3A_94 : vector<256x4096xi1>, vector<256x4096xf32>
    %reduce_min3A_109 = arith.constant dense<0x7F800000> : vector<256xf32>
    %reduce_min3A_110 = vector.multi_reduction <minimumf>, %select_n3A_108, %reduce_min3A_109 [1] : vector<256x4096xf32> to vector<256xf32>
    %broadcast_in_dim3A_111 = vector.shape_cast %reduce_min3A_110 : vector<256xf32> to vector<256x1xf32>
    %eq3A_112 = vector.broadcast %broadcast_in_dim3A_111 : vector<256x1xf32> to vector<256x4096xf32>
    %eq3A_113 = arith.cmpf oeq, %select_n3A_108, %eq3A_112 : vector<256x4096xf32>
    %jit3A_114 = arith.constant 4.096000e+03 : f32
    %broadcast_in_dim3A_115 = vector.broadcast %jit3A_114 : f32 to vector<256x4096xf32>
    %select_n3A_116 = arith.select %eq3A_113, %convert_element_type3A, %broadcast_in_dim3A_115 : vector<256x4096xi1>, vector<256x4096xf32>
    %reduce_min3A_117 = arith.constant dense<0x7F800000> : vector<256xf32>
    %reduce_min3A_118 = vector.multi_reduction <minimumf>, %select_n3A_116, %reduce_min3A_117 [1] : vector<256x4096xf32> to vector<256xf32>
    %broadcast_in_dim3A_119 = vector.shape_cast %reduce_min3A_118 : vector<256xf32> to vector<256x1xf32>
    %jit3A_120 = arith.constant 0x7F800000 : f32
    %broadcast_in_dim3A_121 = vector.broadcast %jit3A_120 : f32 to vector<256x4096xf32>
    %select_n3A_122 = arith.select %eq3A_113, %broadcast_in_dim3A_121, %select_n3A_108 : vector<256x4096xi1>, vector<256x4096xf32>
    %reduce_min3A_123 = arith.constant dense<0x7F800000> : vector<256xf32>
    %reduce_min3A_124 = vector.multi_reduction <minimumf>, %select_n3A_122, %reduce_min3A_123 [1] : vector<256x4096xf32> to vector<256xf32>
    %broadcast_in_dim3A_125 = vector.shape_cast %reduce_min3A_124 : vector<256xf32> to vector<256x1xf32>
    %eq3A_126 = vector.broadcast %broadcast_in_dim3A_125 : vector<256x1xf32> to vector<256x4096xf32>
    %eq3A_127 = arith.cmpf oeq, %select_n3A_122, %eq3A_126 : vector<256x4096xf32>
    %jit3A_128 = arith.constant 4.096000e+03 : f32
    %broadcast_in_dim3A_129 = vector.broadcast %jit3A_128 : f32 to vector<256x4096xf32>
    %select_n3A_130 = arith.select %eq3A_127, %convert_element_type3A, %broadcast_in_dim3A_129 : vector<256x4096xi1>, vector<256x4096xf32>
    %reduce_min3A_131 = arith.constant dense<0x7F800000> : vector<256xf32>
    %reduce_min3A_132 = vector.multi_reduction <minimumf>, %select_n3A_130, %reduce_min3A_131 [1] : vector<256x4096xf32> to vector<256xf32>
    %broadcast_in_dim3A_133 = vector.shape_cast %reduce_min3A_132 : vector<256xf32> to vector<256x1xf32>
    %jit3A_134 = arith.constant 0x7F800000 : f32
    %broadcast_in_dim3A_135 = vector.broadcast %jit3A_134 : f32 to vector<256x4096xf32>
    %select_n3A_136 = arith.select %eq3A_127, %broadcast_in_dim3A_135, %select_n3A_122 : vector<256x4096xi1>, vector<256x4096xf32>
    %reduce_min3A_137 = arith.constant dense<0x7F800000> : vector<256xf32>
    %reduce_min3A_138 = vector.multi_reduction <minimumf>, %select_n3A_136, %reduce_min3A_137 [1] : vector<256x4096xf32> to vector<256xf32>
    %broadcast_in_dim3A_139 = vector.shape_cast %reduce_min3A_138 : vector<256xf32> to vector<256x1xf32>
    %eq3A_140 = vector.broadcast %broadcast_in_dim3A_139 : vector<256x1xf32> to vector<256x4096xf32>
    %eq3A_141 = arith.cmpf oeq, %select_n3A_136, %eq3A_140 : vector<256x4096xf32>
    %jit3A_142 = arith.constant 4.096000e+03 : f32
    %broadcast_in_dim3A_143 = vector.broadcast %jit3A_142 : f32 to vector<256x4096xf32>
    %select_n3A_144 = arith.select %eq3A_141, %convert_element_type3A, %broadcast_in_dim3A_143 : vector<256x4096xi1>, vector<256x4096xf32>
    %reduce_min3A_145 = arith.constant dense<0x7F800000> : vector<256xf32>
    %reduce_min3A_146 = vector.multi_reduction <minimumf>, %select_n3A_144, %reduce_min3A_145 [1] : vector<256x4096xf32> to vector<256xf32>
    %broadcast_in_dim3A_147 = vector.shape_cast %reduce_min3A_146 : vector<256xf32> to vector<256x1xf32>
    %jit3A_148 = arith.constant 0x7F800000 : f32
    %broadcast_in_dim3A_149 = vector.broadcast %jit3A_148 : f32 to vector<256x4096xf32>
    %select_n3A_150 = arith.select %eq3A_141, %broadcast_in_dim3A_149, %select_n3A_136 : vector<256x4096xi1>, vector<256x4096xf32>
    %reduce_min3A_151 = arith.constant dense<0x7F800000> : vector<256xf32>
    %reduce_min3A_152 = vector.multi_reduction <minimumf>, %select_n3A_150, %reduce_min3A_151 [1] : vector<256x4096xf32> to vector<256xf32>
    %broadcast_in_dim3A_153 = vector.shape_cast %reduce_min3A_152 : vector<256xf32> to vector<256x1xf32>
    %eq3A_154 = vector.broadcast %broadcast_in_dim3A_153 : vector<256x1xf32> to vector<256x4096xf32>
    %eq3A_155 = arith.cmpf oeq, %select_n3A_150, %eq3A_154 : vector<256x4096xf32>
    %jit3A_156 = arith.constant 4.096000e+03 : f32
    %broadcast_in_dim3A_157 = vector.broadcast %jit3A_156 : f32 to vector<256x4096xf32>
    %select_n3A_158 = arith.select %eq3A_155, %convert_element_type3A, %broadcast_in_dim3A_157 : vector<256x4096xi1>, vector<256x4096xf32>
    %reduce_min3A_159 = arith.constant dense<0x7F800000> : vector<256xf32>
    %reduce_min3A_160 = vector.multi_reduction <minimumf>, %select_n3A_158, %reduce_min3A_159 [1] : vector<256x4096xf32> to vector<256xf32>
    %broadcast_in_dim3A_161 = vector.shape_cast %reduce_min3A_160 : vector<256xf32> to vector<256x1xf32>
    %jit3A_162 = arith.constant 0x7F800000 : f32
    %broadcast_in_dim3A_163 = vector.broadcast %jit3A_162 : f32 to vector<256x4096xf32>
    %select_n3A_164 = arith.select %eq3A_155, %broadcast_in_dim3A_163, %select_n3A_150 : vector<256x4096xi1>, vector<256x4096xf32>
    %reduce_min3A_165 = arith.constant dense<0x7F800000> : vector<256xf32>
    %reduce_min3A_166 = vector.multi_reduction <minimumf>, %select_n3A_164, %reduce_min3A_165 [1] : vector<256x4096xf32> to vector<256xf32>
    %broadcast_in_dim3A_167 = vector.shape_cast %reduce_min3A_166 : vector<256xf32> to vector<256x1xf32>
    %eq3A_168 = vector.broadcast %broadcast_in_dim3A_167 : vector<256x1xf32> to vector<256x4096xf32>
    %eq3A_169 = arith.cmpf oeq, %select_n3A_164, %eq3A_168 : vector<256x4096xf32>
    %jit3A_170 = arith.constant 4.096000e+03 : f32
    %broadcast_in_dim3A_171 = vector.broadcast %jit3A_170 : f32 to vector<256x4096xf32>
    %select_n3A_172 = arith.select %eq3A_169, %convert_element_type3A, %broadcast_in_dim3A_171 : vector<256x4096xi1>, vector<256x4096xf32>
    %reduce_min3A_173 = arith.constant dense<0x7F800000> : vector<256xf32>
    %reduce_min3A_174 = vector.multi_reduction <minimumf>, %select_n3A_172, %reduce_min3A_173 [1] : vector<256x4096xf32> to vector<256xf32>
    %broadcast_in_dim3A_175 = vector.shape_cast %reduce_min3A_174 : vector<256xf32> to vector<256x1xf32>
    %jit3A_176 = arith.constant 0x7F800000 : f32
    %broadcast_in_dim3A_177 = vector.broadcast %jit3A_176 : f32 to vector<256x4096xf32>
    %select_n3A_178 = arith.select %eq3A_169, %broadcast_in_dim3A_177, %select_n3A_164 : vector<256x4096xi1>, vector<256x4096xf32>
    %reduce_min3A_179 = arith.constant dense<0x7F800000> : vector<256xf32>
    %reduce_min3A_180 = vector.multi_reduction <minimumf>, %select_n3A_178, %reduce_min3A_179 [1] : vector<256x4096xf32> to vector<256xf32>
    %broadcast_in_dim3A_181 = vector.shape_cast %reduce_min3A_180 : vector<256xf32> to vector<256x1xf32>
    %eq3A_182 = vector.broadcast %broadcast_in_dim3A_181 : vector<256x1xf32> to vector<256x4096xf32>
    %eq3A_183 = arith.cmpf oeq, %select_n3A_178, %eq3A_182 : vector<256x4096xf32>
    %jit3A_184 = arith.constant 4.096000e+03 : f32
    %broadcast_in_dim3A_185 = vector.broadcast %jit3A_184 : f32 to vector<256x4096xf32>
    %select_n3A_186 = arith.select %eq3A_183, %convert_element_type3A, %broadcast_in_dim3A_185 : vector<256x4096xi1>, vector<256x4096xf32>
    %reduce_min3A_187 = arith.constant dense<0x7F800000> : vector<256xf32>
    %reduce_min3A_188 = vector.multi_reduction <minimumf>, %select_n3A_186, %reduce_min3A_187 [1] : vector<256x4096xf32> to vector<256xf32>
    %broadcast_in_dim3A_189 = vector.shape_cast %reduce_min3A_188 : vector<256xf32> to vector<256x1xf32>
    %jit3A_190 = arith.constant 0x7F800000 : f32
    %broadcast_in_dim3A_191 = vector.broadcast %jit3A_190 : f32 to vector<256x4096xf32>
    %select_n3A_192 = arith.select %eq3A_183, %broadcast_in_dim3A_191, %select_n3A_178 : vector<256x4096xi1>, vector<256x4096xf32>
    %reduce_min3A_193 = arith.constant dense<0x7F800000> : vector<256xf32>
    %reduce_min3A_194 = vector.multi_reduction <minimumf>, %select_n3A_192, %reduce_min3A_193 [1] : vector<256x4096xf32> to vector<256xf32>
    %broadcast_in_dim3A_195 = vector.shape_cast %reduce_min3A_194 : vector<256xf32> to vector<256x1xf32>
    %eq3A_196 = vector.broadcast %broadcast_in_dim3A_195 : vector<256x1xf32> to vector<256x4096xf32>
    %eq3A_197 = arith.cmpf oeq, %select_n3A_192, %eq3A_196 : vector<256x4096xf32>
    %jit3A_198 = arith.constant 4.096000e+03 : f32
    %broadcast_in_dim3A_199 = vector.broadcast %jit3A_198 : f32 to vector<256x4096xf32>
    %select_n3A_200 = arith.select %eq3A_197, %convert_element_type3A, %broadcast_in_dim3A_199 : vector<256x4096xi1>, vector<256x4096xf32>
    %reduce_min3A_201 = arith.constant dense<0x7F800000> : vector<256xf32>
    %reduce_min3A_202 = vector.multi_reduction <minimumf>, %select_n3A_200, %reduce_min3A_201 [1] : vector<256x4096xf32> to vector<256xf32>
    %broadcast_in_dim3A_203 = vector.shape_cast %reduce_min3A_202 : vector<256xf32> to vector<256x1xf32>
    %jit3A_204 = arith.constant 0x7F800000 : f32
    %broadcast_in_dim3A_205 = vector.broadcast %jit3A_204 : f32 to vector<256x4096xf32>
    %select_n3A_206 = arith.select %eq3A_197, %broadcast_in_dim3A_205, %select_n3A_192 : vector<256x4096xi1>, vector<256x4096xf32>
    %reduce_min3A_207 = arith.constant dense<0x7F800000> : vector<256xf32>
    %reduce_min3A_208 = vector.multi_reduction <minimumf>, %select_n3A_206, %reduce_min3A_207 [1] : vector<256x4096xf32> to vector<256xf32>
    %broadcast_in_dim3A_209 = vector.shape_cast %reduce_min3A_208 : vector<256xf32> to vector<256x1xf32>
    %eq3A_210 = vector.broadcast %broadcast_in_dim3A_209 : vector<256x1xf32> to vector<256x4096xf32>
    %eq3A_211 = arith.cmpf oeq, %select_n3A_206, %eq3A_210 : vector<256x4096xf32>
    %jit3A_212 = arith.constant 4.096000e+03 : f32
    %broadcast_in_dim3A_213 = vector.broadcast %jit3A_212 : f32 to vector<256x4096xf32>
    %select_n3A_214 = arith.select %eq3A_211, %convert_element_type3A, %broadcast_in_dim3A_213 : vector<256x4096xi1>, vector<256x4096xf32>
    %reduce_min3A_215 = arith.constant dense<0x7F800000> : vector<256xf32>
    %reduce_min3A_216 = vector.multi_reduction <minimumf>, %select_n3A_214, %reduce_min3A_215 [1] : vector<256x4096xf32> to vector<256xf32>
    %broadcast_in_dim3A_217 = vector.shape_cast %reduce_min3A_216 : vector<256xf32> to vector<256x1xf32>
    %jit3A_218 = arith.constant 0x7F800000 : f32
    %broadcast_in_dim3A_219 = vector.broadcast %jit3A_218 : f32 to vector<256x4096xf32>
    %select_n3A_220 = arith.select %eq3A_211, %broadcast_in_dim3A_219, %select_n3A_206 : vector<256x4096xi1>, vector<256x4096xf32>
    %reduce_min3A_221 = arith.constant dense<0x7F800000> : vector<256xf32>
    %reduce_min3A_222 = vector.multi_reduction <minimumf>, %select_n3A_220, %reduce_min3A_221 [1] : vector<256x4096xf32> to vector<256xf32>
    %broadcast_in_dim3A_223 = vector.shape_cast %reduce_min3A_222 : vector<256xf32> to vector<256x1xf32>
    %eq3A_224 = vector.broadcast %broadcast_in_dim3A_223 : vector<256x1xf32> to vector<256x4096xf32>
    %eq3A_225 = arith.cmpf oeq, %select_n3A_220, %eq3A_224 : vector<256x4096xf32>
    %jit3A_226 = arith.constant 4.096000e+03 : f32
    %broadcast_in_dim3A_227 = vector.broadcast %jit3A_226 : f32 to vector<256x4096xf32>
    %select_n3A_228 = arith.select %eq3A_225, %convert_element_type3A, %broadcast_in_dim3A_227 : vector<256x4096xi1>, vector<256x4096xf32>
    %reduce_min3A_229 = arith.constant dense<0x7F800000> : vector<256xf32>
    %reduce_min3A_230 = vector.multi_reduction <minimumf>, %select_n3A_228, %reduce_min3A_229 [1] : vector<256x4096xf32> to vector<256xf32>
    %broadcast_in_dim3A_231 = vector.shape_cast %reduce_min3A_230 : vector<256xf32> to vector<256x1xf32>
    %concatenate3A = tpu.concatenate %broadcast_in_dim3A_21, %broadcast_in_dim3A_35, %broadcast_in_dim3A_49, %broadcast_in_dim3A_63, %broadcast_in_dim3A_77, %broadcast_in_dim3A_91, %broadcast_in_dim3A_105, %broadcast_in_dim3A_119, %broadcast_in_dim3A_133, %broadcast_in_dim3A_147, %broadcast_in_dim3A_161, %broadcast_in_dim3A_175, %broadcast_in_dim3A_189, %broadcast_in_dim3A_203, %broadcast_in_dim3A_217, %broadcast_in_dim3A_231 in 1 : vector<256x1xf32>, vector<256x1xf32>, vector<256x1xf32>, vector<256x1xf32>, vector<256x1xf32>, vector<256x1xf32>, vector<256x1xf32>, vector<256x1xf32>, vector<256x1xf32>, vector<256x1xf32>, vector<256x1xf32>, vector<256x1xf32>, vector<256x1xf32>, vector<256x1xf32>, vector<256x1xf32>, vector<256x1xf32> -> vector<256x16xf32>
    %convert_element_type3A_232 = arith.fptosi %concatenate3A : vector<256x16xf32> to vector<256x16xi32>
    %add3A = arith.constant 2 : i32
    %add3A_233 = arith.addi %arg0, %add3A : i32
    %mul3A_234 = arith.constant 4096 : i32
    %mul3A_235 = arith.muli %add3A_233, %mul3A_234 : i32
    %add3A_236 = vector.broadcast %mul3A_235 : i32 to vector<256x16xi32>
    %add3A_237 = arith.addi %convert_element_type3A_232, %add3A_236 : vector<256x16xi32>
    %swap3A = arith.constant 0 : index
    %swap3A_238 = arith.constant 0 : index
    %swap3A_239 = arith.constant 0 : index
    %swap3A_240 = vector.load %arg4[%swap3A, %swap3A_238, %swap3A_239] : memref<1x256x16xi32, #tpu.memory_space<vmem>>, vector<1x256x16xi32>
    %swap3A_241 = vector.shape_cast %swap3A_240 : vector<1x256x16xi32> to vector<256x16xi32>
    %swap3A_242 = vector.shape_cast %add3A_237 : vector<256x16xi32> to vector<1x256x16xi32>
    tpu.vector_store %arg4[%swap3A, %swap3A_238, %swap3A_239], %swap3A_242 {strides = array<i32>} : memref<1x256x16xi32, #tpu.memory_space<vmem>>, vector<1x256x16xi32>,
    return
  }
  func.func @transform_0(%arg0: i32, %arg1: i32) -> (i32, i32, i32) {
    %c0_i32 = arith.constant 0 : i32
    %c0_i32_0 = arith.constant 0 : i32
    %c0_i32_1 = arith.constant 0 : i32
    return %arg0, %c0_i32, %c0_i32_0 : i32, i32, i32
  }
  func.func @transform_1(%arg0: i32, %arg1: i32) -> (i32, i32, i32) {
    %c0_i32 = arith.constant 0 : i32
    %c0_i32_0 = arith.constant 0 : i32
    return %arg0, %arg1, %c0_i32 : i32, i32, i32
  }
  func.func @transform_2(%arg0: i32, %arg1: i32) -> (i32, i32, i32) {
    %c0_i32 = arith.constant 0 : i32
    %c0_i32_0 = arith.constant 0 : i32
    return %arg0, %arg1, %c0_i32 : i32, i32, i32
  }
}

module attributes {stable_mosaic.version = 14 : i64} {
  func.func @_mlp_body(%arg0: i32, %arg1: memref<4096x256xf32, #tpu.memory_space<vmem>>, %arg2: memref<256x256xf32, #tpu.memory_space<vmem>>, %arg3: memref<128x256xf32, #tpu.memory_space<vmem>>, %arg4: memref<8x256xf32, #tpu.memory_space<vmem>>, %arg5: memref<1x256xf32, #tpu.memory_space<vmem>>, %arg6: memref<256x256xf32, #tpu.memory_space<vmem>>, %arg7: memref<1x256xf32, #tpu.memory_space<vmem>>, %arg8: memref<256x256xf32, #tpu.memory_space<vmem>>) attributes {dimension_semantics = [#tpu.dimension_semantics<parallel>], iteration_bounds = array<i64: 8>, scalar_prefetch = 0 : i64, scratch_operands = 0 : i64, tpu.core_type = #tpu.core_type<tc>, window_params = [{transform_indices = @transform_0, window_bounds = array<i64: 4096, 256>}, {transform_indices = @transform_1, window_bounds = array<i64: 256, 256>}, {pipeline_mode = #tpu.pipeline_mode<synchronous>, transform_indices = @transform_2, window_bounds = array<i64: 128, 256>}, {pipeline_mode = #tpu.pipeline_mode<synchronous>, transform_indices = @transform_3, window_bounds = array<i64: 8, 256>}, {pipeline_mode = #tpu.pipeline_mode<synchronous>, transform_indices = @transform_4, window_bounds = array<i64: 1, 256>}, {pipeline_mode = #tpu.pipeline_mode<synchronous>, transform_indices = @transform_5, window_bounds = array<i64: 256, 256>}, {pipeline_mode = #tpu.pipeline_mode<synchronous>, transform_indices = @transform_6, window_bounds = array<i64: 1, 256>}, {transform_indices = @transform_7, window_bounds = array<i64: 256, 256>}]} {
    %get3A = arith.constant 0 : index
    %get3A_0 = arith.constant 0 : index
    %get3A_1 = vector.load %arg1[%get3A, %get3A_0] : memref<4096x256xf32, #tpu.memory_space<vmem>>, vector<4096x128xf32>
    %get3A_2 = arith.constant 0 : index
    %get3A_3 = arith.constant 128 : index
    %get3A_4 = vector.load %arg1[%get3A_2, %get3A_3] : memref<4096x256xf32, #tpu.memory_space<vmem>>, vector<4096x8xf32>
    %get3A_5 = arith.constant 0 : index
    %get3A_6 = arith.constant 128 : index
    %get3A_7 = vector.load %arg2[%get3A_5, %get3A_6] : memref<256x256xf32, #tpu.memory_space<vmem>>, vector<256x8xf32>
    %get3A_8 = arith.constant 0 : index
    %get3A_9 = arith.constant 0 : index
    %get3A_10 = vector.load %arg4[%get3A_8, %get3A_9] : memref<8x256xf32, #tpu.memory_space<vmem>>, vector<8x256xf32>
    %get3A_11 = arith.constant 0 : index
    %get3A_12 = arith.constant 0 : index
    %get3A_13 = vector.load %arg3[%get3A_11, %get3A_12] : memref<128x256xf32, #tpu.memory_space<vmem>>, vector<128x256xf32>
    %dot_general3A = arith.constant dense<0.000000e+00> : vector<4096x256xf32>
    %dot_general3A_14 = tpu.matmul %get3A_1, %get3A_13, %dot_general3A {dimension_numbers = #tpu.dot_dimension_numbers<[1], [0], [0], [1], [0, 0, 1, 1], [], []>, transpose_lhs_hint = false} : vector<4096x128xf32>, vector<128x256xf32>, vector<4096x256xf32> -> vector<4096x256xf32>
    %dot_general3A_15 = arith.constant dense<0.000000e+00> : vector<4096x256xf32>
    %dot_general3A_16 = tpu.matmul %get3A_4, %get3A_10, %dot_general3A_15 {dimension_numbers = #tpu.dot_dimension_numbers<[1], [0], [0], [1], [0, 0, 1, 1], [], []>, transpose_lhs_hint = false} : vector<4096x8xf32>, vector<8x256xf32>, vector<4096x256xf32> -> vector<4096x256xf32>
    %add3A = arith.addf %dot_general3A_14, %dot_general3A_16 : vector<4096x256xf32>
    %get3A_17 = arith.constant 0 : index
    %get3A_18 = arith.constant 0 : index
    %get3A_19 = vector.load %arg5[%get3A_17, %get3A_18] : memref<1x256xf32, #tpu.memory_space<vmem>>, vector<1x256xf32>
    %add3A_20 = vector.broadcast %get3A_19 : vector<1x256xf32> to vector<4096x256xf32>
    %add3A_21 = arith.addf %add3A, %add3A_20 : vector<4096x256xf32>
    %dot_general3A_22 = arith.constant dense<0.000000e+00> : vector<256x256xf32>
    %dot_general3A_23 = tpu.matmul %get3A_7, %get3A_10, %dot_general3A_22 {dimension_numbers = #tpu.dot_dimension_numbers<[1], [0], [0], [1], [0, 0, 1, 1], [], []>, transpose_lhs_hint = false} : vector<256x8xf32>, vector<8x256xf32>, vector<256x256xf32> -> vector<256x256xf32>
    %reshape3A = vector.shape_cast %add3A_21 : vector<4096x256xf32> to vector<256x16x256xf32>
    %broadcast_in_dim3A = vector.shape_cast %dot_general3A_23 : vector<256x256xf32> to vector<256x1x256xf32>
    %sub3A = vector.broadcast %broadcast_in_dim3A : vector<256x1x256xf32> to vector<256x16x256xf32>
    %sub3A_24 = arith.subf %reshape3A, %sub3A : vector<256x16x256xf32>
    %max3A = arith.constant 0.000000e+00 : f32
    %max3A_25 = vector.broadcast %max3A : f32 to vector<256x16x256xf32>
    %max3A_26 = arith.maximumf %sub3A_24, %max3A_25 : vector<256x16x256xf32>
    %reshape3A_27 = vector.shape_cast %max3A_26 : vector<256x16x256xf32> to vector<4096x256xf32>
    %get3A_28 = arith.constant 0 : index
    %get3A_29 = arith.constant 0 : index
    %get3A_30 = vector.load %arg6[%get3A_28, %get3A_29] : memref<256x256xf32, #tpu.memory_space<vmem>>, vector<256x256xf32>
    %dot_general3A_31 = arith.constant dense<0.000000e+00> : vector<4096x256xf32>
    %dot_general3A_32 = tpu.matmul %reshape3A_27, %get3A_30, %dot_general3A_31 {dimension_numbers = #tpu.dot_dimension_numbers<[1], [0], [0], [1], [0, 0, 1, 1], [], []>, transpose_lhs_hint = false} : vector<4096x256xf32>, vector<256x256xf32>, vector<4096x256xf32> -> vector<4096x256xf32>
    %get3A_33 = arith.constant 0 : index
    %get3A_34 = arith.constant 0 : index
    %get3A_35 = vector.load %arg7[%get3A_33, %get3A_34] : memref<1x256xf32, #tpu.memory_space<vmem>>, vector<1x256xf32>
    %add3A_36 = vector.broadcast %get3A_35 : vector<1x256xf32> to vector<4096x256xf32>
    %add3A_37 = arith.addf %dot_general3A_32, %add3A_36 : vector<4096x256xf32>
    %reshape3A_38 = vector.shape_cast %add3A_37 : vector<4096x256xf32> to vector<256x16x256xf32>
    %reduce_max3A = arith.constant dense<0xFF800000> : vector<256x256xf32>
    %reduce_max3A_39 = vector.multi_reduction <maximumf>, %reshape3A_38, %reduce_max3A [1] : vector<256x16x256xf32> to vector<256x256xf32>
    %swap3A = arith.constant 0 : index
    %swap3A_40 = arith.constant 0 : index
    %swap3A_41 = vector.load %arg8[%swap3A, %swap3A_40] : memref<256x256xf32, #tpu.memory_space<vmem>>, vector<256x256xf32>
    tpu.vector_store %arg8[%swap3A, %swap3A_40], %reduce_max3A_39 {strides = array<i32>} : memref<256x256xf32, #tpu.memory_space<vmem>>, vector<256x256xf32>,
    return
  }
  func.func @transform_0(%arg0: i32) -> (i32, i32) {
    %c0_i32 = arith.constant 0 : i32
    %c0_i32_0 = arith.constant 0 : i32
    return %arg0, %c0_i32 : i32, i32
  }
  func.func @transform_1(%arg0: i32) -> (i32, i32) {
    %c0_i32 = arith.constant 0 : i32
    %c0_i32_0 = arith.constant 0 : i32
    return %arg0, %c0_i32 : i32, i32
  }
  func.func @transform_2(%arg0: i32) -> (i32, i32) {
    %c0_i32 = arith.constant 0 : i32
    %c0_i32_0 = arith.constant 0 : i32
    %c0_i32_1 = arith.constant 0 : i32
    return %c0_i32, %c0_i32_0 : i32, i32
  }
  func.func @transform_3(%arg0: i32) -> (i32, i32) {
    %c0_i32 = arith.constant 0 : i32
    %c0_i32_0 = arith.constant 0 : i32
    %c0_i32_1 = arith.constant 0 : i32
    return %c0_i32, %c0_i32_0 : i32, i32
  }
  func.func @transform_4(%arg0: i32) -> (i32, i32) {
    %c0_i32 = arith.constant 0 : i32
    %c0_i32_0 = arith.constant 0 : i32
    %c0_i32_1 = arith.constant 0 : i32
    return %c0_i32, %c0_i32_0 : i32, i32
  }
  func.func @transform_5(%arg0: i32) -> (i32, i32) {
    %c0_i32 = arith.constant 0 : i32
    %c0_i32_0 = arith.constant 0 : i32
    %c0_i32_1 = arith.constant 0 : i32
    return %c0_i32, %c0_i32_0 : i32, i32
  }
  func.func @transform_6(%arg0: i32) -> (i32, i32) {
    %c0_i32 = arith.constant 0 : i32
    %c0_i32_0 = arith.constant 0 : i32
    %c0_i32_1 = arith.constant 0 : i32
    return %c0_i32, %c0_i32_0 : i32, i32
  }
  func.func @transform_7(%arg0: i32) -> (i32, i32) {
    %c0_i32 = arith.constant 0 : i32
    %c0_i32_0 = arith.constant 0 : i32
    return %arg0, %c0_i32 : i32, i32
  }
}

</mosaic_0001>

<sc_bundles>
// kernel: kernel.15.cloned.1.call-start
scs
__scs_entry_jumppad:
0x0: {  	(pc) =	sbr.rel $0x88, $3  }
0x1: {  	(tag) =	ssettag $0x0;
	lr =	simm.s32 $0x1  }
0x2: {  	[smem:$0x3F92] =	sst lr;
	_ =	strace $0xD0000000  }
0x3: {  	_ = 	snop  }
0x4: {  	_ = 	snop  }
0x5: {  	_ = 	snop  }
0x6: {  	_ = 	snop  }
0x7: {  	_ = 	snop  }
__scs_overlays_trampoline_lowered:
0x8: {  	[smem:$0x3FA1] =	sst s0  }
0x9: {  	[smem:$0x3FA2] =	sst s1  }
0xa: {  	[smem:$0x3FA3] =	sst s2  }
0xb: {  	[smem:$0x3FA4] =	sst s3  }
0xc: {  	[smem:$0x3FA5] =	sst s4  }
0xd: {  	[smem:$0x3FA6] =	sst s5  }
0xe: {  	[smem:$0x3FA7] =	sst s6  }
0xf: {  	[smem:$0x3FA8] =	sst s7  }
0x10: {  	[smem:$0x3FA9] =	sst s8  }
0x11: {  	[smem:$0x3FAA] =	sst s9;
	s0 =	simm.s32 @!p0 $0x0  }
0x12: {  	s1 =	sld [smem:$0x3F90];
	s0 =	simm.s32 @p0 $0x1  }
0x13: {  	[smem:$0x3FAB] =	sst s0;
	s0 =	simm.s32 @!p1 $0x0  }
0x14: {  	s2 =	sld [smem:$0x3F8F];
	s0 =	simm.s32 @p1 $0x1  }
0x15: {  	[smem:$0x3FAC] =	sst s0;
	s0 =	simm.s32 @!p2 $0x0  }
0x16: {  	s3 =	sld [smem:$0x3FDB];
	s0 =	simm.s32 @p2 $0x1  }
0x17: {  	s4 =	simm.s32 $0x1BF5;
	[smem:$0x3FAE] =	sst s0  }
0x18: {  	s0 =	sld [smem:$0x3F91];
	_ =	swait.ge [sflag:s4], $0x0  }
0x19: {  	s7 =	sld [smem:$0x3F92]  }
0x1a: {  	s8 =	sadd.s32 $0xFFFFE003, lr  }
0x1b: {  	s9 =	sadd.s32 $0xFFFFFEF7, lr;
	s5 =	simm.s32 $0xFFFFFFFF;
	p2 =	slt.u32 s8, $0xFFFFF086  }
0x1c: {  	p1 =	slt.u32 s9, $0xF7A;
	s5 =	simm.s32 @!p2 $0x0  }
0x1d: {  	s5 =	simm.s32 @p1 $0x1;
	p0 =	seq.s32 s7, s2  }
0x1e: {  	s7 =	smul.u32 @!p0 $0xF7A, s2;
	p2 =	seq.s32 @!p0 s5, $0x0  }
0x1f: {  	s9 =	smul.u32 $0xF7A, s1;
	s8 =	simm.s32 @!p0 $0x1BF5;
	p2 =	por !p2, p0  }
0x20: {  	[sflag:s8] =	ssyncset.s32 @!p0 $0xFFFFF086;
	s6 =	sadd.s32 @!p0 s3, s7;
	s7 =	simm.s32 @!p0 $0x108  }
0x21: {  	s3 =	sadd.s32 s3, s9;
	s6 =	sadd.s32 @!p0 $0x88, s6;
	s7 =	simm.s32 @p2 $0x1082  }
0x22: {  	[simem:s7], [sflag:s8] =	dma.local @!p0 [hbm:s6], $0xF7A  }
0x23: {  	s9 =	sor.u32 $0xD0000000, s2;
	s6 =	simm.s32 $0x108;
	_ =	swait.ge @!p0 [sflag:s8], $0x0  }
0x24: {  	s3 =	sadd.s32 $0x88, s3;
	s6 =	simm.s32 @!p1 $0x1082;
	[sflag:s4] =	ssyncset.s32 $0xFFFFF086  }
0x25: {  	[simem:s6], [sflag:s4] =	dma.local [hbm:s3], $0xF7A  }
0x26: {  	[smem:$0x3F92] =	sst s1;
	(tag) =	ssettag s2;
	_ =	strace s9  }
0x27: {  	s1 =	sld [smem:$0x3FA2]  }
0x28: {  	s2 =	sld [smem:$0x3FA3]  }
0x29: {  	s4 =	sld [smem:$0x3FA5]  }
0x2a: {  	p0 =	seq.s32 s5, $0x0;
	s5 =	sld [smem:$0x3FA6]  }
0x2b: {  	s6 =	sld [smem:$0x3FA7]  }
0x2c: {  	s7 =	sld [smem:$0x3FA8]  }
0x2d: {  	s3 =	simm.s32 $0x108;
	s8 =	sld [smem:$0x3FA9]  }
0x2e: {  	s3 =	simm.s32 @!p0 $0x1082;
	s9 =	sld [smem:$0x3FAA]  }
0x2f: {  	lr =	sadd.s32 s0, s3;
	s0 =	sld [smem:$0x3FA1]  }
0x30: {  	s3 =	sld [smem:$0x3FA4]  }
0x31: {  	[smem:$0x3FAD] =	sst s10  }
0x32: {  	s10 =	sld [smem:$0x3FAB];
	_ =	sdelay $0x3  }
0x33: {  	p0 =	seq.s32 s10, $0x1;
	s10 =	sld [smem:$0x3FAD];
	_ =	sdelay $0x3  }
0x34: {  	[smem:$0x3FAD] =	sst s10  }
0x35: {  	s10 =	sld [smem:$0x3FAC];
	_ =	sdelay $0x3  }
0x36: {  	p1 =	seq.s32 s10, $0x1;
	s10 =	sld [smem:$0x3FAD];
	_ =	sdelay $0x3  }
0x37: {  	[smem:$0x3FAD] =	sst s10  }
0x38: {  	s10 =	sld [smem:$0x3FAE]  }
0x39: {  	_ = 	snop;
	(pc) =	sbr.ind lr, $3  }
0x3a: {  	_ = 	snop  }
0x3b: {  	_ = 	snop  }
0x3c: {  	p2 =	seq.s32 s10, $0x1;
	s10 =	sld [smem:$0x3FAD]  }
0x3d: {  	_ =	shalt  }
0x3e: {  	_ =	shalt  }
0x3f: {  	_ =	shalt  }
0x40: {  	_ =	shalt  }
0x41: {  	_ =	shalt  }
0x42: {  	_ =	shalt  }
0x43: {  	_ =	shalt  }
0x44: {  	_ =	shalt  }
0x45: {  	_ =	shalt  }
0x46: {  	_ =	shalt  }
0x47: {  	_ =	shalt  }
0x48: {  	_ =	shalt  }
0x49: {  	_ =	shalt  }
0x4a: {  	_ =	shalt  }
0x4b: {  	_ =	shalt  }
0x4c: {  	_ =	shalt  }
0x4d: {  	_ =	shalt  }
0x4e: {  	_ =	shalt  }
0x4f: {  	_ =	shalt  }
0x50: {  	_ =	shalt  }
0x51: {  	_ =	shalt  }
0x52: {  	_ =	shalt  }
0x53: {  	_ =	shalt  }
0x54: {  	_ =	shalt  }
0x55: {  	_ =	shalt  }
0x56: {  	_ =	shalt  }
0x57: {  	_ =	shalt  }
0x58: {  	_ =	shalt  }
0x59: {  	_ =	shalt  }
0x5a: {  	_ =	shalt  }
0x5b: {  	_ =	shalt  }
0x5c: {  	_ =	shalt  }
0x5d: {  	_ =	shalt  }
0x5e: {  	_ =	shalt  }
0x5f: {  	_ =	shalt  }
0x60: {  	_ =	shalt  }
0x61: {  	_ =	shalt  }
0x62: {  	_ =	shalt  }
0x63: {  	_ =	shalt  }
0x64: {  	_ =	shalt  }
0x65: {  	_ =	shalt  }
0x66: {  	_ =	shalt  }
0x67: {  	_ =	shalt  }
0x68: {  	_ =	shalt  }
0x69: {  	_ =	shalt  }
0x6a: {  	_ =	shalt  }
0x6b: {  	_ =	shalt  }
0x6c: {  	_ =	shalt  }
0x6d: {  	_ =	shalt  }
0x6e: {  	_ =	shalt  }
0x6f: {  	_ =	shalt  }
0x70: {  	_ =	shalt  }
0x71: {  	_ =	shalt  }
0x72: {  	_ =	shalt  }
0x73: {  	_ =	shalt  }
0x74: {  	_ =	shalt  }
0x75: {  	_ =	shalt  }
0x76: {  	_ =	shalt  }
0x77: {  	_ =	shalt  }
0x78: {  	_ =	shalt  }
0x79: {  	_ =	shalt  }
0x7a: {  	_ =	shalt  }
0x7b: {  	_ =	shalt  }
0x7c: {  	_ =	shalt  }
0x7d: {  	_ =	shalt  }
0x7e: {  	_ =	shalt  }
0x7f: {  	_ =	shalt  }
0x80: {  	_ =	shalt  }
0x81: {  	_ =	shalt  }
0x82: {  	_ =	shalt  }
0x83: {  	_ =	shalt  }
0x84: {  	_ =	shalt  }
0x85: {  	_ =	shalt  }
0x86: {  	_ =	shalt  }
0x87: {  	_ =	shalt  }
.Lfunc_end0:
.L_simem_size_0:
called_computation_lowered:
.L_overlay_start_0:
0x88: {  	s2 =	sld [smem:$0x3FD9]  }
0x89: {  	s3 =	sld [smem:$0x3FFE];
	_ =	sdelay $0x1  }
0x8a: {  	s1 =	srdreg.scid  }
0x8b: {  	s0 =	sand.u32 $0x1, s1  }
0x8c: {  	s17 =	sshll.u32 s0, $0xA;
	s2 =	sadd.s32 s3, s2  }
0x8d: {  	s2 =	sadd.s32 s2, s17  }
0x8e: {  	[smem:$0x3FB9] =	sst s2  }
0x8f: {  	_ = 	snop  }
0x90: {  	s2 =	sld [smem:$0x3FC7]  }
0x91: {  	s18 =	sld [smem:$0x3FD0];
	(tm) =	ssettm $0x1  }
0x92: {  	s4 =	sld [smem:$0x3FFB];
	_ =	sdelay $0x3  }
0x93: {  	_ =	strace s4  }
0x94: {  	s4 =	sld [smem:$0x3FFC];
	_ =	sdelay $0x3  }
0x95: {  	_ =	strace s4  }
0x96: {  	s4 =	sld [smem:$0x3FFD];
	_ =	sdelay $0x3  }
0x97: {  	_ =	strace s4  }
0x98: {  	_ =	strace $0x8FFFFFFF  }
0x99: {  	s19 =	sld [smem:$0x3FDB];
	_ =	sdelay $0x1  }
0x9a: {  	s5 =	simm.s32 $_scs_section_size  }
0x9b: {  	s6 =	simm.s32 $_size__tile_overlayer_lowered;
	s7 =	simm.s32 $_tile_overlayer_lowered  }
0x9c: {  	s22 =	simm.s32 $0x1BFF;
	s21 =	sshll.u32 s7, $0x1;
	s4 =	sadd.s32 s5, s19  }
0x9d: {  	s8 =	simm.s32 $0x0;
	s20 =	sshll.u32 s6, $0x1;
	s6 =	sadd.s32 s21, s4  }
0x9e: {  	[timem:s8], [sflag:s22] =	dma.local [hbm:s6], s20  }
0x9f: {  	_ =	swait.ge [sflag:s22], s20  }
0xa0: {  	s5 =	ssub.s32 $0x0, s20;
	[sflag:s22] =	ssyncset.done $0x0  }
0xa1: {  	[sflag:s22] =	ssyncadd.s32 s5;
	_ =	sdelay $0x1  }
0xa2: {  	s23 =	simm.s32 $0x1B8B  }
0xa3: {  	_ =	swait.ge [sflag:s23], $0x1  }
0xa4: {  	[sflag:s23] =	ssyncset.done $0x0  }
0xa5: {  	s25 =	simm.s32 $0x1B8E;
	s24 =	sld [smem:$0x3FFE];
	[sflag:s23] =	ssyncadd.s32 $0xFFFFFFFF  }
0xa6: {  	s26 =	simm.s32 $execute0_lowered;
	[smem:$0x3FD2] =	sst s25  }
0xa7: {  	s6 =	sshll.u32 s26, $0x1;
	_ =	strace $0x80000046;
	[dreg:$0x1] =	wrdreg $0xFFFFFFFF  }
0xa8: {  	s28 =	simm.s32 $_size_execute0_lowered;
	s4 =	sadd.s32 s4, s6;
	[dreg:$0x0] =	wrdreg $0x0  }
0xa9: {  	s6 =	sshll.u32 s28, $0x1;
	[dreg:$0x2] =	wrdreg s4  }
0xaa: {  	[dreg:$0x3] =	wrdreg s6  }
0xab: {  	[dreg:$0x4] =	wrdreg $0xC0  }
0xac: {  	_ =	task [dreg:s8], $0x5FFFF  }
0xad: {  	[dreg:$0x1] =	wrdreg $0xFFFFFFFF  }
0xae: {  	[dreg:$0x0] =	wrdreg $0x60  }
0xaf: {  	[dreg:$0x2] =	wrdreg s24  }
0xb0: {  	[dreg:$0x3] =	wrdreg s2  }
0xb1: {  	[dreg:$0x4] =	wrdreg s18  }
0xb2: {  	[dreg:$0x5] =	wrdreg $0x9  }
0xb3: {  	_ =	task.clear_ibuf [dreg:s8], $0x6FFFF;
	_ =	strace $0x90000046  }
0xb4: {  	s29 =	simm.s32 $0x9;
	_ =	strace $0x80000048  }
0xb5: {  	_ =	swait.ge [sflag:s29], $0x1  }
0xb6: {  	[sflag:s29] =	ssyncadd.s32 $0xFFFFFFFF  }
0xb7: {  	_ =	strace $0x90000048  }
0xb8: {  	_ =	sfence  }
0xb9: {  	s30 =	sld [smem:$0x0];
	_ =	sdelay $0x2  }
0xba: {  	s31 =	sshll.u32 s1, $0xD;
	s1 =	sshrl.u32 s1, $0x2  }
0xbb: {  	s3 =	sand.u32 $0x4000, s31;
	s1 =	sadd.s32 s1, s30  }
0xbc: {  	s0 =	sor.u32 s3, s0;
	s1 =	sshll.u32 s1, $0x11  }
0xbd: {  	s0 =	sor.u32 s1, s0  }
0xbe: {  	s0 =	sadd.s32 $0x8F2B, s0  }
0xbf: {  	[sflag:s0] =	ssyncadd.remote.s32 $0x1  }
0xc0: {  	_ =	sfence.sel $0xFFFF  }
0xc1: {  	[dreg:$0x0] =	wrdreg $0xFFFFFFFF;
	(pc) =	sbr.abs _section_cstart, $3  }
0xc2: {  	[dreg:$0x1] =	wrdreg $0xFFFFFFFF  }
0xc3: {  	_ =	task.clear_ibuf [dreg:s8], $0x2FFFF;
	_ =	strace $0x9FFFFFFF  }
0xc4: {  	(tm) =	ssettm $0x7FFFFFFF  }
0xc5: {  	_ =	shalt  }
tec
execute0_lowered:
.L_overlay_start_1:
0x0: {  	(tag) =	ssettag $0x1  }
0x1: {  	s1 =	rddreg [dreg:$0x0]  }
0x2: {  	s2 =	srdreg.scid;
	s3 =	rddreg [dreg:$0x1]  }
0x3: {  	s0 =	stileid.u32;
	s5 =	rddreg [dreg:$0x2];
	s19 =	simm.s32 $0x900  }
0x4: {  	s20 =	simm.s32 $0x1100;
	s21 =	simm.s32 $0x1900;
	s23 =	simm.s32 $0x2100  }
0x5: {  	s24 =	simm.s32 $0x2900;
	s25 =	simm.s32 $0x3100;
	s26 =	simm.s32 $0x3900  }
0x6: {  	s8 =	simm.s32 $0x4900;
	s9 =	simm.s32 $0x5100;
	s10 =	simm.s32 $0x5900  }
0x7: {  	s11 =	simm.s32 $0x6100;
	s4 =	sand.u32 $0x1, s2;
	s2 =	simm.s32 $0x0  }
0x8: {  	s12 =	simm.s32 $0x6900;
	s13 =	simm.s32 $0x7100;
	[smem:$0x7FF] =	sst s2  }
0x9: {  	s14 =	simm.s32 $0x7900;
	_ =	strace $0x80000047;
	[dreg:$0x6] =	wrdreg s19  }
0xa: {  	s15 =	simm.s32 $0x8100;
	s16 =	simm.s32 $0x8900;
	[dreg:$0x7] =	wrdreg s20  }
0xb: {  	s17 =	simm.s32 $0x9100;
	s28 =	simm.s32 $0xE100;
	[dreg:$0x8] =	wrdreg s21  }
0xc: {  	s29 =	simm.s32 $0xE900;
	s30 =	simm.s32 $0xF100;
	[dreg:$0x9] =	wrdreg s23  }
0xd: {  	s31 =	simm.s32 $0xF900;
	s6 =	sshll.u32 s0, $0x9;
	[dreg:$0xa] =	wrdreg s24  }
0xe: {  	s7 =	sshll.u32 s4, $0x8;
	s4 =	ssub.s32 $0x2, s4;
	[dreg:$0xb] =	wrdreg s25  }
0xf: {  	s6 =	sor.u32 s7, s6;
	s22 =	sshrl.u32 s4, $0x1;
	[dreg:$0xc] =	wrdreg s26  }
0x10: {  	s19 =	simm.s32 $0xA100;
	s20 =	simm.s32 $0xA900;
	s21 =	simm.s32 $0xB100  }
0x11: {  	s23 =	simm.s32 $0xC100;
	s24 =	simm.s32 $0xC900;
	s25 =	simm.s32 $0xD100  }
0x12: {  	s26 =	simm.s32 $0xD900;
	s7 =	sshrl.u32 s6, $0x3;
	s6 =	sshll.u32 s6, $0x5  }
0x13: {  	s4 =	ssub.s32 s4, s22;
	s22 =	simm.s32 $0xB900;
	s3 =	sadd.s32 s3, s7  }
0x14: {  	v2 =	vlaneseq.u32;
	s18 =	sadd.s32 s5, s6;
	s4 =	smax.u32 s4, $0x1;
	[dreg:$0x4] =	wrdreg s3  }
0x15: {  	vm0 =	vmmov $0xffff;
	v1 =	vshrl.u32 v2, $0x3;
	s5 =	simm.s32 $0x2;
	s6 =	simm.s32 $0x100;
	[dreg:$0x5] =	wrdreg s18  }
0x16: {  	v0 =	vand.u32 $0x7, v2;
	v2 =	vor.u32 $0x8, v2;
	v1 =	vmul.u32 $0x8, v1;
	s3 =	sadd.s32 $0x84200, s1;
	s18 =	simm.s32 $0x9900;
	s1 =	simm.s32 $0x1  }
.LBB2_1:
0x17: {  	s0 =	rddreg [dreg:$0x4]  }
0x18: {  	[tilespmem:s2], [sflag:$0x2] =	stream.linear.gather [hbm4b:s0+s2], $0x100, $0x38;
	[tilespmem:$0x10100] =	vst v63  }
0x19: {  	_ =	swait.ge [sflag:s5], $0x100  }
0x1a: {  	[sflag:s5] =	ssyncset.done $0x0  }
0x1b: {  	[sflag:s5] =	ssyncadd.s32 $0xFFFFFF00  }
0x1c: {  	v3 =	vld [tilespmem:$0x0];
	_ =	sdelay $0x4  }
0x1d: {  	v4 =	vshll.u32 v3, $0x1  }
0x1e: {  	v3 =	vand.u32 $0x7, v3;
	v4 =	vand.u32 $0xFFFFFFF0, v4  }
0x1f: {  	v3 =	vor.u32 v3, v4  }
0x20: {  	v4 =	vperm.xlane v3, v0;
	_ =	sdelay $0x1  }
0x21: {  	v3 =	vperm.xlane v3, v2;
	v4 =	vadd.s32 v1, v4;
	_ =	sdelay $0x1  }
0x22: {  	v3 =	vadd.s32 v1, v3;
	_ =	sdelay $0x2  }
0x23: {  	[tilespmem:s6], [sflag:$0x1] =	stream.indirect_vreg.gather [hbm4b:s3+s2], $0x80, v4, vm0, $0xb8;
	[tilespmem:$0x10100] =	vst v63  }
0x24: {  	s7 =	rddreg [dreg:$0x6]  }
0x25: {  	[tilespmem:s7], [sflag:$0x1] =	stream.indirect_vreg.gather [hbm4b:s3+s2], $0x80, v3, vm0, $0xb8;
	[tilespmem:$0x10100] =	vst v63  }
0x26: {  	v3 =	vld [tilespmem:$0x10];
	_ =	sdelay $0x4  }
0x27: {  	v49 =	vshll.u32 v3, $0x1  }
0x28: {  	v3 =	vand.u32 $0x7, v3;
	v4 =	vand.u32 $0xFFFFFFF0, v49  }
0x29: {  	v3 =	vor.u32 v3, v4  }
0x2a: {  	v4 =	vperm.xlane v3, v0;
	_ =	sdelay $0x1  }
0x2b: {  	v3 =	vperm.xlane v3, v2;
	v4 =	vadd.s32 v1, v4;
	_ =	sdelay $0x1  }
0x2c: {  	v3 =	vadd.s32 v1, v3;
	_ =	sdelay $0x1  }
0x2d: {  	s0 =	rddreg [dreg:$0x7]  }
0x2e: {  	[tilespmem:s0], [sflag:$0x1] =	stream.indirect_vreg.gather [hbm4b:s3+s2], $0x80, v4, vm0, $0xb8;
	[tilespmem:$0x10100] =	vst v63  }
0x2f: {  	s7 =	rddreg [dreg:$0x8]  }
0x30: {  	[tilespmem:s7], [sflag:$0x1] =	stream.indirect_vreg.gather [hbm4b:s3+s2], $0x80, v3, vm0, $0xb8;
	[tilespmem:$0x10100] =	vst v63  }
0x31: {  	v3 =	vld [tilespmem:$0x20];
	_ =	sdelay $0x4  }
0x32: {  	v50 =	vshll.u32 v3, $0x1  }
0x33: {  	v3 =	vand.u32 $0x7, v3;
	v4 =	vand.u32 $0xFFFFFFF0, v50  }
0x34: {  	v3 =	vor.u32 v3, v4  }
0x35: {  	v4 =	vperm.xlane v3, v0;
	_ =	sdelay $0x1  }
0x36: {  	v3 =	vperm.xlane v3, v2;
	v4 =	vadd.s32 v1, v4;
	_ =	sdelay $0x1  }
0x37: {  	v3 =	vadd.s32 v1, v3;
	_ =	sdelay $0x1  }
0x38: {  	s0 =	rddreg [dreg:$0x9]  }
0x39: {  	[tilespmem:s0], [sflag:$0x1] =	stream.indirect_vreg.gather [hbm4b:s3+s2], $0x80, v4, vm0, $0xb8;
	[tilespmem:$0x10100] =	vst v63  }
0x3a: {  	s7 =	rddreg [dreg:$0xa]  }
0x3b: {  	[tilespmem:s7], [sflag:$0x1] =	stream.indirect_vreg.gather [hbm4b:s3+s2], $0x80, v3, vm0, $0xb8;
	[tilespmem:$0x10100] =	vst v63  }
0x3c: {  	v3 =	vld [tilespmem:$0x30];
	_ =	sdelay $0x4  }
0x3d: {  	v51 =	vshll.u32 v3, $0x1  }
0x3e: {  	v3 =	vand.u32 $0x7, v3;
	v4 =	vand.u32 $0xFFFFFFF0, v51  }
0x3f: {  	v3 =	vor.u32 v3, v4  }
0x40: {  	v4 =	vperm.xlane v3, v0;
	_ =	sdelay $0x1  }
0x41: {  	v3 =	vperm.xlane v3, v2;
	v4 =	vadd.s32 v1, v4;
	_ =	sdelay $0x1  }
0x42: {  	v3 =	vadd.s32 v1, v3;
	_ =	sdelay $0x1  }
0x43: {  	s0 =	rddreg [dreg:$0xb]  }
0x44: {  	[tilespmem:s0], [sflag:$0x1] =	stream.indirect_vreg.gather [hbm4b:s3+s2], $0x80, v4, vm0, $0xb8;
	[tilespmem:$0x10100] =	vst v63  }
0x45: {  	s7 =	rddreg [dreg:$0xc]  }
0x46: {  	[tilespmem:s7], [sflag:$0x1] =	stream.indirect_vreg.gather [hbm4b:s3+s2], $0x80, v3, vm0, $0xb8;
	[tilespmem:$0x10100] =	vst v63  }
0x47: {  	v3 =	vld [tilespmem:$0x40];
	_ =	sdelay $0x4  }
0x48: {  	v52 =	vshll.u32 v3, $0x1  }
0x49: {  	v3 =	vand.u32 $0x7, v3;
	v4 =	vand.u32 $0xFFFFFFF0, v52  }
0x4a: {  	v3 =	vor.u32 v3, v4  }
0x4b: {  	v4 =	vperm.xlane v3, v0;
	_ =	sdelay $0x1  }
0x4c: {  	v3 =	vperm.xlane v3, v2;
	v4 =	vadd.s32 v1, v4;
	_ =	sdelay $0x1  }
0x4d: {  	v3 =	vadd.s32 v1, v3;
	_ =	sdelay $0x1  }
0x4e: {  	s7 =	simm.s32 $0x4100  }
0x4f: {  	[tilespmem:s7], [sflag:$0x1] =	stream.indirect_vreg.gather [hbm4b:s3+s2], $0x80, v4, vm0, $0xb8;
	[tilespmem:$0x10100] =	vst v63  }
0x50: {  	_ = 	snop  }
0x51: {  	[tilespmem:s8], [sflag:$0x1] =	stream.indirect_vreg.gather [hbm4b:s3+s2], $0x80, v3, vm0, $0xb8;
	[tilespmem:$0x10100] =	vst v63  }
0x52: {  	v3 =	vld [tilespmem:$0x50];
	_ =	sdelay $0x4  }
0x53: {  	v53 =	vshll.u32 v3, $0x1  }
0x54: {  	v3 =	vand.u32 $0x7, v3;
	v4 =	vand.u32 $0xFFFFFFF0, v53  }
0x55: {  	v3 =	vor.u32 v3, v4  }
0x56: {  	v4 =	vperm.xlane v3, v0;
	_ =	sdelay $0x1  }
0x57: {  	v3 =	vperm.xlane v3, v2;
	v4 =	vadd.s32 v1, v4;
	_ =	sdelay $0x1  }
0x58: {  	v3 =	vadd.s32 v1, v3;
	_ =	sdelay $0x2  }
0x59: {  	[tilespmem:s9], [sflag:$0x1] =	stream.indirect_vreg.gather [hbm4b:s3+s2], $0x80, v4, vm0, $0xb8;
	[tilespmem:$0x10100] =	vst v63  }
0x5a: {  	_ = 	snop  }
0x5b: {  	[tilespmem:s10], [sflag:$0x1] =	stream.indirect_vreg.gather [hbm4b:s3+s2], $0x80, v3, vm0, $0xb8;
	[tilespmem:$0x10100] =	vst v63  }
0x5c: {  	v3 =	vld [tilespmem:$0x60];
	_ =	sdelay $0x4  }
0x5d: {  	v54 =	vshll.u32 v3, $0x1  }
0x5e: {  	v3 =	vand.u32 $0x7, v3;
	v4 =	vand.u32 $0xFFFFFFF0, v54  }
0x5f: {  	v3 =	vor.u32 v3, v4  }
0x60: {  	v4 =	vperm.xlane v3, v0;
	_ =	sdelay $0x1  }
0x61: {  	v3 =	vperm.xlane v3, v2;
	v4 =	vadd.s32 v1, v4;
	_ =	sdelay $0x1  }
0x62: {  	v3 =	vadd.s32 v1, v3;
	_ =	sdelay $0x2  }
0x63: {  	[tilespmem:s11], [sflag:$0x1] =	stream.indirect_vreg.gather [hbm4b:s3+s2], $0x80, v4, vm0, $0xb8;
	[tilespmem:$0x10100] =	vst v63  }
0x64: {  	_ = 	snop  }
0x65: {  	[tilespmem:s12], [sflag:$0x1] =	stream.indirect_vreg.gather [hbm4b:s3+s2], $0x80, v3, vm0, $0xb8;
	[tilespmem:$0x10100] =	vst v63  }
0x66: {  	v3 =	vld [tilespmem:$0x70];
	_ =	sdelay $0x4  }
0x67: {  	v55 =	vshll.u32 v3, $0x1  }
0x68: {  	v3 =	vand.u32 $0x7, v3;
	v4 =	vand.u32 $0xFFFFFFF0, v55  }
0x69: {  	v3 =	vor.u32 v3, v4  }
0x6a: {  	v4 =	vperm.xlane v3, v0;
	_ =	sdelay $0x1  }
0x6b: {  	v3 =	vperm.xlane v3, v2;
	v4 =	vadd.s32 v1, v4;
	_ =	sdelay $0x1  }
0x6c: {  	v3 =	vadd.s32 v1, v3;
	_ =	sdelay $0x2  }
0x6d: {  	[tilespmem:s13], [sflag:$0x1] =	stream.indirect_vreg.gather [hbm4b:s3+s2], $0x80, v4, vm0, $0xb8;
	[tilespmem:$0x10100] =	vst v63  }
0x6e: {  	_ = 	snop  }
0x6f: {  	[tilespmem:s14], [sflag:$0x1] =	stream.indirect_vreg.gather [hbm4b:s3+s2], $0x80, v3, vm0, $0xb8;
	[tilespmem:$0x10100] =	vst v63  }
0x70: {  	v3 =	vld [tilespmem:$0x80];
	_ =	sdelay $0x4  }
0x71: {  	v56 =	vshll.u32 v3, $0x1  }
0x72: {  	v3 =	vand.u32 $0x7, v3;
	v4 =	vand.u32 $0xFFFFFFF0, v56  }
0x73: {  	v3 =	vor.u32 v3, v4  }
0x74: {  	v4 =	vperm.xlane v3, v0;
	_ =	sdelay $0x1  }
0x75: {  	v3 =	vperm.xlane v3, v2;
	v4 =	vadd.s32 v1, v4;
	_ =	sdelay $0x1  }
0x76: {  	v3 =	vadd.s32 v1, v3;
	_ =	sdelay $0x2  }
0x77: {  	[tilespmem:s15], [sflag:$0x1] =	stream.indirect_vreg.gather [hbm4b:s3+s2], $0x80, v4, vm0, $0xb8;
	[tilespmem:$0x10100] =	vst v63  }
0x78: {  	_ = 	snop  }
0x79: {  	[tilespmem:s16], [sflag:$0x1] =	stream.indirect_vreg.gather [hbm4b:s3+s2], $0x80, v3, vm0, $0xb8;
	[tilespmem:$0x10100] =	vst v63  }
0x7a: {  	v3 =	vld [tilespmem:$0x90];
	_ =	sdelay $0x4  }
0x7b: {  	v57 =	vshll.u32 v3, $0x1  }
0x7c: {  	v3 =	vand.u32 $0x7, v3;
	v4 =	vand.u32 $0xFFFFFFF0, v57  }
0x7d: {  	v3 =	vor.u32 v3, v4  }
0x7e: {  	v4 =	vperm.xlane v3, v0;
	_ =	sdelay $0x1  }
0x7f: {  	v3 =	vperm.xlane v3, v2;
	v4 =	vadd.s32 v1, v4;
	_ =	sdelay $0x1  }
0x80: {  	v3 =	vadd.s32 v1, v3;
	_ =	sdelay $0x2  }
0x81: {  	[tilespmem:s17], [sflag:$0x1] =	stream.indirect_vreg.gather [hbm4b:s3+s2], $0x80, v4, vm0, $0xb8;
	[tilespmem:$0x10100] =	vst v63  }
0x82: {  	_ = 	snop  }
0x83: {  	[tilespmem:s18], [sflag:$0x1] =	stream.indirect_vreg.gather [hbm4b:s3+s2], $0x80, v3, vm0, $0xb8;
	[tilespmem:$0x10100] =	vst v63  }
0x84: {  	v3 =	vld [tilespmem:$0xA0];
	_ =	sdelay $0x4  }
0x85: {  	v58 =	vshll.u32 v3, $0x1  }
0x86: {  	v3 =	vand.u32 $0x7, v3;
	v4 =	vand.u32 $0xFFFFFFF0, v58  }
0x87: {  	v3 =	vor.u32 v3, v4  }
0x88: {  	v4 =	vperm.xlane v3, v0;
	_ =	sdelay $0x1  }
0x89: {  	v3 =	vperm.xlane v3, v2;
	v4 =	vadd.s32 v1, v4;
	_ =	sdelay $0x1  }
0x8a: {  	v3 =	vadd.s32 v1, v3;
	_ =	sdelay $0x2  }
0x8b: {  	[tilespmem:s19], [sflag:$0x1] =	stream.indirect_vreg.gather [hbm4b:s3+s2], $0x80, v4, vm0, $0xb8;
	[tilespmem:$0x10100] =	vst v63  }
0x8c: {  	_ = 	snop  }
0x8d: {  	[tilespmem:s20], [sflag:$0x1] =	stream.indirect_vreg.gather [hbm4b:s3+s2], $0x80, v3, vm0, $0xb8;
	[tilespmem:$0x10100] =	vst v63  }
0x8e: {  	v3 =	vld [tilespmem:$0xB0];
	_ =	sdelay $0x4  }
0x8f: {  	v59 =	vshll.u32 v3, $0x1  }
0x90: {  	v3 =	vand.u32 $0x7, v3;
	v4 =	vand.u32 $0xFFFFFFF0, v59  }
0x91: {  	v3 =	vor.u32 v3, v4  }
0x92: {  	v4 =	vperm.xlane v3, v0;
	_ =	sdelay $0x1  }
0x93: {  	v3 =	vperm.xlane v3, v2;
	v4 =	vadd.s32 v1, v4;
	_ =	sdelay $0x1  }
0x94: {  	v3 =	vadd.s32 v1, v3;
	_ =	sdelay $0x2  }
0x95: {  	[tilespmem:s21], [sflag:$0x1] =	stream.indirect_vreg.gather [hbm4b:s3+s2], $0x80, v4, vm0, $0xb8;
	[tilespmem:$0x10100] =	vst v63  }
0x96: {  	_ = 	snop  }
0x97: {  	[tilespmem:s22], [sflag:$0x1] =	stream.indirect_vreg.gather [hbm4b:s3+s2], $0x80, v3, vm0, $0xb8;
	[tilespmem:$0x10100] =	vst v63  }
0x98: {  	v3 =	vld [tilespmem:$0xC0];
	_ =	sdelay $0x4  }
0x99: {  	v60 =	vshll.u32 v3, $0x1  }
0x9a: {  	v3 =	vand.u32 $0x7, v3;
	v4 =	vand.u32 $0xFFFFFFF0, v60  }
0x9b: {  	v3 =	vor.u32 v3, v4  }
0x9c: {  	v4 =	vperm.xlane v3, v0;
	_ =	sdelay $0x1  }
0x9d: {  	v3 =	vperm.xlane v3, v2;
	v4 =	vadd.s32 v1, v4;
	_ =	sdelay $0x1  }
0x9e: {  	v3 =	vadd.s32 v1, v3;
	_ =	sdelay $0x2  }
0x9f: {  	[tilespmem:s23], [sflag:$0x1] =	stream.indirect_vreg.gather [hbm4b:s3+s2], $0x80, v4, vm0, $0xb8;
	[tilespmem:$0x10100] =	vst v63  }
0xa0: {  	_ = 	snop  }
0xa1: {  	[tilespmem:s24], [sflag:$0x1] =	stream.indirect_vreg.gather [hbm4b:s3+s2], $0x80, v3, vm0, $0xb8;
	[tilespmem:$0x10100] =	vst v63  }
0xa2: {  	v3 =	vld [tilespmem:$0xD0];
	_ =	sdelay $0x4  }
0xa3: {  	v61 =	vshll.u32 v3, $0x1  }
0xa4: {  	v3 =	vand.u32 $0x7, v3;
	v4 =	vand.u32 $0xFFFFFFF0, v61  }
0xa5: {  	v3 =	vor.u32 v3, v4  }
0xa6: {  	v4 =	vperm.xlane v3, v0;
	_ =	sdelay $0x1  }
0xa7: {  	v3 =	vperm.xlane v3, v2;
	v4 =	vadd.s32 v1, v4;
	_ =	sdelay $0x1  }
0xa8: {  	v3 =	vadd.s32 v1, v3;
	_ =	sdelay $0x2  }
0xa9: {  	[tilespmem:s25], [sflag:$0x1] =	stream.indirect_vreg.gather [hbm4b:s3+s2], $0x80, v4, vm0, $0xb8;
	[tilespmem:$0x10100] =	vst v63  }
0xaa: {  	_ = 	snop  }
0xab: {  	[tilespmem:s26], [sflag:$0x1] =	stream.indirect_vreg.gather [hbm4b:s3+s2], $0x80, v3, vm0, $0xb8;
	[tilespmem:$0x10100] =	vst v63  }
0xac: {  	v3 =	vld [tilespmem:$0xE0];
	_ =	sdelay $0x4  }
0xad: {  	v62 =	vshll.u32 v3, $0x1  }
0xae: {  	v3 =	vand.u32 $0x7, v3;
	v4 =	vand.u32 $0xFFFFFFF0, v62  }
0xaf: {  	v3 =	vor.u32 v3, v4  }
0xb0: {  	v4 =	vperm.xlane v3, v0;
	_ =	sdelay $0x1  }
0xb1: {  	v3 =	vperm.xlane v3, v2;
	v4 =	vadd.s32 v1, v4;
	_ =	sdelay $0x1  }
0xb2: {  	v3 =	vadd.s32 v1, v3;
	_ =	sdelay $0x2  }
0xb3: {  	[tilespmem:s28], [sflag:$0x1] =	stream.indirect_vreg.gather [hbm4b:s3+s2], $0x80, v4, vm0, $0xb8;
	[tilespmem:$0x10100] =	vst v63  }
0xb4: {  	_ = 	snop  }
0xb5: {  	[tilespmem:s29], [sflag:$0x1] =	stream.indirect_vreg.gather [hbm4b:s3+s2], $0x80, v3, vm0, $0xb8;
	[tilespmem:$0x10100] =	vst v63  }
0xb6: {  	v3 =	vld [tilespmem:$0xF0];
	_ =	sdelay $0x4  }
0xb7: {  	v63 =	vshll.u32 v3, $0x1  }
0xb8: {  	v3 =	vand.u32 $0x7, v3;
	v4 =	vand.u32 $0xFFFFFFF0, v63  }
0xb9: {  	v3 =	vor.u32 v3, v4  }
0xba: {  	v4 =	vperm.xlane v3, v0;
	_ =	sdelay $0x1  }
0xbb: {  	v3 =	vperm.xlane v3, v2;
	v4 =	vadd.s32 v1, v4;
	_ =	sdelay $0x1  }
0xbc: {  	v3 =	vadd.s32 v1, v3;
	_ =	sdelay $0x2  }
0xbd: {  	[tilespmem:s30], [sflag:$0x1] =	stream.indirect_vreg.gather [hbm4b:s3+s2], $0x80, v4, vm0, $0xb8;
	[tilespmem:$0x10100] =	vst v63  }
0xbe: {  	_ = 	snop  }
0xbf: {  	[tilespmem:s31], [sflag:$0x1] =	stream.indirect_vreg.gather [hbm4b:s3+s2], $0x80, v3, vm0, $0xb8;
	[tilespmem:$0x10100] =	vst v63  }
0xc0: {  	_ =	swait.ge [sflag:s1], $0x10000  }
0xc1: {  	p0 =	sne.s32 s4, $0x1;
	[sflag:s1] =	ssyncset.done $0x0  }
.Ltmp0:
0xc2: {  	s7 =	rddreg [dreg:$0x5];
	[sflag:s1] =	ssyncadd.s32 $0xFFFF0000;
	(pc) =	sbr.rel @p0 .LBB2_1-.Ltmp0, $4  }
0xc3: {  	[hbm4b:s7+s2] =	stream.linear.scatter [tilespmem:s6], [sflag:$0x2], $0x10000, $0x38;
	[tilespmem:$0x10100] =	vst v63  }
0xc4: {  	_ =	swait.ge [sflag:s5], $0x10000  }
0xc5: {  	[sflag:s5] =	ssyncset.done $0x0  }
0xc6: {  	s4 =	sadd.s32 $0xFFFFFFFF, s4;
	[sflag:s5] =	ssyncadd.s32 $0xFFFF0000  }
0xc7: {  	_ =	sfence.sel $0x180000  }
0xc8: {  	[bflag:$0x0] =	sbarrier.arrive $0xFFFF  }
0xc9: {  	_ =	strace $0x90000047  }
0xca: {  	s0 =	stileid.u32;
	[bflag:$0x2] =	sbarrier.arrive $0xFFFF  }
0xcb: {  	p0 =	sne.s32 s0, $0x0;
	s0 =	rddreg [dreg:$0x3]  }
0xcc: {  	s0 =	sadd.s32 @!p0 $0x100000, s0  }
0xcd: {  	[sflag:s0] =	ssyncadd.tile.s32 @!p0 $0x1;
	_ =	shalt  }
.Lfunc_end2:
_tile_overlayer_lowered:
.L_overlay_start_2:
0xce: {  	(tag) =	ssettag $0x2  }
0xcf: {  	s0 =	rddreg [dreg:$0x0];
	s2 =	stileid.u32  }
0xd0: {  	s1 =	rddreg [dreg:$0x1];
	p0 =	sne.s32 s2, $0x0  }
0xd1: {  	s3 =	rddreg [dreg:$0x2];
	[bflag:$0x3] =	sbarrier.arrive $0xFFFF;
	s2 =	simm.s32 @!p0 $0x1C02  }
0xd2: {  	[timem:s3], [sflag:s2] =	dma.local @!p0 [hbm:s0], s1  }
0xd3: {  	s0 =	simm.s32 @!p0 $0x2  }
0xd4: {  	_ =	swait.ge @!p0 [sflag:s0], s1  }
0xd5: {  	s1 =	ssub.s32 @!p0 $0x0, s1;
	[sflag:s0] =	ssyncset.done @!p0 $0x0  }
0xd6: {  	[sflag:s0] =	ssyncadd.s32 @!p0 s1  }
0xd7: {  	[bflag:$0x3] =	sbarrier.arrive $0xFFFF  }
0xd8: {  	_ =	shalt  }

// kernel: kernel.18.cloned.1.call-start
scs
__scs_entry_jumppad:
0x0: {  	(pc) =	sbr.rel $0x88, $3  }
0x1: {  	(tag) =	ssettag $0x0;
	lr =	simm.s32 $0x1  }
0x2: {  	[smem:$0x3F92] =	sst lr;
	_ =	strace $0xD0000000  }
0x3: {  	_ = 	snop  }
0x4: {  	_ = 	snop  }
0x5: {  	_ = 	snop  }
0x6: {  	_ = 	snop  }
0x7: {  	_ = 	snop  }
__scs_overlays_trampoline_lowered:
0x8: {  	[smem:$0x3FA1] =	sst s0  }
0x9: {  	[smem:$0x3FA2] =	sst s1  }
0xa: {  	[smem:$0x3FA3] =	sst s2  }
0xb: {  	[smem:$0x3FA4] =	sst s3  }
0xc: {  	[smem:$0x3FA5] =	sst s4  }
0xd: {  	[smem:$0x3FA6] =	sst s5  }
0xe: {  	[smem:$0x3FA7] =	sst s6  }
0xf: {  	[smem:$0x3FA8] =	sst s7  }
0x10: {  	[smem:$0x3FA9] =	sst s8  }
0x11: {  	[smem:$0x3FAA] =	sst s9;
	s0 =	simm.s32 @!p0 $0x0  }
0x12: {  	s1 =	sld [smem:$0x3F90];
	s0 =	simm.s32 @p0 $0x1  }
0x13: {  	[smem:$0x3FAB] =	sst s0;
	s0 =	simm.s32 @!p1 $0x0  }
0x14: {  	s2 =	sld [smem:$0x3F8F];
	s0 =	simm.s32 @p1 $0x1  }
0x15: {  	[smem:$0x3FAC] =	sst s0;
	s0 =	simm.s32 @!p2 $0x0  }
0x16: {  	s3 =	sld [smem:$0x3FDB];
	s0 =	simm.s32 @p2 $0x1  }
0x17: {  	s4 =	simm.s32 $0x1BF5;
	[smem:$0x3FAE] =	sst s0  }
0x18: {  	s0 =	sld [smem:$0x3F91];
	_ =	swait.ge [sflag:s4], $0x0  }
0x19: {  	s7 =	sld [smem:$0x3F92]  }
0x1a: {  	s8 =	sadd.s32 $0xFFFFE003, lr  }
0x1b: {  	s9 =	sadd.s32 $0xFFFFFEF7, lr;
	s5 =	simm.s32 $0xFFFFFFFF;
	p2 =	slt.u32 s8, $0xFFFFF086  }
0x1c: {  	p1 =	slt.u32 s9, $0xF7A;
	s5 =	simm.s32 @!p2 $0x0  }
0x1d: {  	s5 =	simm.s32 @p1 $0x1;
	p0 =	seq.s32 s7, s2  }
0x1e: {  	s7 =	smul.u32 @!p0 $0xF7A, s2;
	p2 =	seq.s32 @!p0 s5, $0x0  }
0x1f: {  	s9 =	smul.u32 $0xF7A, s1;
	s8 =	simm.s32 @!p0 $0x1BF5;
	p2 =	por !p2, p0  }
0x20: {  	[sflag:s8] =	ssyncset.s32 @!p0 $0xFFFFF086;
	s6 =	sadd.s32 @!p0 s3, s7;
	s7 =	simm.s32 @!p0 $0x108  }
0x21: {  	s3 =	sadd.s32 s3, s9;
	s6 =	sadd.s32 @!p0 $0x88, s6;
	s7 =	simm.s32 @p2 $0x1082  }
0x22: {  	[simem:s7], [sflag:s8] =	dma.local @!p0 [hbm:s6], $0xF7A  }
0x23: {  	s9 =	sor.u32 $0xD0000000, s2;
	s6 =	simm.s32 $0x108;
	_ =	swait.ge @!p0 [sflag:s8], $0x0  }
0x24: {  	s3 =	sadd.s32 $0x88, s3;
	s6 =	simm.s32 @!p1 $0x1082;
	[sflag:s4] =	ssyncset.s32 $0xFFFFF086  }
0x25: {  	[simem:s6], [sflag:s4] =	dma.local [hbm:s3], $0xF7A  }
0x26: {  	[smem:$0x3F92] =	sst s1;
	(tag) =	ssettag s2;
	_ =	strace s9  }
0x27: {  	s1 =	sld [smem:$0x3FA2]  }
0x28: {  	s2 =	sld [smem:$0x3FA3]  }
0x29: {  	s4 =	sld [smem:$0x3FA5]  }
0x2a: {  	p0 =	seq.s32 s5, $0x0;
	s5 =	sld [smem:$0x3FA6]  }
0x2b: {  	s6 =	sld [smem:$0x3FA7]  }
0x2c: {  	s7 =	sld [smem:$0x3FA8]  }
0x2d: {  	s3 =	simm.s32 $0x108;
	s8 =	sld [smem:$0x3FA9]  }
0x2e: {  	s3 =	simm.s32 @!p0 $0x1082;
	s9 =	sld [smem:$0x3FAA]  }
0x2f: {  	lr =	sadd.s32 s0, s3;
	s0 =	sld [smem:$0x3FA1]  }
0x30: {  	s3 =	sld [smem:$0x3FA4]  }
0x31: {  	[smem:$0x3FAD] =	sst s10  }
0x32: {  	s10 =	sld [smem:$0x3FAB];
	_ =	sdelay $0x3  }
0x33: {  	p0 =	seq.s32 s10, $0x1;
	s10 =	sld [smem:$0x3FAD];
	_ =	sdelay $0x3  }
0x34: {  	[smem:$0x3FAD] =	sst s10  }
0x35: {  	s10 =	sld [smem:$0x3FAC];
	_ =	sdelay $0x3  }
0x36: {  	p1 =	seq.s32 s10, $0x1;
	s10 =	sld [smem:$0x3FAD];
	_ =	sdelay $0x3  }
0x37: {  	[smem:$0x3FAD] =	sst s10  }
0x38: {  	s10 =	sld [smem:$0x3FAE]  }
0x39: {  	_ = 	snop;
	(pc) =	sbr.ind lr, $3  }
0x3a: {  	_ = 	snop  }
0x3b: {  	_ = 	snop  }
0x3c: {  	p2 =	seq.s32 s10, $0x1;
	s10 =	sld [smem:$0x3FAD]  }
0x3d: {  	_ =	shalt  }
0x3e: {  	_ =	shalt  }
0x3f: {  	_ =	shalt  }
0x40: {  	_ =	shalt  }
0x41: {  	_ =	shalt  }
0x42: {  	_ =	shalt  }
0x43: {  	_ =	shalt  }
0x44: {  	_ =	shalt  }
0x45: {  	_ =	shalt  }
0x46: {  	_ =	shalt  }
0x47: {  	_ =	shalt  }
0x48: {  	_ =	shalt  }
0x49: {  	_ =	shalt  }
0x4a: {  	_ =	shalt  }
0x4b: {  	_ =	shalt  }
0x4c: {  	_ =	shalt  }
0x4d: {  	_ =	shalt  }
0x4e: {  	_ =	shalt  }
0x4f: {  	_ =	shalt  }
0x50: {  	_ =	shalt  }
0x51: {  	_ =	shalt  }
0x52: {  	_ =	shalt  }
0x53: {  	_ =	shalt  }
0x54: {  	_ =	shalt  }
0x55: {  	_ =	shalt  }
0x56: {  	_ =	shalt  }
0x57: {  	_ =	shalt  }
0x58: {  	_ =	shalt  }
0x59: {  	_ =	shalt  }
0x5a: {  	_ =	shalt  }
0x5b: {  	_ =	shalt  }
0x5c: {  	_ =	shalt  }
0x5d: {  	_ =	shalt  }
0x5e: {  	_ =	shalt  }
0x5f: {  	_ =	shalt  }
0x60: {  	_ =	shalt  }
0x61: {  	_ =	shalt  }
0x62: {  	_ =	shalt  }
0x63: {  	_ =	shalt  }
0x64: {  	_ =	shalt  }
0x65: {  	_ =	shalt  }
0x66: {  	_ =	shalt  }
0x67: {  	_ =	shalt  }
0x68: {  	_ =	shalt  }
0x69: {  	_ =	shalt  }
0x6a: {  	_ =	shalt  }
0x6b: {  	_ =	shalt  }
0x6c: {  	_ =	shalt  }
0x6d: {  	_ =	shalt  }
0x6e: {  	_ =	shalt  }
0x6f: {  	_ =	shalt  }
0x70: {  	_ =	shalt  }
0x71: {  	_ =	shalt  }
0x72: {  	_ =	shalt  }
0x73: {  	_ =	shalt  }
0x74: {  	_ =	shalt  }
0x75: {  	_ =	shalt  }
0x76: {  	_ =	shalt  }
0x77: {  	_ =	shalt  }
0x78: {  	_ =	shalt  }
0x79: {  	_ =	shalt  }
0x7a: {  	_ =	shalt  }
0x7b: {  	_ =	shalt  }
0x7c: {  	_ =	shalt  }
0x7d: {  	_ =	shalt  }
0x7e: {  	_ =	shalt  }
0x7f: {  	_ =	shalt  }
0x80: {  	_ =	shalt  }
0x81: {  	_ =	shalt  }
0x82: {  	_ =	shalt  }
0x83: {  	_ =	shalt  }
0x84: {  	_ =	shalt  }
0x85: {  	_ =	shalt  }
0x86: {  	_ =	shalt  }
0x87: {  	_ =	shalt  }
.Lfunc_end0:
.L_simem_size_0:
called_computation.1_lowered:
.L_overlay_start_0:
0x88: {  	s2 =	sld [smem:$0x3FD9]  }
0x89: {  	s3 =	sld [smem:$0x3FFE];
	_ =	sdelay $0x1  }
0x8a: {  	s1 =	srdreg.scid  }
0x8b: {  	s0 =	sand.u32 $0x1, s1  }
0x8c: {  	s16 =	sshll.u32 s0, $0xA;
	s2 =	sadd.s32 s3, s2  }
0x8d: {  	s2 =	sadd.s32 s2, s16  }
0x8e: {  	[smem:$0x3FB9] =	sst s2  }
0x8f: {  	_ = 	snop  }
0x90: {  	(tm) =	ssettm $0x1  }
0x91: {  	s17 =	sld [smem:$0x3FFB];
	_ =	sdelay $0x3  }
0x92: {  	_ =	strace s17  }
0x93: {  	s2 =	sld [smem:$0x3FFC];
	_ =	sdelay $0x3  }
0x94: {  	_ =	strace s2  }
0x95: {  	s2 =	sld [smem:$0x3FFD];
	_ =	sdelay $0x3  }
0x96: {  	_ =	strace s2  }
0x97: {  	_ =	strace $0x8FFFFFFF  }
0x98: {  	s18 =	sld [smem:$0x3FDB];
	_ =	sdelay $0x1  }
0x99: {  	s19 =	simm.s32 $_scs_section_size  }
0x9a: {  	s4 =	simm.s32 $_size__tile_overlayer_lowered;
	s5 =	simm.s32 $_tile_overlayer_lowered  }
0x9b: {  	s22 =	simm.s32 $0x1BFF;
	s21 =	sshll.u32 s5, $0x1;
	s2 =	sadd.s32 s19, s18  }
0x9c: {  	s6 =	simm.s32 $0x0;
	s20 =	sshll.u32 s4, $0x1;
	s4 =	sadd.s32 s21, s2  }
0x9d: {  	[timem:s6], [sflag:s22] =	dma.local [hbm:s4], s20  }
0x9e: {  	_ =	swait.ge [sflag:s22], s20  }
0x9f: {  	s3 =	ssub.s32 $0x0, s20;
	[sflag:s22] =	ssyncset.done $0x0  }
0xa0: {  	[sflag:s22] =	ssyncadd.s32 s3;
	_ =	sdelay $0x1  }
0xa1: {  	s23 =	simm.s32 $0x1B8B  }
0xa2: {  	_ =	swait.ge [sflag:s23], $0x1  }
0xa3: {  	[sflag:s23] =	ssyncset.done $0x0  }
0xa4: {  	s25 =	simm.s32 $0x1B8E;
	s24 =	sld [smem:$0x3FFE];
	[sflag:s23] =	ssyncadd.s32 $0xFFFFFFFF  }
0xa5: {  	s26 =	simm.s32 $execute0_lowered;
	[smem:$0x3FD2] =	sst s25  }
0xa6: {  	s4 =	sshll.u32 s26, $0x1;
	_ =	strace $0x80000049;
	[dreg:$0x1] =	wrdreg $0xFFFFFFFF  }
0xa7: {  	s28 =	simm.s32 $_size_execute0_lowered;
	s2 =	sadd.s32 s2, s4;
	[dreg:$0x0] =	wrdreg $0x0  }
0xa8: {  	s4 =	sshll.u32 s28, $0x1;
	[dreg:$0x2] =	wrdreg s2  }
0xa9: {  	[dreg:$0x3] =	wrdreg s4  }
0xaa: {  	[dreg:$0x4] =	wrdreg $0xC0  }
0xab: {  	_ =	task [dreg:s6], $0x5FFFF  }
0xac: {  	[dreg:$0x1] =	wrdreg $0xFFFFFFFF  }
0xad: {  	[dreg:$0x0] =	wrdreg $0x60  }
0xae: {  	[dreg:$0x2] =	wrdreg s24  }
0xaf: {  	[dreg:$0x3] =	wrdreg $0x9  }
0xb0: {  	_ =	task.clear_ibuf [dreg:s6], $0x4FFFF;
	_ =	strace $0x90000049  }
0xb1: {  	s29 =	simm.s32 $0x9;
	_ =	strace $0x8000004B  }
0xb2: {  	_ =	swait.ge [sflag:s29], $0x1  }
0xb3: {  	[sflag:s29] =	ssyncadd.s32 $0xFFFFFFFF  }
0xb4: {  	_ =	strace $0x9000004B  }
0xb5: {  	_ =	sfence  }
0xb6: {  	s30 =	sld [smem:$0x0];
	_ =	sdelay $0x2  }
0xb7: {  	s31 =	sshll.u32 s1, $0xD;
	s1 =	sshrl.u32 s1, $0x2  }
0xb8: {  	s3 =	sand.u32 $0x4000, s31;
	s1 =	sadd.s32 s1, s30  }
0xb9: {  	s0 =	sor.u32 s3, s0;
	s1 =	sshll.u32 s1, $0x11  }
0xba: {  	s0 =	sor.u32 s1, s0  }
0xbb: {  	s0 =	sadd.s32 $0x8F2B, s0  }
0xbc: {  	[sflag:s0] =	ssyncadd.remote.s32 $0x1  }
0xbd: {  	_ =	sfence.sel $0xFFFF  }
0xbe: {  	[dreg:$0x0] =	wrdreg $0xFFFFFFFF;
	(pc) =	sbr.abs _section_cstart, $3  }
0xbf: {  	[dreg:$0x1] =	wrdreg $0xFFFFFFFF  }
0xc0: {  	_ =	task.clear_ibuf [dreg:s6], $0x2FFFF;
	_ =	strace $0x9FFFFFFF  }
0xc1: {  	(tm) =	ssettm $0x7FFFFFFF  }
tec
execute0_lowered:
.L_overlay_start_1:
0x0: {  	(tag) =	ssettag $0x1  }
0x1: {  	s0 =	srdreg.scid;
	s5 =	stileid.u32  }
0x2: {  	s1 =	rddreg [dreg:$0x0];
	s2 =	simm.s32 $0x0;
	s15 =	simm.s32 $0x900  }
0x3: {  	s17 =	simm.s32 $0x1100;
	s18 =	simm.s32 $0x1900;
	s19 =	simm.s32 $0x2100  }
0x4: {  	s21 =	simm.s32 $0x2900;
	s22 =	simm.s32 $0x3100;
	s23 =	simm.s32 $0x3900  }
0x5: {  	s24 =	simm.s32 $0x4100;
	s25 =	simm.s32 $0x4900;
	[smem:$0x7FF] =	sst s2  }
0x6: {  	s7 =	simm.s32 $0x100;
	_ =	strace $0x8000004A;
	[dreg:$0x3] =	wrdreg s15  }
0x7: {  	s26 =	simm.s32 $0x5100;
	s8 =	simm.s32 $0x5900;
	[dreg:$0x4] =	wrdreg s17  }
0x8: {  	s9 =	simm.s32 $0x6100;
	s10 =	simm.s32 $0x6900;
	[dreg:$0x5] =	wrdreg s18  }
0x9: {  	s11 =	simm.s32 $0x7100;
	s12 =	simm.s32 $0x7900;
	[dreg:$0x6] =	wrdreg s19  }
0xa: {  	s13 =	simm.s32 $0x8100;
	s28 =	simm.s32 $0xF100;
	[dreg:$0x7] =	wrdreg s21  }
0xb: {  	s29 =	simm.s32 $0xF900;
	s30 =	simm.s32 $0x1;
	[dreg:$0x8] =	wrdreg s22  }
0xc: {  	s31 =	simm.s32 $0x0;
	s0 =	sand.u32 $0x1, s0;
	[dreg:$0x9] =	wrdreg s23  }
0xd: {  	s3 =	sshll.u32 s5, $0xB;
	s5 =	sshll.u32 s5, $0x10;
	[dreg:$0xa] =	wrdreg s24  }
0xe: {  	s4 =	sshll.u32 s0, $0xA;
	s16 =	ssub.s32 $0x2, s0;
	[dreg:$0xb] =	wrdreg s25  }
0xf: {  	s0 =	sshll.u32 s0, $0xF;
	[dreg:$0xc] =	wrdreg s26;
	s15 =	simm.s32 $0x9100  }
0x10: {  	s17 =	simm.s32 $0xA100;
	s18 =	simm.s32 $0xA900;
	s19 =	simm.s32 $0xB100  }
0x11: {  	s21 =	simm.s32 $0xC100;
	s22 =	simm.s32 $0xC900;
	s23 =	simm.s32 $0xD100  }
0x12: {  	s24 =	simm.s32 $0xD900;
	s25 =	simm.s32 $0xE100;
	s3 =	sor.u32 s4, s3  }
0x13: {  	s26 =	simm.s32 $0xE900;
	s6 =	sshrl.u32 s16, $0x1;
	s3 =	sshrl.u32 s3, $0x3  }
0x14: {  	s14 =	sadd.s32 s3, s1;
	s3 =	sadd.s32 $0x84200, s1;
	s1 =	sadd.s32 s5, s1  }
0x15: {  	s5 =	ssub.s32 s16, s6;
	s6 =	simm.s32 $0x2;
	s4 =	sadd.s32 $0x46200, s14  }
0x16: {  	v2 =	vlaneseq.u32;
	s20 =	smax.u32 s5, $0x1;
	s0 =	sadd.s32 s0, s1;
	[dreg:$0x2] =	wrdreg s4  }
0x17: {  	vm0 =	vmmov $0xffff;
	v1 =	vshrl.u32 v2, $0x3;
	s16 =	simm.s32 $0x9900;
	[dreg:$0xd] =	wrdreg s20;
	s0 =	sadd.s32 $0x184200, s0  }
0x18: {  	v0 =	vand.u32 $0x7, v2;
	v2 =	vor.u32 $0x8, v2;
	v1 =	vmul.u32 $0x8, v1;
	s14 =	simm.s32 $0x8900;
	s20 =	simm.s32 $0xB900;
	[dreg:$0xe] =	wrdreg s0  }
.LBB2_1:
0x19: {  	s5 =	rddreg [dreg:$0xe];
	s0 =	simm.s32 $0x0  }
.LBB2_2:
0x1a: {  	s4 =	rddreg [dreg:$0x2]  }
0x1b: {  	s4 =	sadd.s32 s0, s4  }
0x1c: {  	[tilespmem:s2], [sflag:$0x2] =	stream.linear.gather [hbm4b:s4+s2], $0x100, $0x38;
	[tilespmem:$0x10100] =	vst v63  }
0x1d: {  	_ =	swait.ge [sflag:s6], $0x100  }
0x1e: {  	[sflag:s6] =	ssyncset.done $0x0  }
0x1f: {  	[sflag:s6] =	ssyncadd.s32 $0xFFFFFF00  }
0x20: {  	v3 =	vld [tilespmem:$0x0];
	_ =	sdelay $0x4  }
0x21: {  	v4 =	vshll.u32 v3, $0x1  }
0x22: {  	v3 =	vand.u32 $0x7, v3;
	v4 =	vand.u32 $0xFFFFFFF0, v4  }
0x23: {  	v3 =	vor.u32 v3, v4  }
0x24: {  	v4 =	vperm.xlane v3, v0;
	_ =	sdelay $0x1  }
0x25: {  	v3 =	vperm.xlane v3, v2;
	v4 =	vadd.s32 v1, v4;
	_ =	sdelay $0x1  }
0x26: {  	v3 =	vadd.s32 v1, v3;
	_ =	sdelay $0x2  }
0x27: {  	[tilespmem:s7], [sflag:$0x1] =	stream.indirect_vreg.gather [hbm4b:s3+s2], $0x80, v4, vm0, $0xb8;
	[tilespmem:$0x10100] =	vst v63  }
0x28: {  	s1 =	rddreg [dreg:$0x3]  }
0x29: {  	[tilespmem:s1], [sflag:$0x1] =	stream.indirect_vreg.gather [hbm4b:s3+s2], $0x80, v3, vm0, $0xb8;
	[tilespmem:$0x10100] =	vst v63  }
0x2a: {  	v3 =	vld [tilespmem:$0x10];
	_ =	sdelay $0x4  }
0x2b: {  	v49 =	vshll.u32 v3, $0x1  }
0x2c: {  	v3 =	vand.u32 $0x7, v3;
	v4 =	vand.u32 $0xFFFFFFF0, v49  }
0x2d: {  	v3 =	vor.u32 v3, v4  }
0x2e: {  	v4 =	vperm.xlane v3, v0;
	_ =	sdelay $0x1  }
0x2f: {  	v3 =	vperm.xlane v3, v2;
	v4 =	vadd.s32 v1, v4;
	_ =	sdelay $0x1  }
0x30: {  	v3 =	vadd.s32 v1, v3;
	_ =	sdelay $0x1  }
0x31: {  	s4 =	rddreg [dreg:$0x4]  }
0x32: {  	[tilespmem:s4], [sflag:$0x1] =	stream.indirect_vreg.gather [hbm4b:s3+s2], $0x80, v4, vm0, $0xb8;
	[tilespmem:$0x10100] =	vst v63  }
0x33: {  	s1 =	rddreg [dreg:$0x5]  }
0x34: {  	[tilespmem:s1], [sflag:$0x1] =	stream.indirect_vreg.gather [hbm4b:s3+s2], $0x80, v3, vm0, $0xb8;
	[tilespmem:$0x10100] =	vst v63  }
0x35: {  	v3 =	vld [tilespmem:$0x20];
	_ =	sdelay $0x4  }
0x36: {  	v50 =	vshll.u32 v3, $0x1  }
0x37: {  	v3 =	vand.u32 $0x7, v3;
	v4 =	vand.u32 $0xFFFFFFF0, v50  }
0x38: {  	v3 =	vor.u32 v3, v4  }
0x39: {  	v4 =	vperm.xlane v3, v0;
	_ =	sdelay $0x1  }
0x3a: {  	v3 =	vperm.xlane v3, v2;
	v4 =	vadd.s32 v1, v4;
	_ =	sdelay $0x1  }
0x3b: {  	v3 =	vadd.s32 v1, v3;
	_ =	sdelay $0x1  }
0x3c: {  	s1 =	rddreg [dreg:$0x6]  }
0x3d: {  	[tilespmem:s1], [sflag:$0x1] =	stream.indirect_vreg.gather [hbm4b:s3+s2], $0x80, v4, vm0, $0xb8;
	[tilespmem:$0x10100] =	vst v63  }
0x3e: {  	s4 =	rddreg [dreg:$0x7]  }
0x3f: {  	[tilespmem:s4], [sflag:$0x1] =	stream.indirect_vreg.gather [hbm4b:s3+s2], $0x80, v3, vm0, $0xb8;
	[tilespmem:$0x10100] =	vst v63  }
0x40: {  	v3 =	vld [tilespmem:$0x30];
	_ =	sdelay $0x4  }
0x41: {  	v51 =	vshll.u32 v3, $0x1  }
0x42: {  	v3 =	vand.u32 $0x7, v3;
	v4 =	vand.u32 $0xFFFFFFF0, v51  }
0x43: {  	v3 =	vor.u32 v3, v4  }
0x44: {  	v4 =	vperm.xlane v3, v0;
	_ =	sdelay $0x1  }
0x45: {  	v3 =	vperm.xlane v3, v2;
	v4 =	vadd.s32 v1, v4;
	_ =	sdelay $0x1  }
0x46: {  	v3 =	vadd.s32 v1, v3;
	_ =	sdelay $0x1  }
0x47: {  	s1 =	rddreg [dreg:$0x8]  }
0x48: {  	[tilespmem:s1], [sflag:$0x1] =	stream.indirect_vreg.gather [hbm4b:s3+s2], $0x80, v4, vm0, $0xb8;
	[tilespmem:$0x10100] =	vst v63  }
0x49: {  	s4 =	rddreg [dreg:$0x9]  }
0x4a: {  	[tilespmem:s4], [sflag:$0x1] =	stream.indirect_vreg.gather [hbm4b:s3+s2], $0x80, v3, vm0, $0xb8;
	[tilespmem:$0x10100] =	vst v63  }
0x4b: {  	v3 =	vld [tilespmem:$0x40];
	_ =	sdelay $0x4  }
0x4c: {  	v52 =	vshll.u32 v3, $0x1  }
0x4d: {  	v3 =	vand.u32 $0x7, v3;
	v4 =	vand.u32 $0xFFFFFFF0, v52  }
0x4e: {  	v3 =	vor.u32 v3, v4  }
0x4f: {  	v4 =	vperm.xlane v3, v0;
	_ =	sdelay $0x1  }
0x50: {  	v3 =	vperm.xlane v3, v2;
	v4 =	vadd.s32 v1, v4;
	_ =	sdelay $0x1  }
0x51: {  	v3 =	vadd.s32 v1, v3;
	_ =	sdelay $0x1  }
0x52: {  	s1 =	rddreg [dreg:$0xa]  }
0x53: {  	[tilespmem:s1], [sflag:$0x1] =	stream.indirect_vreg.gather [hbm4b:s3+s2], $0x80, v4, vm0, $0xb8;
	[tilespmem:$0x10100] =	vst v63  }
0x54: {  	s4 =	rddreg [dreg:$0xb]  }
0x55: {  	[tilespmem:s4], [sflag:$0x1] =	stream.indirect_vreg.gather [hbm4b:s3+s2], $0x80, v3, vm0, $0xb8;
	[tilespmem:$0x10100] =	vst v63  }
0x56: {  	v3 =	vld [tilespmem:$0x50];
	_ =	sdelay $0x4  }
0x57: {  	v53 =	vshll.u32 v3, $0x1  }
0x58: {  	v3 =	vand.u32 $0x7, v3;
	v4 =	vand.u32 $0xFFFFFFF0, v53  }
0x59: {  	v3 =	vor.u32 v3, v4  }
0x5a: {  	v4 =	vperm.xlane v3, v0;
	_ =	sdelay $0x1  }
0x5b: {  	v3 =	vperm.xlane v3, v2;
	v4 =	vadd.s32 v1, v4;
	_ =	sdelay $0x1  }
0x5c: {  	v3 =	vadd.s32 v1, v3;
	_ =	sdelay $0x1  }
0x5d: {  	s4 =	rddreg [dreg:$0xc]  }
0x5e: {  	[tilespmem:s4], [sflag:$0x1] =	stream.indirect_vreg.gather [hbm4b:s3+s2], $0x80, v4, vm0, $0xb8;
	[tilespmem:$0x10100] =	vst v63  }
0x5f: {  	_ = 	snop  }
0x60: {  	[tilespmem:s8], [sflag:$0x1] =	stream.indirect_vreg.gather [hbm4b:s3+s2], $0x80, v3, vm0, $0xb8;
	[tilespmem:$0x10100] =	vst v63  }
0x61: {  	v3 =	vld [tilespmem:$0x60];
	_ =	sdelay $0x4  }
0x62: {  	v54 =	vshll.u32 v3, $0x1  }
0x63: {  	v3 =	vand.u32 $0x7, v3;
	v4 =	vand.u32 $0xFFFFFFF0, v54  }
0x64: {  	v3 =	vor.u32 v3, v4  }
0x65: {  	v4 =	vperm.xlane v3, v0;
	_ =	sdelay $0x1  }
0x66: {  	v3 =	vperm.xlane v3, v2;
	v4 =	vadd.s32 v1, v4;
	_ =	sdelay $0x1  }
0x67: {  	v3 =	vadd.s32 v1, v3;
	_ =	sdelay $0x2  }
0x68: {  	[tilespmem:s9], [sflag:$0x1] =	stream.indirect_vreg.gather [hbm4b:s3+s2], $0x80, v4, vm0, $0xb8;
	[tilespmem:$0x10100] =	vst v63  }
0x69: {  	_ = 	snop  }
0x6a: {  	[tilespmem:s10], [sflag:$0x1] =	stream.indirect_vreg.gather [hbm4b:s3+s2], $0x80, v3, vm0, $0xb8;
	[tilespmem:$0x10100] =	vst v63  }
0x6b: {  	v3 =	vld [tilespmem:$0x70];
	_ =	sdelay $0x4  }
0x6c: {  	v55 =	vshll.u32 v3, $0x1  }
0x6d: {  	v3 =	vand.u32 $0x7, v3;
	v4 =	vand.u32 $0xFFFFFFF0, v55  }
0x6e: {  	v3 =	vor.u32 v3, v4  }
0x6f: {  	v4 =	vperm.xlane v3, v0;
	_ =	sdelay $0x1  }
0x70: {  	v3 =	vperm.xlane v3, v2;
	v4 =	vadd.s32 v1, v4;
	_ =	sdelay $0x1  }
0x71: {  	v3 =	vadd.s32 v1, v3;
	_ =	sdelay $0x2  }
0x72: {  	[tilespmem:s11], [sflag:$0x1] =	stream.indirect_vreg.gather [hbm4b:s3+s2], $0x80, v4, vm0, $0xb8;
	[tilespmem:$0x10100] =	vst v63  }
0x73: {  	_ = 	snop  }
0x74: {  	[tilespmem:s12], [sflag:$0x1] =	stream.indirect_vreg.gather [hbm4b:s3+s2], $0x80, v3, vm0, $0xb8;
	[tilespmem:$0x10100] =	vst v63  }
0x75: {  	v3 =	vld [tilespmem:$0x80];
	_ =	sdelay $0x4  }
0x76: {  	v56 =	vshll.u32 v3, $0x1  }
0x77: {  	v3 =	vand.u32 $0x7, v3;
	v4 =	vand.u32 $0xFFFFFFF0, v56  }
0x78: {  	v3 =	vor.u32 v3, v4  }
0x79: {  	v4 =	vperm.xlane v3, v0;
	_ =	sdelay $0x1  }
0x7a: {  	v3 =	vperm.xlane v3, v2;
	v4 =	vadd.s32 v1, v4;
	_ =	sdelay $0x1  }
0x7b: {  	v3 =	vadd.s32 v1, v3;
	_ =	sdelay $0x2  }
0x7c: {  	[tilespmem:s13], [sflag:$0x1] =	stream.indirect_vreg.gather [hbm4b:s3+s2], $0x80, v4, vm0, $0xb8;
	[tilespmem:$0x10100] =	vst v63  }
0x7d: {  	_ = 	snop  }
0x7e: {  	[tilespmem:s14], [sflag:$0x1] =	stream.indirect_vreg.gather [hbm4b:s3+s2], $0x80, v3, vm0, $0xb8;
	[tilespmem:$0x10100] =	vst v63  }
0x7f: {  	v3 =	vld [tilespmem:$0x90];
	_ =	sdelay $0x4  }
0x80: {  	v57 =	vshll.u32 v3, $0x1  }
0x81: {  	v3 =	vand.u32 $0x7, v3;
	v4 =	vand.u32 $0xFFFFFFF0, v57  }
0x82: {  	v3 =	vor.u32 v3, v4  }
0x83: {  	v4 =	vperm.xlane v3, v0;
	_ =	sdelay $0x1  }
0x84: {  	v3 =	vperm.xlane v3, v2;
	v4 =	vadd.s32 v1, v4;
	_ =	sdelay $0x1  }
0x85: {  	v3 =	vadd.s32 v1, v3;
	_ =	sdelay $0x2  }
0x86: {  	[tilespmem:s15], [sflag:$0x1] =	stream.indirect_vreg.gather [hbm4b:s3+s2], $0x80, v4, vm0, $0xb8;
	[tilespmem:$0x10100] =	vst v63  }
0x87: {  	_ = 	snop  }
0x88: {  	[tilespmem:s16], [sflag:$0x1] =	stream.indirect_vreg.gather [hbm4b:s3+s2], $0x80, v3, vm0, $0xb8;
	[tilespmem:$0x10100] =	vst v63  }
0x89: {  	v3 =	vld [tilespmem:$0xA0];
	_ =	sdelay $0x4  }
0x8a: {  	v58 =	vshll.u32 v3, $0x1  }
0x8b: {  	v3 =	vand.u32 $0x7, v3;
	v4 =	vand.u32 $0xFFFFFFF0, v58  }
0x8c: {  	v3 =	vor.u32 v3, v4  }
0x8d: {  	v4 =	vperm.xlane v3, v0;
	_ =	sdelay $0x1  }
0x8e: {  	v3 =	vperm.xlane v3, v2;
	v4 =	vadd.s32 v1, v4;
	_ =	sdelay $0x1  }
0x8f: {  	v3 =	vadd.s32 v1, v3;
	_ =	sdelay $0x2  }
0x90: {  	[tilespmem:s17], [sflag:$0x1] =	stream.indirect_vreg.gather [hbm4b:s3+s2], $0x80, v4, vm0, $0xb8;
	[tilespmem:$0x10100] =	vst v63  }
0x91: {  	_ = 	snop  }
0x92: {  	[tilespmem:s18], [sflag:$0x1] =	stream.indirect_vreg.gather [hbm4b:s3+s2], $0x80, v3, vm0, $0xb8;
	[tilespmem:$0x10100] =	vst v63  }
0x93: {  	v3 =	vld [tilespmem:$0xB0];
	_ =	sdelay $0x4  }
0x94: {  	v59 =	vshll.u32 v3, $0x1  }
0x95: {  	v3 =	vand.u32 $0x7, v3;
	v4 =	vand.u32 $0xFFFFFFF0, v59  }
0x96: {  	v3 =	vor.u32 v3, v4  }
0x97: {  	v4 =	vperm.xlane v3, v0;
	_ =	sdelay $0x1  }
0x98: {  	v3 =	vperm.xlane v3, v2;
	v4 =	vadd.s32 v1, v4;
	_ =	sdelay $0x1  }
0x99: {  	v3 =	vadd.s32 v1, v3;
	_ =	sdelay $0x2  }
0x9a: {  	[tilespmem:s19], [sflag:$0x1] =	stream.indirect_vreg.gather [hbm4b:s3+s2], $0x80, v4, vm0, $0xb8;
	[tilespmem:$0x10100] =	vst v63  }
0x9b: {  	_ = 	snop  }
0x9c: {  	[tilespmem:s20], [sflag:$0x1] =	stream.indirect_vreg.gather [hbm4b:s3+s2], $0x80, v3, vm0, $0xb8;
	[tilespmem:$0x10100] =	vst v63  }
0x9d: {  	v3 =	vld [tilespmem:$0xC0];
	_ =	sdelay $0x4  }
0x9e: {  	v60 =	vshll.u32 v3, $0x1  }
0x9f: {  	v3 =	vand.u32 $0x7, v3;
	v4 =	vand.u32 $0xFFFFFFF0, v60  }
0xa0: {  	v3 =	vor.u32 v3, v4  }
0xa1: {  	v4 =	vperm.xlane v3, v0;
	_ =	sdelay $0x1  }
0xa2: {  	v3 =	vperm.xlane v3, v2;
	v4 =	vadd.s32 v1, v4;
	_ =	sdelay $0x1  }
0xa3: {  	v3 =	vadd.s32 v1, v3;
	_ =	sdelay $0x2  }
0xa4: {  	[tilespmem:s21], [sflag:$0x1] =	stream.indirect_vreg.gather [hbm4b:s3+s2], $0x80, v4, vm0, $0xb8;
	[tilespmem:$0x10100] =	vst v63  }
0xa5: {  	_ = 	snop  }
0xa6: {  	[tilespmem:s22], [sflag:$0x1] =	stream.indirect_vreg.gather [hbm4b:s3+s2], $0x80, v3, vm0, $0xb8;
	[tilespmem:$0x10100] =	vst v63  }
0xa7: {  	v3 =	vld [tilespmem:$0xD0];
	_ =	sdelay $0x4  }
0xa8: {  	v61 =	vshll.u32 v3, $0x1  }
0xa9: {  	v3 =	vand.u32 $0x7, v3;
	v4 =	vand.u32 $0xFFFFFFF0, v61  }
0xaa: {  	v3 =	vor.u32 v3, v4  }
0xab: {  	v4 =	vperm.xlane v3, v0;
	_ =	sdelay $0x1  }
0xac: {  	v3 =	vperm.xlane v3, v2;
	v4 =	vadd.s32 v1, v4;
	_ =	sdelay $0x1  }
0xad: {  	v3 =	vadd.s32 v1, v3;
	_ =	sdelay $0x2  }
0xae: {  	[tilespmem:s23], [sflag:$0x1] =	stream.indirect_vreg.gather [hbm4b:s3+s2], $0x80, v4, vm0, $0xb8;
	[tilespmem:$0x10100] =	vst v63  }
0xaf: {  	_ = 	snop  }
0xb0: {  	[tilespmem:s24], [sflag:$0x1] =	stream.indirect_vreg.gather [hbm4b:s3+s2], $0x80, v3, vm0, $0xb8;
	[tilespmem:$0x10100] =	vst v63  }
0xb1: {  	v3 =	vld [tilespmem:$0xE0];
	_ =	sdelay $0x4  }
0xb2: {  	v62 =	vshll.u32 v3, $0x1  }
0xb3: {  	v3 =	vand.u32 $0x7, v3;
	v4 =	vand.u32 $0xFFFFFFF0, v62  }
0xb4: {  	v3 =	vor.u32 v3, v4  }
0xb5: {  	v4 =	vperm.xlane v3, v0;
	_ =	sdelay $0x1  }
0xb6: {  	v3 =	vperm.xlane v3, v2;
	v4 =	vadd.s32 v1, v4;
	_ =	sdelay $0x1  }
0xb7: {  	v3 =	vadd.s32 v1, v3;
	_ =	sdelay $0x2  }
0xb8: {  	[tilespmem:s25], [sflag:$0x1] =	stream.indirect_vreg.gather [hbm4b:s3+s2], $0x80, v4, vm0, $0xb8;
	[tilespmem:$0x10100] =	vst v63  }
0xb9: {  	_ = 	snop  }
0xba: {  	[tilespmem:s26], [sflag:$0x1] =	stream.indirect_vreg.gather [hbm4b:s3+s2], $0x80, v3, vm0, $0xb8;
	[tilespmem:$0x10100] =	vst v63  }
0xbb: {  	v3 =	vld [tilespmem:$0xF0];
	_ =	sdelay $0x4  }
0xbc: {  	v63 =	vshll.u32 v3, $0x1  }
0xbd: {  	v3 =	vand.u32 $0x7, v3;
	v4 =	vand.u32 $0xFFFFFFF0, v63  }
0xbe: {  	v3 =	vor.u32 v3, v4  }
0xbf: {  	v4 =	vperm.xlane v3, v0;
	_ =	sdelay $0x1  }
0xc0: {  	v3 =	vperm.xlane v3, v2;
	v4 =	vadd.s32 v1, v4;
	_ =	sdelay $0x1  }
0xc1: {  	v3 =	vadd.s32 v1, v3;
	_ =	sdelay $0x2  }
0xc2: {  	[tilespmem:s28], [sflag:$0x1] =	stream.indirect_vreg.gather [hbm4b:s3+s2], $0x80, v4, vm0, $0xb8;
	[tilespmem:$0x10100] =	vst v63  }
0xc3: {  	_ = 	snop  }
0xc4: {  	[tilespmem:s29], [sflag:$0x1] =	stream.indirect_vreg.gather [hbm4b:s3+s2], $0x80, v3, vm0, $0xb8;
	[tilespmem:$0x10100] =	vst v63  }
0xc5: {  	_ =	swait.ge [sflag:s30], $0x10000  }
0xc6: {  	p0 =	sne.s32 s0, $0x60;
	[sflag:s30] =	ssyncset.done $0x0  }
.Ltmp0:
0xc7: {  	[sflag:s30] =	ssyncadd.s32 $0xFFFF0000;
	(pc) =	sbr.rel @p0 .LBB2_2-.Ltmp0, $4  }
0xc8: {  	[hbm4b:s5+s2] =	stream.linear.scatter [tilespmem:s7], [sflag:$0x2], $0x10000, $0x38;
	[tilespmem:$0x10100] =	vst v63  }
0xc9: {  	_ =	swait.ge [sflag:s6], $0x10000  }
0xca: {  	[sflag:s6] =	ssyncset.done $0x0  }
0xcb: {  	s0 =	sadd.s32 $0x20, s0;
	s5 =	sadd.s32 $0x2000, s5;
	[sflag:s6] =	ssyncadd.s32 $0xFFFF0000  }
0xcc: {  	s31 =	sadd.s32 $0x1, s31;
	s0 =	rddreg [dreg:$0xd]  }
0xcd: {  	p0 =	sne.s32 s31, s0  }
.Ltmp1:
0xce: {  	_ = 	snop;
	(pc) =	sbr.rel @p0 .LBB2_1-.Ltmp1, $1  }
0xcf: {  	_ =	sdelay $0x3  }
0xd0: {  	_ =	sfence.sel $0x180000  }
0xd1: {  	[bflag:$0x0] =	sbarrier.arrive $0xFFFF  }
0xd2: {  	_ =	strace $0x9000004A  }
0xd3: {  	s0 =	stileid.u32;
	[bflag:$0x2] =	sbarrier.arrive $0xFFFF  }
0xd4: {  	p0 =	sne.s32 s0, $0x0;
	s0 =	rddreg [dreg:$0x1]  }
0xd5: {  	s0 =	sadd.s32 @!p0 $0x100000, s0  }
0xd6: {  	[sflag:s0] =	ssyncadd.tile.s32 @!p0 $0x1;
	_ =	shalt  }
.Lfunc_end2:
_tile_overlayer_lowered:
.L_overlay_start_2:
0xd7: {  	(tag) =	ssettag $0x2  }
0xd8: {  	s0 =	rddreg [dreg:$0x0];
	s2 =	stileid.u32  }
0xd9: {  	s1 =	rddreg [dreg:$0x1];
	p0 =	sne.s32 s2, $0x0  }
0xda: {  	s3 =	rddreg [dreg:$0x2];
	[bflag:$0x3] =	sbarrier.arrive $0xFFFF;
	s2 =	simm.s32 @!p0 $0x1C02  }
0xdb: {  	[timem:s3], [sflag:s2] =	dma.local @!p0 [hbm:s0], s1  }
0xdc: {  	s0 =	simm.s32 @!p0 $0x2  }
0xdd: {  	_ =	swait.ge @!p0 [sflag:s0], s1  }
0xde: {  	s1 =	ssub.s32 @!p0 $0x0, s1;
	[sflag:s0] =	ssyncset.done @!p0 $0x0  }
0xdf: {  	[sflag:s0] =	ssyncadd.s32 @!p0 s1  }
0xe0: {  	[bflag:$0x3] =	sbarrier.arrive $0xFFFF  }
0xe1: {  	_ =	shalt  }

// kernel: kernel.21.cloned.1.call-start
scs
__scs_entry_jumppad:
0x0: {  	(pc) =	sbr.rel $0x88, $3  }
0x1: {  	(tag) =	ssettag $0x0;
	lr =	simm.s32 $0x1  }
0x2: {  	[smem:$0x3F92] =	sst lr;
	_ =	strace $0xD0000000  }
0x3: {  	_ = 	snop  }
0x4: {  	_ = 	snop  }
0x5: {  	_ = 	snop  }
0x6: {  	_ = 	snop  }
0x7: {  	_ = 	snop  }
__scs_overlays_trampoline_lowered:
0x8: {  	[smem:$0x3FA1] =	sst s0  }
0x9: {  	[smem:$0x3FA2] =	sst s1  }
0xa: {  	[smem:$0x3FA3] =	sst s2  }
0xb: {  	[smem:$0x3FA4] =	sst s3  }
0xc: {  	[smem:$0x3FA5] =	sst s4  }
0xd: {  	[smem:$0x3FA6] =	sst s5  }
0xe: {  	[smem:$0x3FA7] =	sst s6  }
0xf: {  	[smem:$0x3FA8] =	sst s7  }
0x10: {  	[smem:$0x3FA9] =	sst s8  }
0x11: {  	[smem:$0x3FAA] =	sst s9;
	s0 =	simm.s32 @!p0 $0x0  }
0x12: {  	s1 =	sld [smem:$0x3F90];
	s0 =	simm.s32 @p0 $0x1  }
0x13: {  	[smem:$0x3FAB] =	sst s0;
	s0 =	simm.s32 @!p1 $0x0  }
0x14: {  	s2 =	sld [smem:$0x3F8F];
	s0 =	simm.s32 @p1 $0x1  }
0x15: {  	[smem:$0x3FAC] =	sst s0;
	s0 =	simm.s32 @!p2 $0x0  }
0x16: {  	s3 =	sld [smem:$0x3FDB];
	s0 =	simm.s32 @p2 $0x1  }
0x17: {  	s4 =	simm.s32 $0x1BF5;
	[smem:$0x3FAE] =	sst s0  }
0x18: {  	s0 =	sld [smem:$0x3F91];
	_ =	swait.ge [sflag:s4], $0x0  }
0x19: {  	s7 =	sld [smem:$0x3F92]  }
0x1a: {  	s8 =	sadd.s32 $0xFFFFE003, lr  }
0x1b: {  	s9 =	sadd.s32 $0xFFFFFEF7, lr;
	s5 =	simm.s32 $0xFFFFFFFF;
	p2 =	slt.u32 s8, $0xFFFFF086  }
0x1c: {  	p1 =	slt.u32 s9, $0xF7A;
	s5 =	simm.s32 @!p2 $0x0  }
0x1d: {  	s5 =	simm.s32 @p1 $0x1;
	p0 =	seq.s32 s7, s2  }
0x1e: {  	s7 =	smul.u32 @!p0 $0xF7A, s2;
	p2 =	seq.s32 @!p0 s5, $0x0  }
0x1f: {  	s9 =	smul.u32 $0xF7A, s1;
	s8 =	simm.s32 @!p0 $0x1BF5;
	p2 =	por !p2, p0  }
0x20: {  	[sflag:s8] =	ssyncset.s32 @!p0 $0xFFFFF086;
	s6 =	sadd.s32 @!p0 s3, s7;
	s7 =	simm.s32 @!p0 $0x108  }
0x21: {  	s3 =	sadd.s32 s3, s9;
	s6 =	sadd.s32 @!p0 $0x88, s6;
	s7 =	simm.s32 @p2 $0x1082  }
0x22: {  	[simem:s7], [sflag:s8] =	dma.local @!p0 [hbm:s6], $0xF7A  }
0x23: {  	s9 =	sor.u32 $0xD0000000, s2;
	s6 =	simm.s32 $0x108;
	_ =	swait.ge @!p0 [sflag:s8], $0x0  }
0x24: {  	s3 =	sadd.s32 $0x88, s3;
	s6 =	simm.s32 @!p1 $0x1082;
	[sflag:s4] =	ssyncset.s32 $0xFFFFF086  }
0x25: {  	[simem:s6], [sflag:s4] =	dma.local [hbm:s3], $0xF7A  }
0x26: {  	[smem:$0x3F92] =	sst s1;
	(tag) =	ssettag s2;
	_ =	strace s9  }
0x27: {  	s1 =	sld [smem:$0x3FA2]  }
0x28: {  	s2 =	sld [smem:$0x3FA3]  }
0x29: {  	s4 =	sld [smem:$0x3FA5]  }
0x2a: {  	p0 =	seq.s32 s5, $0x0;
	s5 =	sld [smem:$0x3FA6]  }
0x2b: {  	s6 =	sld [smem:$0x3FA7]  }
0x2c: {  	s7 =	sld [smem:$0x3FA8]  }
0x2d: {  	s3 =	simm.s32 $0x108;
	s8 =	sld [smem:$0x3FA9]  }
0x2e: {  	s3 =	simm.s32 @!p0 $0x1082;
	s9 =	sld [smem:$0x3FAA]  }
0x2f: {  	lr =	sadd.s32 s0, s3;
	s0 =	sld [smem:$0x3FA1]  }
0x30: {  	s3 =	sld [smem:$0x3FA4]  }
0x31: {  	[smem:$0x3FAD] =	sst s10  }
0x32: {  	s10 =	sld [smem:$0x3FAB];
	_ =	sdelay $0x3  }
0x33: {  	p0 =	seq.s32 s10, $0x1;
	s10 =	sld [smem:$0x3FAD];
	_ =	sdelay $0x3  }
0x34: {  	[smem:$0x3FAD] =	sst s10  }
0x35: {  	s10 =	sld [smem:$0x3FAC];
	_ =	sdelay $0x3  }
0x36: {  	p1 =	seq.s32 s10, $0x1;
	s10 =	sld [smem:$0x3FAD];
	_ =	sdelay $0x3  }
0x37: {  	[smem:$0x3FAD] =	sst s10  }
0x38: {  	s10 =	sld [smem:$0x3FAE]  }
0x39: {  	_ = 	snop;
	(pc) =	sbr.ind lr, $3  }
0x3a: {  	_ = 	snop  }
0x3b: {  	_ = 	snop  }
0x3c: {  	p2 =	seq.s32 s10, $0x1;
	s10 =	sld [smem:$0x3FAD]  }
0x3d: {  	_ =	shalt  }
0x3e: {  	_ =	shalt  }
0x3f: {  	_ =	shalt  }
0x40: {  	_ =	shalt  }
0x41: {  	_ =	shalt  }
0x42: {  	_ =	shalt  }
0x43: {  	_ =	shalt  }
0x44: {  	_ =	shalt  }
0x45: {  	_ =	shalt  }
0x46: {  	_ =	shalt  }
0x47: {  	_ =	shalt  }
0x48: {  	_ =	shalt  }
0x49: {  	_ =	shalt  }
0x4a: {  	_ =	shalt  }
0x4b: {  	_ =	shalt  }
0x4c: {  	_ =	shalt  }
0x4d: {  	_ =	shalt  }
0x4e: {  	_ =	shalt  }
0x4f: {  	_ =	shalt  }
0x50: {  	_ =	shalt  }
0x51: {  	_ =	shalt  }
0x52: {  	_ =	shalt  }
0x53: {  	_ =	shalt  }
0x54: {  	_ =	shalt  }
0x55: {  	_ =	shalt  }
0x56: {  	_ =	shalt  }
0x57: {  	_ =	shalt  }
0x58: {  	_ =	shalt  }
0x59: {  	_ =	shalt  }
0x5a: {  	_ =	shalt  }
0x5b: {  	_ =	shalt  }
0x5c: {  	_ =	shalt  }
0x5d: {  	_ =	shalt  }
0x5e: {  	_ =	shalt  }
0x5f: {  	_ =	shalt  }
0x60: {  	_ =	shalt  }
0x61: {  	_ =	shalt  }
0x62: {  	_ =	shalt  }
0x63: {  	_ =	shalt  }
0x64: {  	_ =	shalt  }
0x65: {  	_ =	shalt  }
0x66: {  	_ =	shalt  }
0x67: {  	_ =	shalt  }
0x68: {  	_ =	shalt  }
0x69: {  	_ =	shalt  }
0x6a: {  	_ =	shalt  }
0x6b: {  	_ =	shalt  }
0x6c: {  	_ =	shalt  }
0x6d: {  	_ =	shalt  }
0x6e: {  	_ =	shalt  }
0x6f: {  	_ =	shalt  }
0x70: {  	_ =	shalt  }
0x71: {  	_ =	shalt  }
0x72: {  	_ =	shalt  }
0x73: {  	_ =	shalt  }
0x74: {  	_ =	shalt  }
0x75: {  	_ =	shalt  }
0x76: {  	_ =	shalt  }
0x77: {  	_ =	shalt  }
0x78: {  	_ =	shalt  }
0x79: {  	_ =	shalt  }
0x7a: {  	_ =	shalt  }
0x7b: {  	_ =	shalt  }
0x7c: {  	_ =	shalt  }
0x7d: {  	_ =	shalt  }
0x7e: {  	_ =	shalt  }
0x7f: {  	_ =	shalt  }
0x80: {  	_ =	shalt  }
0x81: {  	_ =	shalt  }
0x82: {  	_ =	shalt  }
0x83: {  	_ =	shalt  }
0x84: {  	_ =	shalt  }
0x85: {  	_ =	shalt  }
0x86: {  	_ =	shalt  }
0x87: {  	_ =	shalt  }
.Lfunc_end0:
.L_simem_size_0:
called_computation.2_lowered:
.L_overlay_start_0:
0x88: {  	s2 =	sld [smem:$0x3FD9]  }
0x89: {  	s3 =	sld [smem:$0x3FFE];
	_ =	sdelay $0x1  }
0x8a: {  	s1 =	srdreg.scid  }
0x8b: {  	s0 =	sand.u32 $0x1, s1  }
0x8c: {  	s17 =	sshll.u32 s0, $0xA;
	s2 =	sadd.s32 s3, s2  }
0x8d: {  	s2 =	sadd.s32 s2, s17  }
0x8e: {  	[smem:$0x3FB9] =	sst s2  }
0x8f: {  	_ = 	snop  }
0x90: {  	(tm) =	ssettm $0x1  }
0x91: {  	s18 =	sld [smem:$0x3FFB];
	_ =	sdelay $0x3  }
0x92: {  	_ =	strace s18  }
0x93: {  	s2 =	sld [smem:$0x3FFC];
	_ =	sdelay $0x3  }
0x94: {  	_ =	strace s2  }
0x95: {  	s2 =	sld [smem:$0x3FFD];
	_ =	sdelay $0x3  }
0x96: {  	_ =	strace s2  }
0x97: {  	_ =	strace $0x8FFFFFFF  }
0x98: {  	s19 =	sld [smem:$0x3FDB];
	_ =	sdelay $0x1  }
0x99: {  	s20 =	simm.s32 $_scs_section_size  }
0x9a: {  	s4 =	simm.s32 $_size__tile_overlayer_lowered;
	s5 =	simm.s32 $_tile_overlayer_lowered  }
0x9b: {  	s6 =	simm.s32 $0x1BFF;
	s21 =	sshll.u32 s5, $0x1;
	s3 =	sadd.s32 s20, s19  }
0x9c: {  	s22 =	simm.s32 $0x0;
	s4 =	sshll.u32 s4, $0x1;
	s5 =	sadd.s32 s21, s3  }
0x9d: {  	[timem:s22], [sflag:s6] =	dma.local [hbm:s5], s4  }
0x9e: {  	_ =	swait.ge [sflag:s6], s4  }
0x9f: {  	s4 =	ssub.s32 $0x0, s4;
	[sflag:s6] =	ssyncset.done $0x0  }
0xa0: {  	[sflag:s6] =	ssyncadd.s32 s4;
	_ =	sdelay $0x1  }
0xa1: {  	s23 =	simm.s32 $0x1B8B  }
0xa2: {  	_ =	swait.ge [sflag:s23], $0x1  }
0xa3: {  	[sflag:s23] =	ssyncset.done $0x0  }
0xa4: {  	[sflag:s23] =	ssyncadd.s32 $0xFFFFFFFF  }
0xa5: {  	s4 =	sld [smem:$0x0]  }
0xa6: {  	s5 =	sand.u32 $0xFFFFFFFE, s1  }
0xa7: {  	p0 =	sne.s32 s1, s5  }
0xa8: {  	s5 =	sshll.u32 @p0 s5, $0xE  }
0xa9: {  	s5 =	sadd.s32 @p0 $0x11B8D, s5;
	s6 =	sshll.u32 @p0 s4, $0x11  }
0xaa: {  	s5 =	sor.u32 @p0 s6, s5  }
0xab: {  	[sflag:s5] =	ssyncadd.remote.s32 @p0 $0x1;
	_ =	sdelay $0x1  }
0xac: {  	s5 =	simm.s32 @p0 $0x1B8D  }
0xad: {  	_ =	swait.eq @p0 [sflag:s5], $0x1  }
0xae: {  	[sflag:s5] =	ssyncadd.s32 @p0 $0xFFFFFFFF  }
0xaf: {  	s6 =	sshll.u32 @!p0 s1, $0xE  }
0xb0: {  	s6 =	sor.u32 @!p0 $0x4000, s6;
	s5 =	simm.s32 @!p0 $0x1B8D  }
0xb1: {  	s4 =	sshll.u32 @!p0 s4, $0x11;
	s6 =	sadd.s32 @!p0 $0x11B8D, s6;
	_ =	swait.eq @!p0 [sflag:s5], $0x1  }
0xb2: {  	s4 =	sor.u32 @!p0 s4, s6;
	[sflag:s5] =	ssyncadd.s32 @!p0 $0xFFFFFFFF  }
0xb3: {  	s25 =	simm.s32 $0x1B8E;
	s24 =	sld [smem:$0x3FFE];
	[sflag:s4] =	ssyncadd.remote.s32 @!p0 $0x1  }
0xb4: {  	s26 =	simm.s32 $execute0_lowered;
	[smem:$0x3FD2] =	sst s25  }
0xb5: {  	s5 =	sshll.u32 s26, $0x1;
	_ =	strace $0x80000052;
	[dreg:$0x1] =	wrdreg $0xFFFFFFFF  }
0xb6: {  	s28 =	simm.s32 $_size_execute0_lowered;
	s3 =	sadd.s32 s3, s5;
	[dreg:$0x0] =	wrdreg $0x0  }
0xb7: {  	s5 =	sshll.u32 s28, $0x1;
	[dreg:$0x2] =	wrdreg s3  }
0xb8: {  	[dreg:$0x3] =	wrdreg s5  }
0xb9: {  	[dreg:$0x4] =	wrdreg $0xC0  }
0xba: {  	_ =	task [dreg:s22], $0x5FFFF  }
0xbb: {  	[dreg:$0x1] =	wrdreg $0xFFFFFFFF  }
0xbc: {  	[dreg:$0x0] =	wrdreg $0x60  }
0xbd: {  	[dreg:$0x2] =	wrdreg s24  }
0xbe: {  	[dreg:$0x3] =	wrdreg $0xA  }
0xbf: {  	_ =	task.clear_ibuf [dreg:s22], $0x4FFFF;
	_ =	strace $0x90000052  }
0xc0: {  	s29 =	simm.s32 $0xA;
	_ =	strace $0x80000054  }
0xc1: {  	_ =	swait.ge [sflag:s29], $0x1  }
0xc2: {  	[sflag:s29] =	ssyncadd.s32 $0xFFFFFFFF  }
0xc3: {  	_ =	strace $0x90000054  }
0xc4: {  	_ =	sfence  }
0xc5: {  	s30 =	sld [smem:$0x0];
	_ =	sdelay $0x2  }
0xc6: {  	s31 =	sshll.u32 s1, $0xD;
	s1 =	sshrl.u32 s1, $0x2  }
0xc7: {  	s4 =	sand.u32 $0x4000, s31;
	s1 =	sadd.s32 s1, s30  }
0xc8: {  	s0 =	sor.u32 s4, s0;
	s1 =	sshll.u32 s1, $0x11  }
0xc9: {  	s0 =	sor.u32 s1, s0  }
0xca: {  	s0 =	sadd.s32 $0x8F2B, s0  }
0xcb: {  	[sflag:s0] =	ssyncadd.remote.s32 $0x1  }
0xcc: {  	_ =	sfence.sel $0xFFFF  }
0xcd: {  	[dreg:$0x0] =	wrdreg $0xFFFFFFFF;
	(pc) =	sbr.abs _section_cstart, $3  }
0xce: {  	[dreg:$0x1] =	wrdreg $0xFFFFFFFF  }
0xcf: {  	_ =	task.clear_ibuf [dreg:s22], $0x2FFFF;
	_ =	strace $0x9FFFFFFF  }
0xd0: {  	(tm) =	ssettm $0x7FFFFFFF  }
0xd1: {  	_ =	shalt  }
tec
execute0_lowered:
.L_overlay_start_1:
0x0: {  	(tag) =	ssettag $0x1  }
0x1: {  	s0 =	srdreg.scid;
	s5 =	stileid.u32  }
0x2: {  	s1 =	rddreg [dreg:$0x0];
	s2 =	simm.s32 $0x0;
	s15 =	simm.s32 $0x900  }
0x3: {  	s17 =	simm.s32 $0x1100;
	s18 =	simm.s32 $0x1900;
	s19 =	simm.s32 $0x2100  }
0x4: {  	s21 =	simm.s32 $0x2900;
	s22 =	simm.s32 $0x3100;
	s23 =	simm.s32 $0x3900  }
0x5: {  	s24 =	simm.s32 $0x4100;
	s25 =	simm.s32 $0x4900;
	[smem:$0x7FF] =	sst s2  }
0x6: {  	s7 =	simm.s32 $0x100;
	_ =	strace $0x80000053;
	[dreg:$0x3] =	wrdreg s15  }
0x7: {  	s26 =	simm.s32 $0x5100;
	s8 =	simm.s32 $0x5900;
	[dreg:$0x4] =	wrdreg s17  }
0x8: {  	s9 =	simm.s32 $0x6100;
	s10 =	simm.s32 $0x6900;
	[dreg:$0x5] =	wrdreg s18  }
0x9: {  	s11 =	simm.s32 $0x7100;
	s12 =	simm.s32 $0x7900;
	[dreg:$0x6] =	wrdreg s19  }
0xa: {  	s13 =	simm.s32 $0x8100;
	s28 =	simm.s32 $0xF100;
	[dreg:$0x7] =	wrdreg s21  }
0xb: {  	s29 =	simm.s32 $0xF900;
	s30 =	simm.s32 $0x1;
	[dreg:$0x8] =	wrdreg s22  }
0xc: {  	s31 =	simm.s32 $0x0;
	s0 =	sand.u32 $0x1, s0;
	[dreg:$0x9] =	wrdreg s23  }
0xd: {  	s3 =	sshll.u32 s5, $0xB;
	s5 =	sshll.u32 s5, $0x10;
	[dreg:$0xa] =	wrdreg s24  }
0xe: {  	s4 =	sshll.u32 s0, $0xA;
	s16 =	ssub.s32 $0x2, s0;
	[dreg:$0xb] =	wrdreg s25  }
0xf: {  	s0 =	sshll.u32 s0, $0xF;
	[dreg:$0xc] =	wrdreg s26;
	s15 =	simm.s32 $0x9100  }
0x10: {  	s17 =	simm.s32 $0xA100;
	s18 =	simm.s32 $0xA900;
	s19 =	simm.s32 $0xB100  }
0x11: {  	s21 =	simm.s32 $0xC100;
	s22 =	simm.s32 $0xC900;
	s23 =	simm.s32 $0xD100  }
0x12: {  	s24 =	simm.s32 $0xD900;
	s25 =	simm.s32 $0xE100;
	s3 =	sor.u32 s4, s3  }
0x13: {  	s26 =	simm.s32 $0xE900;
	s6 =	sshrl.u32 s16, $0x1;
	s3 =	sshrl.u32 s3, $0x3  }
0x14: {  	s14 =	sadd.s32 s3, s1;
	s3 =	sadd.s32 $0x84200, s1;
	s1 =	sadd.s32 s5, s1  }
0x15: {  	s5 =	ssub.s32 s16, s6;
	s6 =	simm.s32 $0x2;
	s4 =	sadd.s32 $0x4200, s14  }
0x16: {  	v2 =	vlaneseq.u32;
	s20 =	smax.u32 s5, $0x1;
	s0 =	sadd.s32 s0, s1;
	[dreg:$0x2] =	wrdreg s4  }
0x17: {  	vm0 =	vmmov $0xffff;
	v1 =	vshrl.u32 v2, $0x3;
	s16 =	simm.s32 $0x9900;
	[dreg:$0xd] =	wrdreg s20;
	s0 =	sadd.s32 $0x484200, s0  }
0x18: {  	v0 =	vand.u32 $0x7, v2;
	v2 =	vor.u32 $0x8, v2;
	v1 =	vmul.u32 $0x8, v1;
	s14 =	simm.s32 $0x8900;
	s20 =	simm.s32 $0xB900;
	[dreg:$0xe] =	wrdreg s0  }
.LBB2_1:
0x19: {  	s5 =	rddreg [dreg:$0xe];
	s0 =	simm.s32 $0x0  }
.LBB2_2:
0x1a: {  	s4 =	rddreg [dreg:$0x2]  }
0x1b: {  	s4 =	sadd.s32 s0, s4  }
0x1c: {  	[tilespmem:s2], [sflag:$0x2] =	stream.linear.gather [hbm4b:s4+s2], $0x100, $0x38;
	[tilespmem:$0x10100] =	vst v63  }
0x1d: {  	_ =	swait.ge [sflag:s6], $0x100  }
0x1e: {  	[sflag:s6] =	ssyncset.done $0x0  }
0x1f: {  	[sflag:s6] =	ssyncadd.s32 $0xFFFFFF00  }
0x20: {  	v3 =	vld [tilespmem:$0x0];
	_ =	sdelay $0x4  }
0x21: {  	v4 =	vshll.u32 v3, $0x1  }
0x22: {  	v3 =	vand.u32 $0x7, v3;
	v4 =	vand.u32 $0xFFFFFFF0, v4  }
0x23: {  	v3 =	vor.u32 v3, v4  }
0x24: {  	v4 =	vperm.xlane v3, v0;
	_ =	sdelay $0x1  }
0x25: {  	v3 =	vperm.xlane v3, v2;
	v4 =	vadd.s32 v1, v4;
	_ =	sdelay $0x1  }
0x26: {  	v3 =	vadd.s32 v1, v3;
	_ =	sdelay $0x2  }
0x27: {  	[tilespmem:s7], [sflag:$0x1] =	stream.indirect_vreg.gather [hbm4b:s3+s2], $0x80, v4, vm0, $0xb8;
	[tilespmem:$0x10100] =	vst v63  }
0x28: {  	s1 =	rddreg [dreg:$0x3]  }
0x29: {  	[tilespmem:s1], [sflag:$0x1] =	stream.indirect_vreg.gather [hbm4b:s3+s2], $0x80, v3, vm0, $0xb8;
	[tilespmem:$0x10100] =	vst v63  }
0x2a: {  	v3 =	vld [tilespmem:$0x10];
	_ =	sdelay $0x4  }
0x2b: {  	v49 =	vshll.u32 v3, $0x1  }
0x2c: {  	v3 =	vand.u32 $0x7, v3;
	v4 =	vand.u32 $0xFFFFFFF0, v49  }
0x2d: {  	v3 =	vor.u32 v3, v4  }
0x2e: {  	v4 =	vperm.xlane v3, v0;
	_ =	sdelay $0x1  }
0x2f: {  	v3 =	vperm.xlane v3, v2;
	v4 =	vadd.s32 v1, v4;
	_ =	sdelay $0x1  }
0x30: {  	v3 =	vadd.s32 v1, v3;
	_ =	sdelay $0x1  }
0x31: {  	s4 =	rddreg [dreg:$0x4]  }
0x32: {  	[tilespmem:s4], [sflag:$0x1] =	stream.indirect_vreg.gather [hbm4b:s3+s2], $0x80, v4, vm0, $0xb8;
	[tilespmem:$0x10100] =	vst v63  }
0x33: {  	s1 =	rddreg [dreg:$0x5]  }
0x34: {  	[tilespmem:s1], [sflag:$0x1] =	stream.indirect_vreg.gather [hbm4b:s3+s2], $0x80, v3, vm0, $0xb8;
	[tilespmem:$0x10100] =	vst v63  }
0x35: {  	v3 =	vld [tilespmem:$0x20];
	_ =	sdelay $0x4  }
0x36: {  	v50 =	vshll.u32 v3, $0x1  }
0x37: {  	v3 =	vand.u32 $0x7, v3;
	v4 =	vand.u32 $0xFFFFFFF0, v50  }
0x38: {  	v3 =	vor.u32 v3, v4  }
0x39: {  	v4 =	vperm.xlane v3, v0;
	_ =	sdelay $0x1  }
0x3a: {  	v3 =	vperm.xlane v3, v2;
	v4 =	vadd.s32 v1, v4;
	_ =	sdelay $0x1  }
0x3b: {  	v3 =	vadd.s32 v1, v3;
	_ =	sdelay $0x1  }
0x3c: {  	s1 =	rddreg [dreg:$0x6]  }
0x3d: {  	[tilespmem:s1], [sflag:$0x1] =	stream.indirect_vreg.gather [hbm4b:s3+s2], $0x80, v4, vm0, $0xb8;
	[tilespmem:$0x10100] =	vst v63  }
0x3e: {  	s4 =	rddreg [dreg:$0x7]  }
0x3f: {  	[tilespmem:s4], [sflag:$0x1] =	stream.indirect_vreg.gather [hbm4b:s3+s2], $0x80, v3, vm0, $0xb8;
	[tilespmem:$0x10100] =	vst v63  }
0x40: {  	v3 =	vld [tilespmem:$0x30];
	_ =	sdelay $0x4  }
0x41: {  	v51 =	vshll.u32 v3, $0x1  }
0x42: {  	v3 =	vand.u32 $0x7, v3;
	v4 =	vand.u32 $0xFFFFFFF0, v51  }
0x43: {  	v3 =	vor.u32 v3, v4  }
0x44: {  	v4 =	vperm.xlane v3, v0;
	_ =	sdelay $0x1  }
0x45: {  	v3 =	vperm.xlane v3, v2;
	v4 =	vadd.s32 v1, v4;
	_ =	sdelay $0x1  }
0x46: {  	v3 =	vadd.s32 v1, v3;
	_ =	sdelay $0x1  }
0x47: {  	s1 =	rddreg [dreg:$0x8]  }
0x48: {  	[tilespmem:s1], [sflag:$0x1] =	stream.indirect_vreg.gather [hbm4b:s3+s2], $0x80, v4, vm0, $0xb8;
	[tilespmem:$0x10100] =	vst v63  }
0x49: {  	s4 =	rddreg [dreg:$0x9]  }
0x4a: {  	[tilespmem:s4], [sflag:$0x1] =	stream.indirect_vreg.gather [hbm4b:s3+s2], $0x80, v3, vm0, $0xb8;
	[tilespmem:$0x10100] =	vst v63  }
0x4b: {  	v3 =	vld [tilespmem:$0x40];
	_ =	sdelay $0x4  }
0x4c: {  	v52 =	vshll.u32 v3, $0x1  }
0x4d: {  	v3 =	vand.u32 $0x7, v3;
	v4 =	vand.u32 $0xFFFFFFF0, v52  }
0x4e: {  	v3 =	vor.u32 v3, v4  }
0x4f: {  	v4 =	vperm.xlane v3, v0;
	_ =	sdelay $0x1  }
0x50: {  	v3 =	vperm.xlane v3, v2;
	v4 =	vadd.s32 v1, v4;
	_ =	sdelay $0x1  }
0x51: {  	v3 =	vadd.s32 v1, v3;
	_ =	sdelay $0x1  }
0x52: {  	s1 =	rddreg [dreg:$0xa]  }
0x53: {  	[tilespmem:s1], [sflag:$0x1] =	stream.indirect_vreg.gather [hbm4b:s3+s2], $0x80, v4, vm0, $0xb8;
	[tilespmem:$0x10100] =	vst v63  }
0x54: {  	s4 =	rddreg [dreg:$0xb]  }
0x55: {  	[tilespmem:s4], [sflag:$0x1] =	stream.indirect_vreg.gather [hbm4b:s3+s2], $0x80, v3, vm0, $0xb8;
	[tilespmem:$0x10100] =	vst v63  }
0x56: {  	v3 =	vld [tilespmem:$0x50];
	_ =	sdelay $0x4  }
0x57: {  	v53 =	vshll.u32 v3, $0x1  }
0x58: {  	v3 =	vand.u32 $0x7, v3;
	v4 =	vand.u32 $0xFFFFFFF0, v53  }
0x59: {  	v3 =	vor.u32 v3, v4  }
0x5a: {  	v4 =	vperm.xlane v3, v0;
	_ =	sdelay $0x1  }
0x5b: {  	v3 =	vperm.xlane v3, v2;
	v4 =	vadd.s32 v1, v4;
	_ =	sdelay $0x1  }
0x5c: {  	v3 =	vadd.s32 v1, v3;
	_ =	sdelay $0x1  }
0x5d: {  	s4 =	rddreg [dreg:$0xc]  }
0x5e: {  	[tilespmem:s4], [sflag:$0x1] =	stream.indirect_vreg.gather [hbm4b:s3+s2], $0x80, v4, vm0, $0xb8;
	[tilespmem:$0x10100] =	vst v63  }
0x5f: {  	_ = 	snop  }
0x60: {  	[tilespmem:s8], [sflag:$0x1] =	stream.indirect_vreg.gather [hbm4b:s3+s2], $0x80, v3, vm0, $0xb8;
	[tilespmem:$0x10100] =	vst v63  }
0x61: {  	v3 =	vld [tilespmem:$0x60];
	_ =	sdelay $0x4  }
0x62: {  	v54 =	vshll.u32 v3, $0x1  }
0x63: {  	v3 =	vand.u32 $0x7, v3;
	v4 =	vand.u32 $0xFFFFFFF0, v54  }
0x64: {  	v3 =	vor.u32 v3, v4  }
0x65: {  	v4 =	vperm.xlane v3, v0;
	_ =	sdelay $0x1  }
0x66: {  	v3 =	vperm.xlane v3, v2;
	v4 =	vadd.s32 v1, v4;
	_ =	sdelay $0x1  }
0x67: {  	v3 =	vadd.s32 v1, v3;
	_ =	sdelay $0x2  }
0x68: {  	[tilespmem:s9], [sflag:$0x1] =	stream.indirect_vreg.gather [hbm4b:s3+s2], $0x80, v4, vm0, $0xb8;
	[tilespmem:$0x10100] =	vst v63  }
0x69: {  	_ = 	snop  }
0x6a: {  	[tilespmem:s10], [sflag:$0x1] =	stream.indirect_vreg.gather [hbm4b:s3+s2], $0x80, v3, vm0, $0xb8;
	[tilespmem:$0x10100] =	vst v63  }
0x6b: {  	v3 =	vld [tilespmem:$0x70];
	_ =	sdelay $0x4  }
0x6c: {  	v55 =	vshll.u32 v3, $0x1  }
0x6d: {  	v3 =	vand.u32 $0x7, v3;
	v4 =	vand.u32 $0xFFFFFFF0, v55  }
0x6e: {  	v3 =	vor.u32 v3, v4  }
0x6f: {  	v4 =	vperm.xlane v3, v0;
	_ =	sdelay $0x1  }
0x70: {  	v3 =	vperm.xlane v3, v2;
	v4 =	vadd.s32 v1, v4;
	_ =	sdelay $0x1  }
0x71: {  	v3 =	vadd.s32 v1, v3;
	_ =	sdelay $0x2  }
0x72: {  	[tilespmem:s11], [sflag:$0x1] =	stream.indirect_vreg.gather [hbm4b:s3+s2], $0x80, v4, vm0, $0xb8;
	[tilespmem:$0x10100] =	vst v63  }
0x73: {  	_ = 	snop  }
0x74: {  	[tilespmem:s12], [sflag:$0x1] =	stream.indirect_vreg.gather [hbm4b:s3+s2], $0x80, v3, vm0, $0xb8;
	[tilespmem:$0x10100] =	vst v63  }
0x75: {  	v3 =	vld [tilespmem:$0x80];
	_ =	sdelay $0x4  }
0x76: {  	v56 =	vshll.u32 v3, $0x1  }
0x77: {  	v3 =	vand.u32 $0x7, v3;
	v4 =	vand.u32 $0xFFFFFFF0, v56  }
0x78: {  	v3 =	vor.u32 v3, v4  }
0x79: {  	v4 =	vperm.xlane v3, v0;
	_ =	sdelay $0x1  }
0x7a: {  	v3 =	vperm.xlane v3, v2;
	v4 =	vadd.s32 v1, v4;
	_ =	sdelay $0x1  }
0x7b: {  	v3 =	vadd.s32 v1, v3;
	_ =	sdelay $0x2  }
0x7c: {  	[tilespmem:s13], [sflag:$0x1] =	stream.indirect_vreg.gather [hbm4b:s3+s2], $0x80, v4, vm0, $0xb8;
	[tilespmem:$0x10100] =	vst v63  }
0x7d: {  	_ = 	snop  }
0x7e: {  	[tilespmem:s14], [sflag:$0x1] =	stream.indirect_vreg.gather [hbm4b:s3+s2], $0x80, v3, vm0, $0xb8;
	[tilespmem:$0x10100] =	vst v63  }
0x7f: {  	v3 =	vld [tilespmem:$0x90];
	_ =	sdelay $0x4  }
0x80: {  	v57 =	vshll.u32 v3, $0x1  }
0x81: {  	v3 =	vand.u32 $0x7, v3;
	v4 =	vand.u32 $0xFFFFFFF0, v57  }
0x82: {  	v3 =	vor.u32 v3, v4  }
0x83: {  	v4 =	vperm.xlane v3, v0;
	_ =	sdelay $0x1  }
0x84: {  	v3 =	vperm.xlane v3, v2;
	v4 =	vadd.s32 v1, v4;
	_ =	sdelay $0x1  }
0x85: {  	v3 =	vadd.s32 v1, v3;
	_ =	sdelay $0x2  }
0x86: {  	[tilespmem:s15], [sflag:$0x1] =	stream.indirect_vreg.gather [hbm4b:s3+s2], $0x80, v4, vm0, $0xb8;
	[tilespmem:$0x10100] =	vst v63  }
0x87: {  	_ = 	snop  }
0x88: {  	[tilespmem:s16], [sflag:$0x1] =	stream.indirect_vreg.gather [hbm4b:s3+s2], $0x80, v3, vm0, $0xb8;
	[tilespmem:$0x10100] =	vst v63  }
0x89: {  	v3 =	vld [tilespmem:$0xA0];
	_ =	sdelay $0x4  }
0x8a: {  	v58 =	vshll.u32 v3, $0x1  }
0x8b: {  	v3 =	vand.u32 $0x7, v3;
	v4 =	vand.u32 $0xFFFFFFF0, v58  }
0x8c: {  	v3 =	vor.u32 v3, v4  }
0x8d: {  	v4 =	vperm.xlane v3, v0;
	_ =	sdelay $0x1  }
0x8e: {  	v3 =	vperm.xlane v3, v2;
	v4 =	vadd.s32 v1, v4;
	_ =	sdelay $0x1  }
0x8f: {  	v3 =	vadd.s32 v1, v3;
	_ =	sdelay $0x2  }
0x90: {  	[tilespmem:s17], [sflag:$0x1] =	stream.indirect_vreg.gather [hbm4b:s3+s2], $0x80, v4, vm0, $0xb8;
	[tilespmem:$0x10100] =	vst v63  }
0x91: {  	_ = 	snop  }
0x92: {  	[tilespmem:s18], [sflag:$0x1] =	stream.indirect_vreg.gather [hbm4b:s3+s2], $0x80, v3, vm0, $0xb8;
	[tilespmem:$0x10100] =	vst v63  }
0x93: {  	v3 =	vld [tilespmem:$0xB0];
	_ =	sdelay $0x4  }
0x94: {  	v59 =	vshll.u32 v3, $0x1  }
0x95: {  	v3 =	vand.u32 $0x7, v3;
	v4 =	vand.u32 $0xFFFFFFF0, v59  }
0x96: {  	v3 =	vor.u32 v3, v4  }
0x97: {  	v4 =	vperm.xlane v3, v0;
	_ =	sdelay $0x1  }
0x98: {  	v3 =	vperm.xlane v3, v2;
	v4 =	vadd.s32 v1, v4;
	_ =	sdelay $0x1  }
0x99: {  	v3 =	vadd.s32 v1, v3;
	_ =	sdelay $0x2  }
0x9a: {  	[tilespmem:s19], [sflag:$0x1] =	stream.indirect_vreg.gather [hbm4b:s3+s2], $0x80, v4, vm0, $0xb8;
	[tilespmem:$0x10100] =	vst v63  }
0x9b: {  	_ = 	snop  }
0x9c: {  	[tilespmem:s20], [sflag:$0x1] =	stream.indirect_vreg.gather [hbm4b:s3+s2], $0x80, v3, vm0, $0xb8;
	[tilespmem:$0x10100] =	vst v63  }
0x9d: {  	v3 =	vld [tilespmem:$0xC0];
	_ =	sdelay $0x4  }
0x9e: {  	v60 =	vshll.u32 v3, $0x1  }
0x9f: {  	v3 =	vand.u32 $0x7, v3;
	v4 =	vand.u32 $0xFFFFFFF0, v60  }
0xa0: {  	v3 =	vor.u32 v3, v4  }
0xa1: {  	v4 =	vperm.xlane v3, v0;
	_ =	sdelay $0x1  }
0xa2: {  	v3 =	vperm.xlane v3, v2;
	v4 =	vadd.s32 v1, v4;
	_ =	sdelay $0x1  }
0xa3: {  	v3 =	vadd.s32 v1, v3;
	_ =	sdelay $0x2  }
0xa4: {  	[tilespmem:s21], [sflag:$0x1] =	stream.indirect_vreg.gather [hbm4b:s3+s2], $0x80, v4, vm0, $0xb8;
	[tilespmem:$0x10100] =	vst v63  }
0xa5: {  	_ = 	snop  }
0xa6: {  	[tilespmem:s22], [sflag:$0x1] =	stream.indirect_vreg.gather [hbm4b:s3+s2], $0x80, v3, vm0, $0xb8;
	[tilespmem:$0x10100] =	vst v63  }
0xa7: {  	v3 =	vld [tilespmem:$0xD0];
	_ =	sdelay $0x4  }
0xa8: {  	v61 =	vshll.u32 v3, $0x1  }
0xa9: {  	v3 =	vand.u32 $0x7, v3;
	v4 =	vand.u32 $0xFFFFFFF0, v61  }
0xaa: {  	v3 =	vor.u32 v3, v4  }
0xab: {  	v4 =	vperm.xlane v3, v0;
	_ =	sdelay $0x1  }
0xac: {  	v3 =	vperm.xlane v3, v2;
	v4 =	vadd.s32 v1, v4;
	_ =	sdelay $0x1  }
0xad: {  	v3 =	vadd.s32 v1, v3;
	_ =	sdelay $0x2  }
0xae: {  	[tilespmem:s23], [sflag:$0x1] =	stream.indirect_vreg.gather [hbm4b:s3+s2], $0x80, v4, vm0, $0xb8;
	[tilespmem:$0x10100] =	vst v63  }
0xaf: {  	_ = 	snop  }
0xb0: {  	[tilespmem:s24], [sflag:$0x1] =	stream.indirect_vreg.gather [hbm4b:s3+s2], $0x80, v3, vm0, $0xb8;
	[tilespmem:$0x10100] =	vst v63  }
0xb1: {  	v3 =	vld [tilespmem:$0xE0];
	_ =	sdelay $0x4  }
0xb2: {  	v62 =	vshll.u32 v3, $0x1  }
0xb3: {  	v3 =	vand.u32 $0x7, v3;
	v4 =	vand.u32 $0xFFFFFFF0, v62  }
0xb4: {  	v3 =	vor.u32 v3, v4  }
0xb5: {  	v4 =	vperm.xlane v3, v0;
	_ =	sdelay $0x1  }
0xb6: {  	v3 =	vperm.xlane v3, v2;
	v4 =	vadd.s32 v1, v4;
	_ =	sdelay $0x1  }
0xb7: {  	v3 =	vadd.s32 v1, v3;
	_ =	sdelay $0x2  }
0xb8: {  	[tilespmem:s25], [sflag:$0x1] =	stream.indirect_vreg.gather [hbm4b:s3+s2], $0x80, v4, vm0, $0xb8;
	[tilespmem:$0x10100] =	vst v63  }
0xb9: {  	_ = 	snop  }
0xba: {  	[tilespmem:s26], [sflag:$0x1] =	stream.indirect_vreg.gather [hbm4b:s3+s2], $0x80, v3, vm0, $0xb8;
	[tilespmem:$0x10100] =	vst v63  }
0xbb: {  	v3 =	vld [tilespmem:$0xF0];
	_ =	sdelay $0x4  }
0xbc: {  	v63 =	vshll.u32 v3, $0x1  }
0xbd: {  	v3 =	vand.u32 $0x7, v3;
	v4 =	vand.u32 $0xFFFFFFF0, v63  }
0xbe: {  	v3 =	vor.u32 v3, v4  }
0xbf: {  	v4 =	vperm.xlane v3, v0;
	_ =	sdelay $0x1  }
0xc0: {  	v3 =	vperm.xlane v3, v2;
	v4 =	vadd.s32 v1, v4;
	_ =	sdelay $0x1  }
0xc1: {  	v3 =	vadd.s32 v1, v3;
	_ =	sdelay $0x2  }
0xc2: {  	[tilespmem:s28], [sflag:$0x1] =	stream.indirect_vreg.gather [hbm4b:s3+s2], $0x80, v4, vm0, $0xb8;
	[tilespmem:$0x10100] =	vst v63  }
0xc3: {  	_ = 	snop  }
0xc4: {  	[tilespmem:s29], [sflag:$0x1] =	stream.indirect_vreg.gather [hbm4b:s3+s2], $0x80, v3, vm0, $0xb8;
	[tilespmem:$0x10100] =	vst v63  }
0xc5: {  	_ =	swait.ge [sflag:s30], $0x10000  }
0xc6: {  	p0 =	sne.s32 s0, $0x60;
	[sflag:s30] =	ssyncset.done $0x0  }
.Ltmp0:
0xc7: {  	[sflag:s30] =	ssyncadd.s32 $0xFFFF0000;
	(pc) =	sbr.rel @p0 .LBB2_2-.Ltmp0, $4  }
0xc8: {  	[hbm4b:s5+s2] =	stream.linear.scatter [tilespmem:s7], [sflag:$0x2], $0x10000, $0x38;
	[tilespmem:$0x10100] =	vst v63  }
0xc9: {  	_ =	swait.ge [sflag:s6], $0x10000  }
0xca: {  	[sflag:s6] =	ssyncset.done $0x0  }
0xcb: {  	s0 =	sadd.s32 $0x20, s0;
	s5 =	sadd.s32 $0x2000, s5;
	[sflag:s6] =	ssyncadd.s32 $0xFFFF0000  }
0xcc: {  	s31 =	sadd.s32 $0x1, s31;
	s0 =	rddreg [dreg:$0xd]  }
0xcd: {  	p0 =	sne.s32 s31, s0  }
.Ltmp1:
0xce: {  	_ = 	snop;
	(pc) =	sbr.rel @p0 .LBB2_1-.Ltmp1, $1  }
0xcf: {  	_ =	sdelay $0x3  }
0xd0: {  	_ =	sfence.sel $0x180000  }
0xd1: {  	[bflag:$0x0] =	sbarrier.arrive $0xFFFF  }
0xd2: {  	_ =	strace $0x90000053  }
0xd3: {  	s0 =	stileid.u32;
	[bflag:$0x2] =	sbarrier.arrive $0xFFFF  }
0xd4: {  	p0 =	sne.s32 s0, $0x0;
	s0 =	rddreg [dreg:$0x1]  }
0xd5: {  	s0 =	sadd.s32 @!p0 $0x100000, s0  }
0xd6: {  	[sflag:s0] =	ssyncadd.tile.s32 @!p0 $0x1;
	_ =	shalt  }
.Lfunc_end2:
_tile_overlayer_lowered:
.L_overlay_start_2:
0xd7: {  	(tag) =	ssettag $0x2  }
0xd8: {  	s0 =	rddreg [dreg:$0x0];
	s2 =	stileid.u32  }
0xd9: {  	s1 =	rddreg [dreg:$0x1];
	p0 =	sne.s32 s2, $0x0  }
0xda: {  	s3 =	rddreg [dreg:$0x2];
	[bflag:$0x3] =	sbarrier.arrive $0xFFFF;
	s2 =	simm.s32 @!p0 $0x1C02  }
0xdb: {  	[timem:s3], [sflag:s2] =	dma.local @!p0 [hbm:s0], s1  }
0xdc: {  	s0 =	simm.s32 @!p0 $0x2  }
0xdd: {  	_ =	swait.ge @!p0 [sflag:s0], s1  }
0xde: {  	s1 =	ssub.s32 @!p0 $0x0, s1;
	[sflag:s0] =	ssyncset.done @!p0 $0x0  }
0xdf: {  	[sflag:s0] =	ssyncadd.s32 @!p0 s1  }
0xe0: {  	[bflag:$0x3] =	sbarrier.arrive $0xFFFF  }
0xe1: {  	_ =	shalt  }

// kernel: kernel.24.cloned.1.call-start
scs
__scs_entry_jumppad:
0x0: {  	(pc) =	sbr.rel $0x88, $3  }
0x1: {  	(tag) =	ssettag $0x0;
	lr =	simm.s32 $0x1  }
0x2: {  	[smem:$0x3F92] =	sst lr;
	_ =	strace $0xD0000000  }
0x3: {  	_ = 	snop  }
0x4: {  	_ = 	snop  }
0x5: {  	_ = 	snop  }
0x6: {  	_ = 	snop  }
0x7: {  	_ = 	snop  }
__scs_overlays_trampoline_lowered:
0x8: {  	[smem:$0x3FA1] =	sst s0  }
0x9: {  	[smem:$0x3FA2] =	sst s1  }
0xa: {  	[smem:$0x3FA3] =	sst s2  }
0xb: {  	[smem:$0x3FA4] =	sst s3  }
0xc: {  	[smem:$0x3FA5] =	sst s4  }
0xd: {  	[smem:$0x3FA6] =	sst s5  }
0xe: {  	[smem:$0x3FA7] =	sst s6  }
0xf: {  	[smem:$0x3FA8] =	sst s7  }
0x10: {  	[smem:$0x3FA9] =	sst s8  }
0x11: {  	[smem:$0x3FAA] =	sst s9;
	s0 =	simm.s32 @!p0 $0x0  }
0x12: {  	s1 =	sld [smem:$0x3F90];
	s0 =	simm.s32 @p0 $0x1  }
0x13: {  	[smem:$0x3FAB] =	sst s0;
	s0 =	simm.s32 @!p1 $0x0  }
0x14: {  	s2 =	sld [smem:$0x3F8F];
	s0 =	simm.s32 @p1 $0x1  }
0x15: {  	[smem:$0x3FAC] =	sst s0;
	s0 =	simm.s32 @!p2 $0x0  }
0x16: {  	s3 =	sld [smem:$0x3FDB];
	s0 =	simm.s32 @p2 $0x1  }
0x17: {  	s4 =	simm.s32 $0x1BF5;
	[smem:$0x3FAE] =	sst s0  }
0x18: {  	s0 =	sld [smem:$0x3F91];
	_ =	swait.ge [sflag:s4], $0x0  }
0x19: {  	s7 =	sld [smem:$0x3F92]  }
0x1a: {  	s8 =	sadd.s32 $0xFFFFE003, lr  }
0x1b: {  	s9 =	sadd.s32 $0xFFFFFEF7, lr;
	s5 =	simm.s32 $0xFFFFFFFF;
	p2 =	slt.u32 s8, $0xFFFFF086  }
0x1c: {  	p1 =	slt.u32 s9, $0xF7A;
	s5 =	simm.s32 @!p2 $0x0  }
0x1d: {  	s5 =	simm.s32 @p1 $0x1;
	p0 =	seq.s32 s7, s2  }
0x1e: {  	s7 =	smul.u32 @!p0 $0xF7A, s2;
	p2 =	seq.s32 @!p0 s5, $0x0  }
0x1f: {  	s9 =	smul.u32 $0xF7A, s1;
	s8 =	simm.s32 @!p0 $0x1BF5;
	p2 =	por !p2, p0  }
0x20: {  	[sflag:s8] =	ssyncset.s32 @!p0 $0xFFFFF086;
	s6 =	sadd.s32 @!p0 s3, s7;
	s7 =	simm.s32 @!p0 $0x108  }
0x21: {  	s3 =	sadd.s32 s3, s9;
	s6 =	sadd.s32 @!p0 $0x88, s6;
	s7 =	simm.s32 @p2 $0x1082  }
0x22: {  	[simem:s7], [sflag:s8] =	dma.local @!p0 [hbm:s6], $0xF7A  }
0x23: {  	s9 =	sor.u32 $0xD0000000, s2;
	s6 =	simm.s32 $0x108;
	_ =	swait.ge @!p0 [sflag:s8], $0x0  }
0x24: {  	s3 =	sadd.s32 $0x88, s3;
	s6 =	simm.s32 @!p1 $0x1082;
	[sflag:s4] =	ssyncset.s32 $0xFFFFF086  }
0x25: {  	[simem:s6], [sflag:s4] =	dma.local [hbm:s3], $0xF7A  }
0x26: {  	[smem:$0x3F92] =	sst s1;
	(tag) =	ssettag s2;
	_ =	strace s9  }
0x27: {  	s1 =	sld [smem:$0x3FA2]  }
0x28: {  	s2 =	sld [smem:$0x3FA3]  }
0x29: {  	s4 =	sld [smem:$0x3FA5]  }
0x2a: {  	p0 =	seq.s32 s5, $0x0;
	s5 =	sld [smem:$0x3FA6]  }
0x2b: {  	s6 =	sld [smem:$0x3FA7]  }
0x2c: {  	s7 =	sld [smem:$0x3FA8]  }
0x2d: {  	s3 =	simm.s32 $0x108;
	s8 =	sld [smem:$0x3FA9]  }
0x2e: {  	s3 =	simm.s32 @!p0 $0x1082;
	s9 =	sld [smem:$0x3FAA]  }
0x2f: {  	lr =	sadd.s32 s0, s3;
	s0 =	sld [smem:$0x3FA1]  }
0x30: {  	s3 =	sld [smem:$0x3FA4]  }
0x31: {  	[smem:$0x3FAD] =	sst s10  }
0x32: {  	s10 =	sld [smem:$0x3FAB];
	_ =	sdelay $0x3  }
0x33: {  	p0 =	seq.s32 s10, $0x1;
	s10 =	sld [smem:$0x3FAD];
	_ =	sdelay $0x3  }
0x34: {  	[smem:$0x3FAD] =	sst s10  }
0x35: {  	s10 =	sld [smem:$0x3FAC];
	_ =	sdelay $0x3  }
0x36: {  	p1 =	seq.s32 s10, $0x1;
	s10 =	sld [smem:$0x3FAD];
	_ =	sdelay $0x3  }
0x37: {  	[smem:$0x3FAD] =	sst s10  }
0x38: {  	s10 =	sld [smem:$0x3FAE]  }
0x39: {  	_ = 	snop;
	(pc) =	sbr.ind lr, $3  }
0x3a: {  	_ = 	snop  }
0x3b: {  	_ = 	snop  }
0x3c: {  	p2 =	seq.s32 s10, $0x1;
	s10 =	sld [smem:$0x3FAD]  }
0x3d: {  	_ =	shalt  }
0x3e: {  	_ =	shalt  }
0x3f: {  	_ =	shalt  }
0x40: {  	_ =	shalt  }
0x41: {  	_ =	shalt  }
0x42: {  	_ =	shalt  }
0x43: {  	_ =	shalt  }
0x44: {  	_ =	shalt  }
0x45: {  	_ =	shalt  }
0x46: {  	_ =	shalt  }
0x47: {  	_ =	shalt  }
0x48: {  	_ =	shalt  }
0x49: {  	_ =	shalt  }
0x4a: {  	_ =	shalt  }
0x4b: {  	_ =	shalt  }
0x4c: {  	_ =	shalt  }
0x4d: {  	_ =	shalt  }
0x4e: {  	_ =	shalt  }
0x4f: {  	_ =	shalt  }
0x50: {  	_ =	shalt  }
0x51: {  	_ =	shalt  }
0x52: {  	_ =	shalt  }
0x53: {  	_ =	shalt  }
0x54: {  	_ =	shalt  }
0x55: {  	_ =	shalt  }
0x56: {  	_ =	shalt  }
0x57: {  	_ =	shalt  }
0x58: {  	_ =	shalt  }
0x59: {  	_ =	shalt  }
0x5a: {  	_ =	shalt  }
0x5b: {  	_ =	shalt  }
0x5c: {  	_ =	shalt  }
0x5d: {  	_ =	shalt  }
0x5e: {  	_ =	shalt  }
0x5f: {  	_ =	shalt  }
0x60: {  	_ =	shalt  }
0x61: {  	_ =	shalt  }
0x62: {  	_ =	shalt  }
0x63: {  	_ =	shalt  }
0x64: {  	_ =	shalt  }
0x65: {  	_ =	shalt  }
0x66: {  	_ =	shalt  }
0x67: {  	_ =	shalt  }
0x68: {  	_ =	shalt  }
0x69: {  	_ =	shalt  }
0x6a: {  	_ =	shalt  }
0x6b: {  	_ =	shalt  }
0x6c: {  	_ =	shalt  }
0x6d: {  	_ =	shalt  }
0x6e: {  	_ =	shalt  }
0x6f: {  	_ =	shalt  }
0x70: {  	_ =	shalt  }
0x71: {  	_ =	shalt  }
0x72: {  	_ =	shalt  }
0x73: {  	_ =	shalt  }
0x74: {  	_ =	shalt  }
0x75: {  	_ =	shalt  }
0x76: {  	_ =	shalt  }
0x77: {  	_ =	shalt  }
0x78: {  	_ =	shalt  }
0x79: {  	_ =	shalt  }
0x7a: {  	_ =	shalt  }
0x7b: {  	_ =	shalt  }
0x7c: {  	_ =	shalt  }
0x7d: {  	_ =	shalt  }
0x7e: {  	_ =	shalt  }
0x7f: {  	_ =	shalt  }
0x80: {  	_ =	shalt  }
0x81: {  	_ =	shalt  }
0x82: {  	_ =	shalt  }
0x83: {  	_ =	shalt  }
0x84: {  	_ =	shalt  }
0x85: {  	_ =	shalt  }
0x86: {  	_ =	shalt  }
0x87: {  	_ =	shalt  }
.Lfunc_end0:
.L_simem_size_0:
called_computation.3_lowered:
.L_overlay_start_0:
0x88: {  	s2 =	sld [smem:$0x3FD9]  }
0x89: {  	s3 =	sld [smem:$0x3FFE];
	_ =	sdelay $0x1  }
0x8a: {  	s1 =	srdreg.scid  }
0x8b: {  	s0 =	sand.u32 $0x1, s1  }
0x8c: {  	s17 =	sshll.u32 s0, $0xA;
	s2 =	sadd.s32 s3, s2  }
0x8d: {  	s2 =	sadd.s32 s2, s17  }
0x8e: {  	[smem:$0x3FB9] =	sst s2  }
0x8f: {  	_ = 	snop  }
0x90: {  	(tm) =	ssettm $0x1  }
0x91: {  	s18 =	sld [smem:$0x3FFB];
	_ =	sdelay $0x3  }
0x92: {  	_ =	strace s18  }
0x93: {  	s2 =	sld [smem:$0x3FFC];
	_ =	sdelay $0x3  }
0x94: {  	_ =	strace s2  }
0x95: {  	s2 =	sld [smem:$0x3FFD];
	_ =	sdelay $0x3  }
0x96: {  	_ =	strace s2  }
0x97: {  	_ =	strace $0x8FFFFFFF  }
0x98: {  	s19 =	sld [smem:$0x3FDB];
	_ =	sdelay $0x1  }
0x99: {  	s20 =	simm.s32 $_scs_section_size  }
0x9a: {  	s4 =	simm.s32 $_size__tile_overlayer_lowered;
	s5 =	simm.s32 $_tile_overlayer_lowered  }
0x9b: {  	s6 =	simm.s32 $0x1BFF;
	s21 =	sshll.u32 s5, $0x1;
	s3 =	sadd.s32 s20, s19  }
0x9c: {  	s22 =	simm.s32 $0x0;
	s4 =	sshll.u32 s4, $0x1;
	s5 =	sadd.s32 s21, s3  }
0x9d: {  	[timem:s22], [sflag:s6] =	dma.local [hbm:s5], s4  }
0x9e: {  	_ =	swait.ge [sflag:s6], s4  }
0x9f: {  	s4 =	ssub.s32 $0x0, s4;
	[sflag:s6] =	ssyncset.done $0x0  }
0xa0: {  	[sflag:s6] =	ssyncadd.s32 s4;
	_ =	sdelay $0x1  }
0xa1: {  	s23 =	simm.s32 $0x1B8B  }
0xa2: {  	_ =	swait.ge [sflag:s23], $0x1  }
0xa3: {  	[sflag:s23] =	ssyncset.done $0x0  }
0xa4: {  	[sflag:s23] =	ssyncadd.s32 $0xFFFFFFFF  }
0xa5: {  	s4 =	sld [smem:$0x0]  }
0xa6: {  	s5 =	sand.u32 $0xFFFFFFFE, s1  }
0xa7: {  	p0 =	sne.s32 s1, s5  }
0xa8: {  	s5 =	sshll.u32 @p0 s5, $0xE  }
0xa9: {  	s5 =	sadd.s32 @p0 $0x11B8D, s5;
	s6 =	sshll.u32 @p0 s4, $0x11  }
0xaa: {  	s5 =	sor.u32 @p0 s6, s5  }
0xab: {  	[sflag:s5] =	ssyncadd.remote.s32 @p0 $0x1;
	_ =	sdelay $0x1  }
0xac: {  	s5 =	simm.s32 @p0 $0x1B8D  }
0xad: {  	_ =	swait.eq @p0 [sflag:s5], $0x1  }
0xae: {  	[sflag:s5] =	ssyncadd.s32 @p0 $0xFFFFFFFF  }
0xaf: {  	s6 =	sshll.u32 @!p0 s1, $0xE  }
0xb0: {  	s6 =	sor.u32 @!p0 $0x4000, s6;
	s5 =	simm.s32 @!p0 $0x1B8D  }
0xb1: {  	s4 =	sshll.u32 @!p0 s4, $0x11;
	s6 =	sadd.s32 @!p0 $0x11B8D, s6;
	_ =	swait.eq @!p0 [sflag:s5], $0x1  }
0xb2: {  	s4 =	sor.u32 @!p0 s4, s6;
	[sflag:s5] =	ssyncadd.s32 @!p0 $0xFFFFFFFF  }
0xb3: {  	s25 =	simm.s32 $0x1B8E;
	s24 =	sld [smem:$0x3FFE];
	[sflag:s4] =	ssyncadd.remote.s32 @!p0 $0x1  }
0xb4: {  	s26 =	simm.s32 $execute0_lowered;
	[smem:$0x3FD2] =	sst s25  }
0xb5: {  	s5 =	sshll.u32 s26, $0x1;
	_ =	strace $0x8000004F;
	[dreg:$0x1] =	wrdreg $0xFFFFFFFF  }
0xb6: {  	s28 =	simm.s32 $_size_execute0_lowered;
	s3 =	sadd.s32 s3, s5;
	[dreg:$0x0] =	wrdreg $0x0  }
0xb7: {  	s5 =	sshll.u32 s28, $0x1;
	[dreg:$0x2] =	wrdreg s3  }
0xb8: {  	[dreg:$0x3] =	wrdreg s5  }
0xb9: {  	[dreg:$0x4] =	wrdreg $0xC0  }
0xba: {  	_ =	task [dreg:s22], $0x5FFFF  }
0xbb: {  	[dreg:$0x1] =	wrdreg $0xFFFFFFFF  }
0xbc: {  	[dreg:$0x0] =	wrdreg $0x60  }
0xbd: {  	[dreg:$0x2] =	wrdreg s24  }
0xbe: {  	[dreg:$0x3] =	wrdreg $0xB  }
0xbf: {  	_ =	task.clear_ibuf [dreg:s22], $0x4FFFF;
	_ =	strace $0x9000004F  }
0xc0: {  	s29 =	simm.s32 $0xB;
	_ =	strace $0x80000051  }
0xc1: {  	_ =	swait.ge [sflag:s29], $0x1  }
0xc2: {  	[sflag:s29] =	ssyncadd.s32 $0xFFFFFFFF  }
0xc3: {  	_ =	strace $0x90000051  }
0xc4: {  	_ =	sfence  }
0xc5: {  	s30 =	sld [smem:$0x0];
	_ =	sdelay $0x2  }
0xc6: {  	s31 =	sshll.u32 s1, $0xD;
	s1 =	sshrl.u32 s1, $0x2  }
0xc7: {  	s4 =	sand.u32 $0x4000, s31;
	s1 =	sadd.s32 s1, s30  }
0xc8: {  	s0 =	sor.u32 s4, s0;
	s1 =	sshll.u32 s1, $0x11  }
0xc9: {  	s0 =	sor.u32 s1, s0  }
0xca: {  	s0 =	sadd.s32 $0x8F2B, s0  }
0xcb: {  	[sflag:s0] =	ssyncadd.remote.s32 $0x1  }
0xcc: {  	_ =	sfence.sel $0xFFFF  }
0xcd: {  	[dreg:$0x0] =	wrdreg $0xFFFFFFFF;
	(pc) =	sbr.abs _section_cstart, $3  }
0xce: {  	[dreg:$0x1] =	wrdreg $0xFFFFFFFF  }
0xcf: {  	_ =	task.clear_ibuf [dreg:s22], $0x2FFFF;
	_ =	strace $0x9FFFFFFF  }
0xd0: {  	(tm) =	ssettm $0x7FFFFFFF  }
0xd1: {  	_ =	shalt  }
tec
execute0_lowered:
.L_overlay_start_1:
0x0: {  	(tag) =	ssettag $0x1  }
0x1: {  	s0 =	srdreg.scid;
	s5 =	stileid.u32  }
0x2: {  	s1 =	rddreg [dreg:$0x0];
	s2 =	simm.s32 $0x0;
	s15 =	simm.s32 $0x900  }
0x3: {  	s17 =	simm.s32 $0x1100;
	s18 =	simm.s32 $0x1900;
	s19 =	simm.s32 $0x2100  }
0x4: {  	s21 =	simm.s32 $0x2900;
	s22 =	simm.s32 $0x3100;
	s23 =	simm.s32 $0x3900  }
0x5: {  	s24 =	simm.s32 $0x4100;
	s25 =	simm.s32 $0x4900;
	[smem:$0x7FF] =	sst s2  }
0x6: {  	s7 =	simm.s32 $0x100;
	_ =	strace $0x80000050;
	[dreg:$0x3] =	wrdreg s15  }
0x7: {  	s26 =	simm.s32 $0x5100;
	s8 =	simm.s32 $0x5900;
	[dreg:$0x4] =	wrdreg s17  }
0x8: {  	s9 =	simm.s32 $0x6100;
	s10 =	simm.s32 $0x6900;
	[dreg:$0x5] =	wrdreg s18  }
0x9: {  	s11 =	simm.s32 $0x7100;
	s12 =	simm.s32 $0x7900;
	[dreg:$0x6] =	wrdreg s19  }
0xa: {  	s13 =	simm.s32 $0x8100;
	s28 =	simm.s32 $0xF100;
	[dreg:$0x7] =	wrdreg s21  }
0xb: {  	s29 =	simm.s32 $0xF900;
	s30 =	simm.s32 $0x1;
	[dreg:$0x8] =	wrdreg s22  }
0xc: {  	s31 =	simm.s32 $0x0;
	s0 =	sand.u32 $0x1, s0;
	[dreg:$0x9] =	wrdreg s23  }
0xd: {  	s3 =	sshll.u32 s5, $0xB;
	s5 =	sshll.u32 s5, $0x10;
	[dreg:$0xa] =	wrdreg s24  }
0xe: {  	s4 =	sshll.u32 s0, $0xA;
	s16 =	ssub.s32 $0x2, s0;
	[dreg:$0xb] =	wrdreg s25  }
0xf: {  	s0 =	sshll.u32 s0, $0xF;
	[dreg:$0xc] =	wrdreg s26;
	s15 =	simm.s32 $0x9100  }
0x10: {  	s17 =	simm.s32 $0xA100;
	s18 =	simm.s32 $0xA900;
	s19 =	simm.s32 $0xB100  }
0x11: {  	s21 =	simm.s32 $0xC100;
	s22 =	simm.s32 $0xC900;
	s23 =	simm.s32 $0xD100  }
0x12: {  	s24 =	simm.s32 $0xD900;
	s25 =	simm.s32 $0xE100;
	s3 =	sor.u32 s4, s3  }
0x13: {  	s26 =	simm.s32 $0xE900;
	s6 =	sshrl.u32 s16, $0x1;
	s3 =	sshrl.u32 s3, $0x3  }
0x14: {  	s14 =	sadd.s32 s3, s1;
	s3 =	sadd.s32 $0x84200, s1;
	s1 =	sadd.s32 s5, s1  }
0x15: {  	s5 =	ssub.s32 s16, s6;
	s6 =	simm.s32 $0x2;
	s4 =	sadd.s32 $0x47200, s14  }
0x16: {  	v2 =	vlaneseq.u32;
	s20 =	smax.u32 s5, $0x1;
	s0 =	sadd.s32 s0, s1;
	[dreg:$0x2] =	wrdreg s4  }
0x17: {  	vm0 =	vmmov $0xffff;
	v1 =	vshrl.u32 v2, $0x3;
	s16 =	simm.s32 $0x9900;
	[dreg:$0xd] =	wrdreg s20;
	s0 =	sadd.s32 $0x384200, s0  }
0x18: {  	v0 =	vand.u32 $0x7, v2;
	v2 =	vor.u32 $0x8, v2;
	v1 =	vmul.u32 $0x8, v1;
	s14 =	simm.s32 $0x8900;
	s20 =	simm.s32 $0xB900;
	[dreg:$0xe] =	wrdreg s0  }
.LBB2_1:
0x19: {  	s5 =	rddreg [dreg:$0xe];
	s0 =	simm.s32 $0x0  }
.LBB2_2:
0x1a: {  	s4 =	rddreg [dreg:$0x2]  }
0x1b: {  	s4 =	sadd.s32 s0, s4  }
0x1c: {  	[tilespmem:s2], [sflag:$0x2] =	stream.linear.gather [hbm4b:s4+s2], $0x100, $0x38;
	[tilespmem:$0x10100] =	vst v63  }
0x1d: {  	_ =	swait.ge [sflag:s6], $0x100  }
0x1e: {  	[sflag:s6] =	ssyncset.done $0x0  }
0x1f: {  	[sflag:s6] =	ssyncadd.s32 $0xFFFFFF00  }
0x20: {  	v3 =	vld [tilespmem:$0x0];
	_ =	sdelay $0x4  }
0x21: {  	v4 =	vshll.u32 v3, $0x1  }
0x22: {  	v3 =	vand.u32 $0x7, v3;
	v4 =	vand.u32 $0xFFFFFFF0, v4  }
0x23: {  	v3 =	vor.u32 v3, v4  }
0x24: {  	v4 =	vperm.xlane v3, v0;
	_ =	sdelay $0x1  }
0x25: {  	v3 =	vperm.xlane v3, v2;
	v4 =	vadd.s32 v1, v4;
	_ =	sdelay $0x1  }
0x26: {  	v3 =	vadd.s32 v1, v3;
	_ =	sdelay $0x2  }
0x27: {  	[tilespmem:s7], [sflag:$0x1] =	stream.indirect_vreg.gather [hbm4b:s3+s2], $0x80, v4, vm0, $0xb8;
	[tilespmem:$0x10100] =	vst v63  }
0x28: {  	s1 =	rddreg [dreg:$0x3]  }
0x29: {  	[tilespmem:s1], [sflag:$0x1] =	stream.indirect_vreg.gather [hbm4b:s3+s2], $0x80, v3, vm0, $0xb8;
	[tilespmem:$0x10100] =	vst v63  }
0x2a: {  	v3 =	vld [tilespmem:$0x10];
	_ =	sdelay $0x4  }
0x2b: {  	v49 =	vshll.u32 v3, $0x1  }
0x2c: {  	v3 =	vand.u32 $0x7, v3;
	v4 =	vand.u32 $0xFFFFFFF0, v49  }
0x2d: {  	v3 =	vor.u32 v3, v4  }
0x2e: {  	v4 =	vperm.xlane v3, v0;
	_ =	sdelay $0x1  }
0x2f: {  	v3 =	vperm.xlane v3, v2;
	v4 =	vadd.s32 v1, v4;
	_ =	sdelay $0x1  }
0x30: {  	v3 =	vadd.s32 v1, v3;
	_ =	sdelay $0x1  }
0x31: {  	s4 =	rddreg [dreg:$0x4]  }
0x32: {  	[tilespmem:s4], [sflag:$0x1] =	stream.indirect_vreg.gather [hbm4b:s3+s2], $0x80, v4, vm0, $0xb8;
	[tilespmem:$0x10100] =	vst v63  }
0x33: {  	s1 =	rddreg [dreg:$0x5]  }
0x34: {  	[tilespmem:s1], [sflag:$0x1] =	stream.indirect_vreg.gather [hbm4b:s3+s2], $0x80, v3, vm0, $0xb8;
	[tilespmem:$0x10100] =	vst v63  }
0x35: {  	v3 =	vld [tilespmem:$0x20];
	_ =	sdelay $0x4  }
0x36: {  	v50 =	vshll.u32 v3, $0x1  }
0x37: {  	v3 =	vand.u32 $0x7, v3;
	v4 =	vand.u32 $0xFFFFFFF0, v50  }
0x38: {  	v3 =	vor.u32 v3, v4  }
0x39: {  	v4 =	vperm.xlane v3, v0;
	_ =	sdelay $0x1  }
0x3a: {  	v3 =	vperm.xlane v3, v2;
	v4 =	vadd.s32 v1, v4;
	_ =	sdelay $0x1  }
0x3b: {  	v3 =	vadd.s32 v1, v3;
	_ =	sdelay $0x1  }
0x3c: {  	s1 =	rddreg [dreg:$0x6]  }
0x3d: {  	[tilespmem:s1], [sflag:$0x1] =	stream.indirect_vreg.gather [hbm4b:s3+s2], $0x80, v4, vm0, $0xb8;
	[tilespmem:$0x10100] =	vst v63  }
0x3e: {  	s4 =	rddreg [dreg:$0x7]  }
0x3f: {  	[tilespmem:s4], [sflag:$0x1] =	stream.indirect_vreg.gather [hbm4b:s3+s2], $0x80, v3, vm0, $0xb8;
	[tilespmem:$0x10100] =	vst v63  }
0x40: {  	v3 =	vld [tilespmem:$0x30];
	_ =	sdelay $0x4  }
0x41: {  	v51 =	vshll.u32 v3, $0x1  }
0x42: {  	v3 =	vand.u32 $0x7, v3;
	v4 =	vand.u32 $0xFFFFFFF0, v51  }
0x43: {  	v3 =	vor.u32 v3, v4  }
0x44: {  	v4 =	vperm.xlane v3, v0;
	_ =	sdelay $0x1  }
0x45: {  	v3 =	vperm.xlane v3, v2;
	v4 =	vadd.s32 v1, v4;
	_ =	sdelay $0x1  }
0x46: {  	v3 =	vadd.s32 v1, v3;
	_ =	sdelay $0x1  }
0x47: {  	s1 =	rddreg [dreg:$0x8]  }
0x48: {  	[tilespmem:s1], [sflag:$0x1] =	stream.indirect_vreg.gather [hbm4b:s3+s2], $0x80, v4, vm0, $0xb8;
	[tilespmem:$0x10100] =	vst v63  }
0x49: {  	s4 =	rddreg [dreg:$0x9]  }
0x4a: {  	[tilespmem:s4], [sflag:$0x1] =	stream.indirect_vreg.gather [hbm4b:s3+s2], $0x80, v3, vm0, $0xb8;
	[tilespmem:$0x10100] =	vst v63  }
0x4b: {  	v3 =	vld [tilespmem:$0x40];
	_ =	sdelay $0x4  }
0x4c: {  	v52 =	vshll.u32 v3, $0x1  }
0x4d: {  	v3 =	vand.u32 $0x7, v3;
	v4 =	vand.u32 $0xFFFFFFF0, v52  }
0x4e: {  	v3 =	vor.u32 v3, v4  }
0x4f: {  	v4 =	vperm.xlane v3, v0;
	_ =	sdelay $0x1  }
0x50: {  	v3 =	vperm.xlane v3, v2;
	v4 =	vadd.s32 v1, v4;
	_ =	sdelay $0x1  }
0x51: {  	v3 =	vadd.s32 v1, v3;
	_ =	sdelay $0x1  }
0x52: {  	s1 =	rddreg [dreg:$0xa]  }
0x53: {  	[tilespmem:s1], [sflag:$0x1] =	stream.indirect_vreg.gather [hbm4b:s3+s2], $0x80, v4, vm0, $0xb8;
	[tilespmem:$0x10100] =	vst v63  }
0x54: {  	s4 =	rddreg [dreg:$0xb]  }
0x55: {  	[tilespmem:s4], [sflag:$0x1] =	stream.indirect_vreg.gather [hbm4b:s3+s2], $0x80, v3, vm0, $0xb8;
	[tilespmem:$0x10100] =	vst v63  }
0x56: {  	v3 =	vld [tilespmem:$0x50];
	_ =	sdelay $0x4  }
0x57: {  	v53 =	vshll.u32 v3, $0x1  }
0x58: {  	v3 =	vand.u32 $0x7, v3;
	v4 =	vand.u32 $0xFFFFFFF0, v53  }
0x59: {  	v3 =	vor.u32 v3, v4  }
0x5a: {  	v4 =	vperm.xlane v3, v0;
	_ =	sdelay $0x1  }
0x5b: {  	v3 =	vperm.xlane v3, v2;
	v4 =	vadd.s32 v1, v4;
	_ =	sdelay $0x1  }
0x5c: {  	v3 =	vadd.s32 v1, v3;
	_ =	sdelay $0x1  }
0x5d: {  	s4 =	rddreg [dreg:$0xc]  }
0x5e: {  	[tilespmem:s4], [sflag:$0x1] =	stream.indirect_vreg.gather [hbm4b:s3+s2], $0x80, v4, vm0, $0xb8;
	[tilespmem:$0x10100] =	vst v63  }
0x5f: {  	_ = 	snop  }
0x60: {  	[tilespmem:s8], [sflag:$0x1] =	stream.indirect_vreg.gather [hbm4b:s3+s2], $0x80, v3, vm0, $0xb8;
	[tilespmem:$0x10100] =	vst v63  }
0x61: {  	v3 =	vld [tilespmem:$0x60];
	_ =	sdelay $0x4  }
0x62: {  	v54 =	vshll.u32 v3, $0x1  }
0x63: {  	v3 =	vand.u32 $0x7, v3;
	v4 =	vand.u32 $0xFFFFFFF0, v54  }
0x64: {  	v3 =	vor.u32 v3, v4  }
0x65: {  	v4 =	vperm.xlane v3, v0;
	_ =	sdelay $0x1  }
0x66: {  	v3 =	vperm.xlane v3, v2;
	v4 =	vadd.s32 v1, v4;
	_ =	sdelay $0x1  }
0x67: {  	v3 =	vadd.s32 v1, v3;
	_ =	sdelay $0x2  }
0x68: {  	[tilespmem:s9], [sflag:$0x1] =	stream.indirect_vreg.gather [hbm4b:s3+s2], $0x80, v4, vm0, $0xb8;
	[tilespmem:$0x10100] =	vst v63  }
0x69: {  	_ = 	snop  }
0x6a: {  	[tilespmem:s10], [sflag:$0x1] =	stream.indirect_vreg.gather [hbm4b:s3+s2], $0x80, v3, vm0, $0xb8;
	[tilespmem:$0x10100] =	vst v63  }
0x6b: {  	v3 =	vld [tilespmem:$0x70];
	_ =	sdelay $0x4  }
0x6c: {  	v55 =	vshll.u32 v3, $0x1  }
0x6d: {  	v3 =	vand.u32 $0x7, v3;
	v4 =	vand.u32 $0xFFFFFFF0, v55  }
0x6e: {  	v3 =	vor.u32 v3, v4  }
0x6f: {  	v4 =	vperm.xlane v3, v0;
	_ =	sdelay $0x1  }
0x70: {  	v3 =	vperm.xlane v3, v2;
	v4 =	vadd.s32 v1, v4;
	_ =	sdelay $0x1  }
0x71: {  	v3 =	vadd.s32 v1, v3;
	_ =	sdelay $0x2  }
0x72: {  	[tilespmem:s11], [sflag:$0x1] =	stream.indirect_vreg.gather [hbm4b:s3+s2], $0x80, v4, vm0, $0xb8;
	[tilespmem:$0x10100] =	vst v63  }
0x73: {  	_ = 	snop  }
0x74: {  	[tilespmem:s12], [sflag:$0x1] =	stream.indirect_vreg.gather [hbm4b:s3+s2], $0x80, v3, vm0, $0xb8;
	[tilespmem:$0x10100] =	vst v63  }
0x75: {  	v3 =	vld [tilespmem:$0x80];
	_ =	sdelay $0x4  }
0x76: {  	v56 =	vshll.u32 v3, $0x1  }
0x77: {  	v3 =	vand.u32 $0x7, v3;
	v4 =	vand.u32 $0xFFFFFFF0, v56  }
0x78: {  	v3 =	vor.u32 v3, v4  }
0x79: {  	v4 =	vperm.xlane v3, v0;
	_ =	sdelay $0x1  }
0x7a: {  	v3 =	vperm.xlane v3, v2;
	v4 =	vadd.s32 v1, v4;
	_ =	sdelay $0x1  }
0x7b: {  	v3 =	vadd.s32 v1, v3;
	_ =	sdelay $0x2  }
0x7c: {  	[tilespmem:s13], [sflag:$0x1] =	stream.indirect_vreg.gather [hbm4b:s3+s2], $0x80, v4, vm0, $0xb8;
	[tilespmem:$0x10100] =	vst v63  }
0x7d: {  	_ = 	snop  }
0x7e: {  	[tilespmem:s14], [sflag:$0x1] =	stream.indirect_vreg.gather [hbm4b:s3+s2], $0x80, v3, vm0, $0xb8;
	[tilespmem:$0x10100] =	vst v63  }
0x7f: {  	v3 =	vld [tilespmem:$0x90];
	_ =	sdelay $0x4  }
0x80: {  	v57 =	vshll.u32 v3, $0x1  }
0x81: {  	v3 =	vand.u32 $0x7, v3;
	v4 =	vand.u32 $0xFFFFFFF0, v57  }
0x82: {  	v3 =	vor.u32 v3, v4  }
0x83: {  	v4 =	vperm.xlane v3, v0;
	_ =	sdelay $0x1  }
0x84: {  	v3 =	vperm.xlane v3, v2;
	v4 =	vadd.s32 v1, v4;
	_ =	sdelay $0x1  }
0x85: {  	v3 =	vadd.s32 v1, v3;
	_ =	sdelay $0x2  }
0x86: {  	[tilespmem:s15], [sflag:$0x1] =	stream.indirect_vreg.gather [hbm4b:s3+s2], $0x80, v4, vm0, $0xb8;
	[tilespmem:$0x10100] =	vst v63  }
0x87: {  	_ = 	snop  }
0x88: {  	[tilespmem:s16], [sflag:$0x1] =	stream.indirect_vreg.gather [hbm4b:s3+s2], $0x80, v3, vm0, $0xb8;
	[tilespmem:$0x10100] =	vst v63  }
0x89: {  	v3 =	vld [tilespmem:$0xA0];
	_ =	sdelay $0x4  }
0x8a: {  	v58 =	vshll.u32 v3, $0x1  }
0x8b: {  	v3 =	vand.u32 $0x7, v3;
	v4 =	vand.u32 $0xFFFFFFF0, v58  }
0x8c: {  	v3 =	vor.u32 v3, v4  }
0x8d: {  	v4 =	vperm.xlane v3, v0;
	_ =	sdelay $0x1  }
0x8e: {  	v3 =	vperm.xlane v3, v2;
	v4 =	vadd.s32 v1, v4;
	_ =	sdelay $0x1  }
0x8f: {  	v3 =	vadd.s32 v1, v3;
	_ =	sdelay $0x2  }
0x90: {  	[tilespmem:s17], [sflag:$0x1] =	stream.indirect_vreg.gather [hbm4b:s3+s2], $0x80, v4, vm0, $0xb8;
	[tilespmem:$0x10100] =	vst v63  }
0x91: {  	_ = 	snop  }
0x92: {  	[tilespmem:s18], [sflag:$0x1] =	stream.indirect_vreg.gather [hbm4b:s3+s2], $0x80, v3, vm0, $0xb8;
	[tilespmem:$0x10100] =	vst v63  }
0x93: {  	v3 =	vld [tilespmem:$0xB0];
	_ =	sdelay $0x4  }
0x94: {  	v59 =	vshll.u32 v3, $0x1  }
0x95: {  	v3 =	vand.u32 $0x7, v3;
	v4 =	vand.u32 $0xFFFFFFF0, v59  }
0x96: {  	v3 =	vor.u32 v3, v4  }
0x97: {  	v4 =	vperm.xlane v3, v0;
	_ =	sdelay $0x1  }
0x98: {  	v3 =	vperm.xlane v3, v2;
	v4 =	vadd.s32 v1, v4;
	_ =	sdelay $0x1  }
0x99: {  	v3 =	vadd.s32 v1, v3;
	_ =	sdelay $0x2  }
0x9a: {  	[tilespmem:s19], [sflag:$0x1] =	stream.indirect_vreg.gather [hbm4b:s3+s2], $0x80, v4, vm0, $0xb8;
	[tilespmem:$0x10100] =	vst v63  }
0x9b: {  	_ = 	snop  }
0x9c: {  	[tilespmem:s20], [sflag:$0x1] =	stream.indirect_vreg.gather [hbm4b:s3+s2], $0x80, v3, vm0, $0xb8;
	[tilespmem:$0x10100] =	vst v63  }
0x9d: {  	v3 =	vld [tilespmem:$0xC0];
	_ =	sdelay $0x4  }
0x9e: {  	v60 =	vshll.u32 v3, $0x1  }
0x9f: {  	v3 =	vand.u32 $0x7, v3;
	v4 =	vand.u32 $0xFFFFFFF0, v60  }
0xa0: {  	v3 =	vor.u32 v3, v4  }
0xa1: {  	v4 =	vperm.xlane v3, v0;
	_ =	sdelay $0x1  }
0xa2: {  	v3 =	vperm.xlane v3, v2;
	v4 =	vadd.s32 v1, v4;
	_ =	sdelay $0x1  }
0xa3: {  	v3 =	vadd.s32 v1, v3;
	_ =	sdelay $0x2  }
0xa4: {  	[tilespmem:s21], [sflag:$0x1] =	stream.indirect_vreg.gather [hbm4b:s3+s2], $0x80, v4, vm0, $0xb8;
	[tilespmem:$0x10100] =	vst v63  }
0xa5: {  	_ = 	snop  }
0xa6: {  	[tilespmem:s22], [sflag:$0x1] =	stream.indirect_vreg.gather [hbm4b:s3+s2], $0x80, v3, vm0, $0xb8;
	[tilespmem:$0x10100] =	vst v63  }
0xa7: {  	v3 =	vld [tilespmem:$0xD0];
	_ =	sdelay $0x4  }
0xa8: {  	v61 =	vshll.u32 v3, $0x1  }
0xa9: {  	v3 =	vand.u32 $0x7, v3;
	v4 =	vand.u32 $0xFFFFFFF0, v61  }
0xaa: {  	v3 =	vor.u32 v3, v4  }
0xab: {  	v4 =	vperm.xlane v3, v0;
	_ =	sdelay $0x1  }
0xac: {  	v3 =	vperm.xlane v3, v2;
	v4 =	vadd.s32 v1, v4;
	_ =	sdelay $0x1  }
0xad: {  	v3 =	vadd.s32 v1, v3;
	_ =	sdelay $0x2  }
0xae: {  	[tilespmem:s23], [sflag:$0x1] =	stream.indirect_vreg.gather [hbm4b:s3+s2], $0x80, v4, vm0, $0xb8;
	[tilespmem:$0x10100] =	vst v63  }
0xaf: {  	_ = 	snop  }
0xb0: {  	[tilespmem:s24], [sflag:$0x1] =	stream.indirect_vreg.gather [hbm4b:s3+s2], $0x80, v3, vm0, $0xb8;
	[tilespmem:$0x10100] =	vst v63  }
0xb1: {  	v3 =	vld [tilespmem:$0xE0];
	_ =	sdelay $0x4  }
0xb2: {  	v62 =	vshll.u32 v3, $0x1  }
0xb3: {  	v3 =	vand.u32 $0x7, v3;
	v4 =	vand.u32 $0xFFFFFFF0, v62  }
0xb4: {  	v3 =	vor.u32 v3, v4  }
0xb5: {  	v4 =	vperm.xlane v3, v0;
	_ =	sdelay $0x1  }
0xb6: {  	v3 =	vperm.xlane v3, v2;
	v4 =	vadd.s32 v1, v4;
	_ =	sdelay $0x1  }
0xb7: {  	v3 =	vadd.s32 v1, v3;
	_ =	sdelay $0x2  }
0xb8: {  	[tilespmem:s25], [sflag:$0x1] =	stream.indirect_vreg.gather [hbm4b:s3+s2], $0x80, v4, vm0, $0xb8;
	[tilespmem:$0x10100] =	vst v63  }
0xb9: {  	_ = 	snop  }
0xba: {  	[tilespmem:s26], [sflag:$0x1] =	stream.indirect_vreg.gather [hbm4b:s3+s2], $0x80, v3, vm0, $0xb8;
	[tilespmem:$0x10100] =	vst v63  }
0xbb: {  	v3 =	vld [tilespmem:$0xF0];
	_ =	sdelay $0x4  }
0xbc: {  	v63 =	vshll.u32 v3, $0x1  }
0xbd: {  	v3 =	vand.u32 $0x7, v3;
	v4 =	vand.u32 $0xFFFFFFF0, v63  }
0xbe: {  	v3 =	vor.u32 v3, v4  }
0xbf: {  	v4 =	vperm.xlane v3, v0;
	_ =	sdelay $0x1  }
0xc0: {  	v3 =	vperm.xlane v3, v2;
	v4 =	vadd.s32 v1, v4;
	_ =	sdelay $0x1  }
0xc1: {  	v3 =	vadd.s32 v1, v3;
	_ =	sdelay $0x2  }
0xc2: {  	[tilespmem:s28], [sflag:$0x1] =	stream.indirect_vreg.gather [hbm4b:s3+s2], $0x80, v4, vm0, $0xb8;
	[tilespmem:$0x10100] =	vst v63  }
0xc3: {  	_ = 	snop  }
0xc4: {  	[tilespmem:s29], [sflag:$0x1] =	stream.indirect_vreg.gather [hbm4b:s3+s2], $0x80, v3, vm0, $0xb8;
	[tilespmem:$0x10100] =	vst v63  }
0xc5: {  	_ =	swait.ge [sflag:s30], $0x10000  }
0xc6: {  	p0 =	sne.s32 s0, $0x60;
	[sflag:s30] =	ssyncset.done $0x0  }
.Ltmp0:
0xc7: {  	[sflag:s30] =	ssyncadd.s32 $0xFFFF0000;
	(pc) =	sbr.rel @p0 .LBB2_2-.Ltmp0, $4  }
0xc8: {  	[hbm4b:s5+s2] =	stream.linear.scatter [tilespmem:s7], [sflag:$0x2], $0x10000, $0x38;
	[tilespmem:$0x10100] =	vst v63  }
0xc9: {  	_ =	swait.ge [sflag:s6], $0x10000  }
0xca: {  	[sflag:s6] =	ssyncset.done $0x0  }
0xcb: {  	s0 =	sadd.s32 $0x20, s0;
	s5 =	sadd.s32 $0x2000, s5;
	[sflag:s6] =	ssyncadd.s32 $0xFFFF0000  }
0xcc: {  	s31 =	sadd.s32 $0x1, s31;
	s0 =	rddreg [dreg:$0xd]  }
0xcd: {  	p0 =	sne.s32 s31, s0  }
.Ltmp1:
0xce: {  	_ = 	snop;
	(pc) =	sbr.rel @p0 .LBB2_1-.Ltmp1, $1  }
0xcf: {  	_ =	sdelay $0x3  }
0xd0: {  	_ =	sfence.sel $0x180000  }
0xd1: {  	[bflag:$0x0] =	sbarrier.arrive $0xFFFF  }
0xd2: {  	_ =	strace $0x90000050  }
0xd3: {  	s0 =	stileid.u32;
	[bflag:$0x2] =	sbarrier.arrive $0xFFFF  }
0xd4: {  	p0 =	sne.s32 s0, $0x0;
	s0 =	rddreg [dreg:$0x1]  }
0xd5: {  	s0 =	sadd.s32 @!p0 $0x100000, s0  }
0xd6: {  	[sflag:s0] =	ssyncadd.tile.s32 @!p0 $0x1;
	_ =	shalt  }
.Lfunc_end2:
_tile_overlayer_lowered:
.L_overlay_start_2:
0xd7: {  	(tag) =	ssettag $0x2  }
0xd8: {  	s0 =	rddreg [dreg:$0x0];
	s2 =	stileid.u32  }
0xd9: {  	s1 =	rddreg [dreg:$0x1];
	p0 =	sne.s32 s2, $0x0  }
0xda: {  	s3 =	rddreg [dreg:$0x2];
	[bflag:$0x3] =	sbarrier.arrive $0xFFFF;
	s2 =	simm.s32 @!p0 $0x1C02  }
0xdb: {  	[timem:s3], [sflag:s2] =	dma.local @!p0 [hbm:s0], s1  }
0xdc: {  	s0 =	simm.s32 @!p0 $0x2  }
0xdd: {  	_ =	swait.ge @!p0 [sflag:s0], s1  }
0xde: {  	s1 =	ssub.s32 @!p0 $0x0, s1;
	[sflag:s0] =	ssyncset.done @!p0 $0x0  }
0xdf: {  	[sflag:s0] =	ssyncadd.s32 @!p0 s1  }
0xe0: {  	[bflag:$0x3] =	sbarrier.arrive $0xFFFF  }
0xe1: {  	_ =	shalt  }

// kernel: kernel.27.cloned.1.call-start
scs
__scs_entry_jumppad:
0x0: {  	(pc) =	sbr.rel $0x88, $3  }
0x1: {  	(tag) =	ssettag $0x0;
	lr =	simm.s32 $0x1  }
0x2: {  	[smem:$0x3F92] =	sst lr;
	_ =	strace $0xD0000000  }
0x3: {  	_ = 	snop  }
0x4: {  	_ = 	snop  }
0x5: {  	_ = 	snop  }
0x6: {  	_ = 	snop  }
0x7: {  	_ = 	snop  }
__scs_overlays_trampoline_lowered:
0x8: {  	[smem:$0x3FA1] =	sst s0  }
0x9: {  	[smem:$0x3FA2] =	sst s1  }
0xa: {  	[smem:$0x3FA3] =	sst s2  }
0xb: {  	[smem:$0x3FA4] =	sst s3  }
0xc: {  	[smem:$0x3FA5] =	sst s4  }
0xd: {  	[smem:$0x3FA6] =	sst s5  }
0xe: {  	[smem:$0x3FA7] =	sst s6  }
0xf: {  	[smem:$0x3FA8] =	sst s7  }
0x10: {  	[smem:$0x3FA9] =	sst s8  }
0x11: {  	[smem:$0x3FAA] =	sst s9;
	s0 =	simm.s32 @!p0 $0x0  }
0x12: {  	s1 =	sld [smem:$0x3F90];
	s0 =	simm.s32 @p0 $0x1  }
0x13: {  	[smem:$0x3FAB] =	sst s0;
	s0 =	simm.s32 @!p1 $0x0  }
0x14: {  	s2 =	sld [smem:$0x3F8F];
	s0 =	simm.s32 @p1 $0x1  }
0x15: {  	[smem:$0x3FAC] =	sst s0;
	s0 =	simm.s32 @!p2 $0x0  }
0x16: {  	s3 =	sld [smem:$0x3FDB];
	s0 =	simm.s32 @p2 $0x1  }
0x17: {  	s4 =	simm.s32 $0x1BF5;
	[smem:$0x3FAE] =	sst s0  }
0x18: {  	s0 =	sld [smem:$0x3F91];
	_ =	swait.ge [sflag:s4], $0x0  }
0x19: {  	s7 =	sld [smem:$0x3F92]  }
0x1a: {  	s8 =	sadd.s32 $0xFFFFE003, lr  }
0x1b: {  	s9 =	sadd.s32 $0xFFFFFEF7, lr;
	s5 =	simm.s32 $0xFFFFFFFF;
	p2 =	slt.u32 s8, $0xFFFFF086  }
0x1c: {  	p1 =	slt.u32 s9, $0xF7A;
	s5 =	simm.s32 @!p2 $0x0  }
0x1d: {  	s5 =	simm.s32 @p1 $0x1;
	p0 =	seq.s32 s7, s2  }
0x1e: {  	s7 =	smul.u32 @!p0 $0xF7A, s2;
	p2 =	seq.s32 @!p0 s5, $0x0  }
0x1f: {  	s9 =	smul.u32 $0xF7A, s1;
	s8 =	simm.s32 @!p0 $0x1BF5;
	p2 =	por !p2, p0  }
0x20: {  	[sflag:s8] =	ssyncset.s32 @!p0 $0xFFFFF086;
	s6 =	sadd.s32 @!p0 s3, s7;
	s7 =	simm.s32 @!p0 $0x108  }
0x21: {  	s3 =	sadd.s32 s3, s9;
	s6 =	sadd.s32 @!p0 $0x88, s6;
	s7 =	simm.s32 @p2 $0x1082  }
0x22: {  	[simem:s7], [sflag:s8] =	dma.local @!p0 [hbm:s6], $0xF7A  }
0x23: {  	s9 =	sor.u32 $0xD0000000, s2;
	s6 =	simm.s32 $0x108;
	_ =	swait.ge @!p0 [sflag:s8], $0x0  }
0x24: {  	s3 =	sadd.s32 $0x88, s3;
	s6 =	simm.s32 @!p1 $0x1082;
	[sflag:s4] =	ssyncset.s32 $0xFFFFF086  }
0x25: {  	[simem:s6], [sflag:s4] =	dma.local [hbm:s3], $0xF7A  }
0x26: {  	[smem:$0x3F92] =	sst s1;
	(tag) =	ssettag s2;
	_ =	strace s9  }
0x27: {  	s1 =	sld [smem:$0x3FA2]  }
0x28: {  	s2 =	sld [smem:$0x3FA3]  }
0x29: {  	s4 =	sld [smem:$0x3FA5]  }
0x2a: {  	p0 =	seq.s32 s5, $0x0;
	s5 =	sld [smem:$0x3FA6]  }
0x2b: {  	s6 =	sld [smem:$0x3FA7]  }
0x2c: {  	s7 =	sld [smem:$0x3FA8]  }
0x2d: {  	s3 =	simm.s32 $0x108;
	s8 =	sld [smem:$0x3FA9]  }
0x2e: {  	s3 =	simm.s32 @!p0 $0x1082;
	s9 =	sld [smem:$0x3FAA]  }
0x2f: {  	lr =	sadd.s32 s0, s3;
	s0 =	sld [smem:$0x3FA1]  }
0x30: {  	s3 =	sld [smem:$0x3FA4]  }
0x31: {  	[smem:$0x3FAD] =	sst s10  }
0x32: {  	s10 =	sld [smem:$0x3FAB];
	_ =	sdelay $0x3  }
0x33: {  	p0 =	seq.s32 s10, $0x1;
	s10 =	sld [smem:$0x3FAD];
	_ =	sdelay $0x3  }
0x34: {  	[smem:$0x3FAD] =	sst s10  }
0x35: {  	s10 =	sld [smem:$0x3FAC];
	_ =	sdelay $0x3  }
0x36: {  	p1 =	seq.s32 s10, $0x1;
	s10 =	sld [smem:$0x3FAD];
	_ =	sdelay $0x3  }
0x37: {  	[smem:$0x3FAD] =	sst s10  }
0x38: {  	s10 =	sld [smem:$0x3FAE]  }
0x39: {  	_ = 	snop;
	(pc) =	sbr.ind lr, $3  }
0x3a: {  	_ = 	snop  }
0x3b: {  	_ = 	snop  }
0x3c: {  	p2 =	seq.s32 s10, $0x1;
	s10 =	sld [smem:$0x3FAD]  }
0x3d: {  	_ =	shalt  }
0x3e: {  	_ =	shalt  }
0x3f: {  	_ =	shalt  }
0x40: {  	_ =	shalt  }
0x41: {  	_ =	shalt  }
0x42: {  	_ =	shalt  }
0x43: {  	_ =	shalt  }
0x44: {  	_ =	shalt  }
0x45: {  	_ =	shalt  }
0x46: {  	_ =	shalt  }
0x47: {  	_ =	shalt  }
0x48: {  	_ =	shalt  }
0x49: {  	_ =	shalt  }
0x4a: {  	_ =	shalt  }
0x4b: {  	_ =	shalt  }
0x4c: {  	_ =	shalt  }
0x4d: {  	_ =	shalt  }
0x4e: {  	_ =	shalt  }
0x4f: {  	_ =	shalt  }
0x50: {  	_ =	shalt  }
0x51: {  	_ =	shalt  }
0x52: {  	_ =	shalt  }
0x53: {  	_ =	shalt  }
0x54: {  	_ =	shalt  }
0x55: {  	_ =	shalt  }
0x56: {  	_ =	shalt  }
0x57: {  	_ =	shalt  }
0x58: {  	_ =	shalt  }
0x59: {  	_ =	shalt  }
0x5a: {  	_ =	shalt  }
0x5b: {  	_ =	shalt  }
0x5c: {  	_ =	shalt  }
0x5d: {  	_ =	shalt  }
0x5e: {  	_ =	shalt  }
0x5f: {  	_ =	shalt  }
0x60: {  	_ =	shalt  }
0x61: {  	_ =	shalt  }
0x62: {  	_ =	shalt  }
0x63: {  	_ =	shalt  }
0x64: {  	_ =	shalt  }
0x65: {  	_ =	shalt  }
0x66: {  	_ =	shalt  }
0x67: {  	_ =	shalt  }
0x68: {  	_ =	shalt  }
0x69: {  	_ =	shalt  }
0x6a: {  	_ =	shalt  }
0x6b: {  	_ =	shalt  }
0x6c: {  	_ =	shalt  }
0x6d: {  	_ =	shalt  }
0x6e: {  	_ =	shalt  }
0x6f: {  	_ =	shalt  }
0x70: {  	_ =	shalt  }
0x71: {  	_ =	shalt  }
0x72: {  	_ =	shalt  }
0x73: {  	_ =	shalt  }
0x74: {  	_ =	shalt  }
0x75: {  	_ =	shalt  }
0x76: {  	_ =	shalt  }
0x77: {  	_ =	shalt  }
0x78: {  	_ =	shalt  }
0x79: {  	_ =	shalt  }
0x7a: {  	_ =	shalt  }
0x7b: {  	_ =	shalt  }
0x7c: {  	_ =	shalt  }
0x7d: {  	_ =	shalt  }
0x7e: {  	_ =	shalt  }
0x7f: {  	_ =	shalt  }
0x80: {  	_ =	shalt  }
0x81: {  	_ =	shalt  }
0x82: {  	_ =	shalt  }
0x83: {  	_ =	shalt  }
0x84: {  	_ =	shalt  }
0x85: {  	_ =	shalt  }
0x86: {  	_ =	shalt  }
0x87: {  	_ =	shalt  }
.Lfunc_end0:
.L_simem_size_0:
called_computation.4_lowered:
.L_overlay_start_0:
0x88: {  	s2 =	sld [smem:$0x3FD9]  }
0x89: {  	s3 =	sld [smem:$0x3FFE];
	_ =	sdelay $0x1  }
0x8a: {  	s1 =	srdreg.scid  }
0x8b: {  	s0 =	sand.u32 $0x1, s1  }
0x8c: {  	s17 =	sshll.u32 s0, $0xA;
	s2 =	sadd.s32 s3, s2  }
0x8d: {  	s2 =	sadd.s32 s2, s17  }
0x8e: {  	[smem:$0x3FB9] =	sst s2  }
0x8f: {  	_ = 	snop  }
0x90: {  	s18 =	sld [smem:$0x3FD0];
	(tm) =	ssettm $0x1  }
0x91: {  	s19 =	sld [smem:$0x3FFB];
	_ =	sdelay $0x3  }
0x92: {  	_ =	strace s19  }
0x93: {  	s2 =	sld [smem:$0x3FFC];
	_ =	sdelay $0x3  }
0x94: {  	_ =	strace s2  }
0x95: {  	s2 =	sld [smem:$0x3FFD];
	_ =	sdelay $0x3  }
0x96: {  	_ =	strace s2  }
0x97: {  	_ =	strace $0x8FFFFFFF  }
0x98: {  	s20 =	sld [smem:$0x3FDB];
	_ =	sdelay $0x1  }
0x99: {  	s4 =	simm.s32 $_scs_section_size  }
0x9a: {  	s5 =	simm.s32 $_size__tile_overlayer_lowered;
	s6 =	simm.s32 $_tile_overlayer_lowered  }
0x9b: {  	s7 =	simm.s32 $0x1BFF;
	s21 =	sshll.u32 s6, $0x1;
	s4 =	sadd.s32 s4, s20  }
0x9c: {  	s22 =	simm.s32 $0x0;
	s5 =	sshll.u32 s5, $0x1;
	s6 =	sadd.s32 s21, s4  }
0x9d: {  	[timem:s22], [sflag:s7] =	dma.local [hbm:s6], s5  }
0x9e: {  	_ =	swait.ge [sflag:s7], s5  }
0x9f: {  	s5 =	ssub.s32 $0x0, s5;
	[sflag:s7] =	ssyncset.done $0x0  }
0xa0: {  	[sflag:s7] =	ssyncadd.s32 s5;
	_ =	sdelay $0x1  }
0xa1: {  	s23 =	simm.s32 $0x1B8B  }
0xa2: {  	_ =	swait.ge [sflag:s23], $0x1  }
0xa3: {  	[sflag:s23] =	ssyncset.done $0x0  }
0xa4: {  	[sflag:s23] =	ssyncadd.s32 $0xFFFFFFFF  }
0xa5: {  	s5 =	sld [smem:$0x0]  }
0xa6: {  	s6 =	sand.u32 $0xFFFFFFFE, s1  }
0xa7: {  	p0 =	sne.s32 s1, s6  }
0xa8: {  	s6 =	sshll.u32 @p0 s6, $0xE  }
0xa9: {  	s6 =	sadd.s32 @p0 $0x11B8D, s6;
	s7 =	sshll.u32 @p0 s5, $0x11  }
0xaa: {  	s6 =	sor.u32 @p0 s7, s6  }
0xab: {  	[sflag:s6] =	ssyncadd.remote.s32 @p0 $0x1;
	_ =	sdelay $0x1  }
0xac: {  	s6 =	simm.s32 @p0 $0x1B8D  }
0xad: {  	_ =	swait.eq @p0 [sflag:s6], $0x1  }
0xae: {  	[sflag:s6] =	ssyncadd.s32 @p0 $0xFFFFFFFF  }
0xaf: {  	s7 =	sshll.u32 @!p0 s1, $0xE  }
0xb0: {  	s7 =	sor.u32 @!p0 $0x4000, s7;
	s6 =	simm.s32 @!p0 $0x1B8D  }
0xb1: {  	s5 =	sshll.u32 @!p0 s5, $0x11;
	s7 =	sadd.s32 @!p0 $0x11B8D, s7;
	_ =	swait.eq @!p0 [sflag:s6], $0x1  }
0xb2: {  	s5 =	sor.u32 @!p0 s5, s7;
	[sflag:s6] =	ssyncadd.s32 @!p0 $0xFFFFFFFF  }
0xb3: {  	s25 =	simm.s32 $0x1B8E;
	s24 =	sld [smem:$0x3FFE];
	[sflag:s5] =	ssyncadd.remote.s32 @!p0 $0x1  }
0xb4: {  	s26 =	simm.s32 $execute0_lowered;
	[smem:$0x3FD2] =	sst s25  }
0xb5: {  	s6 =	sshll.u32 s26, $0x1;
	_ =	strace $0x8000004C;
	[dreg:$0x1] =	wrdreg $0xFFFFFFFF  }
0xb6: {  	s28 =	simm.s32 $_size_execute0_lowered;
	s4 =	sadd.s32 s4, s6;
	[dreg:$0x0] =	wrdreg $0x0  }
0xb7: {  	s6 =	sshll.u32 s28, $0x1;
	[dreg:$0x2] =	wrdreg s4  }
0xb8: {  	[dreg:$0x3] =	wrdreg s6  }
0xb9: {  	[dreg:$0x4] =	wrdreg $0xC0  }
0xba: {  	_ =	task [dreg:s22], $0x5FFFF  }
0xbb: {  	[dreg:$0x1] =	wrdreg $0xFFFFFFFF  }
0xbc: {  	[dreg:$0x0] =	wrdreg $0x60  }
0xbd: {  	[dreg:$0x2] =	wrdreg s24  }
0xbe: {  	[dreg:$0x3] =	wrdreg s18  }
0xbf: {  	[dreg:$0x4] =	wrdreg $0xC  }
0xc0: {  	_ =	task.clear_ibuf [dreg:s22], $0x5FFFF;
	_ =	strace $0x9000004C  }
0xc1: {  	s29 =	simm.s32 $0xC;
	_ =	strace $0x8000004E  }
0xc2: {  	_ =	swait.ge [sflag:s29], $0x1  }
0xc3: {  	[sflag:s29] =	ssyncadd.s32 $0xFFFFFFFF  }
0xc4: {  	_ =	strace $0x9000004E  }
0xc5: {  	_ =	sfence  }
0xc6: {  	s30 =	sld [smem:$0x0];
	_ =	sdelay $0x2  }
0xc7: {  	s31 =	sshll.u32 s1, $0xD;
	s1 =	sshrl.u32 s1, $0x2  }
0xc8: {  	s4 =	sand.u32 $0x4000, s31;
	s1 =	sadd.s32 s1, s30  }
0xc9: {  	s0 =	sor.u32 s4, s0;
	s1 =	sshll.u32 s1, $0x11  }
0xca: {  	s0 =	sor.u32 s1, s0  }
0xcb: {  	s0 =	sadd.s32 $0x8F2B, s0  }
0xcc: {  	[sflag:s0] =	ssyncadd.remote.s32 $0x1  }
0xcd: {  	_ =	sfence.sel $0xFFFF  }
0xce: {  	[dreg:$0x0] =	wrdreg $0xFFFFFFFF;
	(pc) =	sbr.abs _section_cstart, $3  }
0xcf: {  	[dreg:$0x1] =	wrdreg $0xFFFFFFFF  }
0xd0: {  	_ =	task.clear_ibuf [dreg:s22], $0x2FFFF;
	_ =	strace $0x9FFFFFFF  }
0xd1: {  	(tm) =	ssettm $0x7FFFFFFF  }
tec
execute0_lowered:
.L_overlay_start_1:
0x0: {  	(tag) =	ssettag $0x1  }
0x1: {  	s0 =	rddreg [dreg:$0x0]  }
0x2: {  	s1 =	rddreg [dreg:$0x1]  }
0x3: {  	s2 =	srdreg.scid;
	s6 =	stileid.u32;
	s15 =	simm.s32 $0x900  }
0x4: {  	s17 =	simm.s32 $0x1100;
	s19 =	simm.s32 $0x1900;
	s20 =	simm.s32 $0x2100  }
0x5: {  	s21 =	simm.s32 $0x2900;
	s22 =	simm.s32 $0x3100;
	s23 =	simm.s32 $0x3900  }
0x6: {  	s24 =	simm.s32 $0x4100;
	s5 =	sand.u32 $0x1, s2;
	s2 =	simm.s32 $0x0  }
0x7: {  	s25 =	simm.s32 $0x4900;
	s7 =	simm.s32 $0x100;
	[smem:$0x7FF] =	sst s2  }
0x8: {  	s26 =	simm.s32 $0x5100;
	_ =	strace $0x8000004D;
	[dreg:$0x4] =	wrdreg s15  }
0x9: {  	s8 =	simm.s32 $0x5900;
	s9 =	simm.s32 $0x6100;
	[dreg:$0x5] =	wrdreg s17  }
0xa: {  	s10 =	simm.s32 $0x6900;
	s11 =	simm.s32 $0x7100;
	[dreg:$0x6] =	wrdreg s19  }
0xb: {  	s12 =	simm.s32 $0x7900;
	s13 =	simm.s32 $0x8100;
	[dreg:$0x7] =	wrdreg s20  }
0xc: {  	s14 =	simm.s32 $0x8900;
	s28 =	simm.s32 $0xF100;
	[dreg:$0x8] =	wrdreg s21  }
0xd: {  	s29 =	simm.s32 $0xF900;
	s30 =	simm.s32 $0x1;
	[dreg:$0x9] =	wrdreg s22  }
0xe: {  	s31 =	simm.s32 $0x0;
	s3 =	sshll.u32 s6, $0xB;
	[dreg:$0xa] =	wrdreg s23  }
0xf: {  	s6 =	sshll.u32 s6, $0x10;
	s4 =	sshll.u32 s5, $0xA;
	[dreg:$0xb] =	wrdreg s24  }
0x10: {  	s16 =	ssub.s32 $0x2, s5;
	s5 =	sshll.u32 s5, $0xF;
	[dreg:$0xc] =	wrdreg s25  }
0x11: {  	s3 =	sor.u32 s4, s3;
	s18 =	sshrl.u32 s16, $0x1;
	[dreg:$0xd] =	wrdreg s26  }
0x12: {  	s15 =	simm.s32 $0x9100;
	s17 =	simm.s32 $0xA100;
	s19 =	simm.s32 $0xB100  }
0x13: {  	s20 =	simm.s32 $0xB900;
	s21 =	simm.s32 $0xC100;
	s22 =	simm.s32 $0xC900  }
0x14: {  	s23 =	simm.s32 $0xD100;
	s24 =	simm.s32 $0xD900;
	s25 =	simm.s32 $0xE100  }
0x15: {  	s26 =	simm.s32 $0xE900;
	s4 =	sshrl.u32 s3, $0x3;
	s3 =	sadd.s32 $0x84200, s0  }
0x16: {  	s0 =	sadd.s32 s6, s0;
	s1 =	sadd.s32 s4, s1;
	s4 =	ssub.s32 s16, s18  }
0x17: {  	v2 =	vlaneseq.u32;
	s0 =	sadd.s32 s5, s0;
	[dreg:$0x3] =	wrdreg s1;
	s4 =	smax.u32 s4, $0x1  }
0x18: {  	vm0 =	vmmov $0xffff;
	v1 =	vshrl.u32 v2, $0x3;
	s6 =	simm.s32 $0x2;
	s0 =	sadd.s32 $0x284200, s0;
	[dreg:$0xe] =	wrdreg s4  }
0x19: {  	v0 =	vand.u32 $0x7, v2;
	v2 =	vor.u32 $0x8, v2;
	v1 =	vmul.u32 $0x8, v1;
	s16 =	simm.s32 $0x9900;
	s18 =	simm.s32 $0xA900;
	[dreg:$0xf] =	wrdreg s0  }
.LBB2_1:
0x1a: {  	s5 =	rddreg [dreg:$0xf];
	s1 =	simm.s32 $0x0  }
.LBB2_2:
0x1b: {  	s4 =	rddreg [dreg:$0x3]  }
0x1c: {  	s4 =	sadd.s32 s1, s4  }
0x1d: {  	[tilespmem:s2], [sflag:$0x2] =	stream.linear.gather [hbm4b:s4+s2], $0x100, $0x38;
	[tilespmem:$0x10100] =	vst v63  }
0x1e: {  	_ =	swait.ge [sflag:s6], $0x100  }
0x1f: {  	[sflag:s6] =	ssyncset.done $0x0  }
0x20: {  	[sflag:s6] =	ssyncadd.s32 $0xFFFFFF00  }
0x21: {  	v3 =	vld [tilespmem:$0x0];
	_ =	sdelay $0x4  }
0x22: {  	v4 =	vshll.u32 v3, $0x1  }
0x23: {  	v3 =	vand.u32 $0x7, v3;
	v4 =	vand.u32 $0xFFFFFFF0, v4  }
0x24: {  	v3 =	vor.u32 v3, v4  }
0x25: {  	v4 =	vperm.xlane v3, v0;
	_ =	sdelay $0x1  }
0x26: {  	v3 =	vperm.xlane v3, v2;
	v4 =	vadd.s32 v1, v4;
	_ =	sdelay $0x1  }
0x27: {  	v3 =	vadd.s32 v1, v3;
	_ =	sdelay $0x2  }
0x28: {  	[tilespmem:s7], [sflag:$0x1] =	stream.indirect_vreg.gather [hbm4b:s3+s2], $0x80, v4, vm0, $0xb8;
	[tilespmem:$0x10100] =	vst v63  }
0x29: {  	s0 =	rddreg [dreg:$0x4]  }
0x2a: {  	[tilespmem:s0], [sflag:$0x1] =	stream.indirect_vreg.gather [hbm4b:s3+s2], $0x80, v3, vm0, $0xb8;
	[tilespmem:$0x10100] =	vst v63  }
0x2b: {  	v3 =	vld [tilespmem:$0x10];
	_ =	sdelay $0x4  }
0x2c: {  	v49 =	vshll.u32 v3, $0x1  }
0x2d: {  	v3 =	vand.u32 $0x7, v3;
	v4 =	vand.u32 $0xFFFFFFF0, v49  }
0x2e: {  	v3 =	vor.u32 v3, v4  }
0x2f: {  	v4 =	vperm.xlane v3, v0;
	_ =	sdelay $0x1  }
0x30: {  	v3 =	vperm.xlane v3, v2;
	v4 =	vadd.s32 v1, v4;
	_ =	sdelay $0x1  }
0x31: {  	v3 =	vadd.s32 v1, v3;
	_ =	sdelay $0x1  }
0x32: {  	s4 =	rddreg [dreg:$0x5]  }
0x33: {  	[tilespmem:s4], [sflag:$0x1] =	stream.indirect_vreg.gather [hbm4b:s3+s2], $0x80, v4, vm0, $0xb8;
	[tilespmem:$0x10100] =	vst v63  }
0x34: {  	s0 =	rddreg [dreg:$0x6]  }
0x35: {  	[tilespmem:s0], [sflag:$0x1] =	stream.indirect_vreg.gather [hbm4b:s3+s2], $0x80, v3, vm0, $0xb8;
	[tilespmem:$0x10100] =	vst v63  }
0x36: {  	v3 =	vld [tilespmem:$0x20];
	_ =	sdelay $0x4  }
0x37: {  	v50 =	vshll.u32 v3, $0x1  }
0x38: {  	v3 =	vand.u32 $0x7, v3;
	v4 =	vand.u32 $0xFFFFFFF0, v50  }
0x39: {  	v3 =	vor.u32 v3, v4  }
0x3a: {  	v4 =	vperm.xlane v3, v0;
	_ =	sdelay $0x1  }
0x3b: {  	v3 =	vperm.xlane v3, v2;
	v4 =	vadd.s32 v1, v4;
	_ =	sdelay $0x1  }
0x3c: {  	v3 =	vadd.s32 v1, v3;
	_ =	sdelay $0x1  }
0x3d: {  	s0 =	rddreg [dreg:$0x7]  }
0x3e: {  	[tilespmem:s0], [sflag:$0x1] =	stream.indirect_vreg.gather [hbm4b:s3+s2], $0x80, v4, vm0, $0xb8;
	[tilespmem:$0x10100] =	vst v63  }
0x3f: {  	s4 =	rddreg [dreg:$0x8]  }
0x40: {  	[tilespmem:s4], [sflag:$0x1] =	stream.indirect_vreg.gather [hbm4b:s3+s2], $0x80, v3, vm0, $0xb8;
	[tilespmem:$0x10100] =	vst v63  }
0x41: {  	v3 =	vld [tilespmem:$0x30];
	_ =	sdelay $0x4  }
0x42: {  	v51 =	vshll.u32 v3, $0x1  }
0x43: {  	v3 =	vand.u32 $0x7, v3;
	v4 =	vand.u32 $0xFFFFFFF0, v51  }
0x44: {  	v3 =	vor.u32 v3, v4  }
0x45: {  	v4 =	vperm.xlane v3, v0;
	_ =	sdelay $0x1  }
0x46: {  	v3 =	vperm.xlane v3, v2;
	v4 =	vadd.s32 v1, v4;
	_ =	sdelay $0x1  }
0x47: {  	v3 =	vadd.s32 v1, v3;
	_ =	sdelay $0x1  }
0x48: {  	s0 =	rddreg [dreg:$0x9]  }
0x49: {  	[tilespmem:s0], [sflag:$0x1] =	stream.indirect_vreg.gather [hbm4b:s3+s2], $0x80, v4, vm0, $0xb8;
	[tilespmem:$0x10100] =	vst v63  }
0x4a: {  	s4 =	rddreg [dreg:$0xa]  }
0x4b: {  	[tilespmem:s4], [sflag:$0x1] =	stream.indirect_vreg.gather [hbm4b:s3+s2], $0x80, v3, vm0, $0xb8;
	[tilespmem:$0x10100] =	vst v63  }
0x4c: {  	v3 =	vld [tilespmem:$0x40];
	_ =	sdelay $0x4  }
0x4d: {  	v52 =	vshll.u32 v3, $0x1  }
0x4e: {  	v3 =	vand.u32 $0x7, v3;
	v4 =	vand.u32 $0xFFFFFFF0, v52  }
0x4f: {  	v3 =	vor.u32 v3, v4  }
0x50: {  	v4 =	vperm.xlane v3, v0;
	_ =	sdelay $0x1  }
0x51: {  	v3 =	vperm.xlane v3, v2;
	v4 =	vadd.s32 v1, v4;
	_ =	sdelay $0x1  }
0x52: {  	v3 =	vadd.s32 v1, v3;
	_ =	sdelay $0x1  }
0x53: {  	s0 =	rddreg [dreg:$0xb]  }
0x54: {  	[tilespmem:s0], [sflag:$0x1] =	stream.indirect_vreg.gather [hbm4b:s3+s2], $0x80, v4, vm0, $0xb8;
	[tilespmem:$0x10100] =	vst v63  }
0x55: {  	s4 =	rddreg [dreg:$0xc]  }
0x56: {  	[tilespmem:s4], [sflag:$0x1] =	stream.indirect_vreg.gather [hbm4b:s3+s2], $0x80, v3, vm0, $0xb8;
	[tilespmem:$0x10100] =	vst v63  }
0x57: {  	v3 =	vld [tilespmem:$0x50];
	_ =	sdelay $0x4  }
0x58: {  	v53 =	vshll.u32 v3, $0x1  }
0x59: {  	v3 =	vand.u32 $0x7, v3;
	v4 =	vand.u32 $0xFFFFFFF0, v53  }
0x5a: {  	v3 =	vor.u32 v3, v4  }
0x5b: {  	v4 =	vperm.xlane v3, v0;
	_ =	sdelay $0x1  }
0x5c: {  	v3 =	vperm.xlane v3, v2;
	v4 =	vadd.s32 v1, v4;
	_ =	sdelay $0x1  }
0x5d: {  	v3 =	vadd.s32 v1, v3;
	_ =	sdelay $0x1  }
0x5e: {  	s4 =	rddreg [dreg:$0xd]  }
0x5f: {  	[tilespmem:s4], [sflag:$0x1] =	stream.indirect_vreg.gather [hbm4b:s3+s2], $0x80, v4, vm0, $0xb8;
	[tilespmem:$0x10100] =	vst v63  }
0x60: {  	_ = 	snop  }
0x61: {  	[tilespmem:s8], [sflag:$0x1] =	stream.indirect_vreg.gather [hbm4b:s3+s2], $0x80, v3, vm0, $0xb8;
	[tilespmem:$0x10100] =	vst v63  }
0x62: {  	v3 =	vld [tilespmem:$0x60];
	_ =	sdelay $0x4  }
0x63: {  	v54 =	vshll.u32 v3, $0x1  }
0x64: {  	v3 =	vand.u32 $0x7, v3;
	v4 =	vand.u32 $0xFFFFFFF0, v54  }
0x65: {  	v3 =	vor.u32 v3, v4  }
0x66: {  	v4 =	vperm.xlane v3, v0;
	_ =	sdelay $0x1  }
0x67: {  	v3 =	vperm.xlane v3, v2;
	v4 =	vadd.s32 v1, v4;
	_ =	sdelay $0x1  }
0x68: {  	v3 =	vadd.s32 v1, v3;
	_ =	sdelay $0x2  }
0x69: {  	[tilespmem:s9], [sflag:$0x1] =	stream.indirect_vreg.gather [hbm4b:s3+s2], $0x80, v4, vm0, $0xb8;
	[tilespmem:$0x10100] =	vst v63  }
0x6a: {  	_ = 	snop  }
0x6b: {  	[tilespmem:s10], [sflag:$0x1] =	stream.indirect_vreg.gather [hbm4b:s3+s2], $0x80, v3, vm0, $0xb8;
	[tilespmem:$0x10100] =	vst v63  }
0x6c: {  	v3 =	vld [tilespmem:$0x70];
	_ =	sdelay $0x4  }
0x6d: {  	v55 =	vshll.u32 v3, $0x1  }
0x6e: {  	v3 =	vand.u32 $0x7, v3;
	v4 =	vand.u32 $0xFFFFFFF0, v55  }
0x6f: {  	v3 =	vor.u32 v3, v4  }
0x70: {  	v4 =	vperm.xlane v3, v0;
	_ =	sdelay $0x1  }
0x71: {  	v3 =	vperm.xlane v3, v2;
	v4 =	vadd.s32 v1, v4;
	_ =	sdelay $0x1  }
0x72: {  	v3 =	vadd.s32 v1, v3;
	_ =	sdelay $0x2  }
0x73: {  	[tilespmem:s11], [sflag:$0x1] =	stream.indirect_vreg.gather [hbm4b:s3+s2], $0x80, v4, vm0, $0xb8;
	[tilespmem:$0x10100] =	vst v63  }
0x74: {  	_ = 	snop  }
0x75: {  	[tilespmem:s12], [sflag:$0x1] =	stream.indirect_vreg.gather [hbm4b:s3+s2], $0x80, v3, vm0, $0xb8;
	[tilespmem:$0x10100] =	vst v63  }
0x76: {  	v3 =	vld [tilespmem:$0x80];
	_ =	sdelay $0x4  }
0x77: {  	v56 =	vshll.u32 v3, $0x1  }
0x78: {  	v3 =	vand.u32 $0x7, v3;
	v4 =	vand.u32 $0xFFFFFFF0, v56  }
0x79: {  	v3 =	vor.u32 v3, v4  }
0x7a: {  	v4 =	vperm.xlane v3, v0;
	_ =	sdelay $0x1  }
0x7b: {  	v3 =	vperm.xlane v3, v2;
	v4 =	vadd.s32 v1, v4;
	_ =	sdelay $0x1  }
0x7c: {  	v3 =	vadd.s32 v1, v3;
	_ =	sdelay $0x2  }
0x7d: {  	[tilespmem:s13], [sflag:$0x1] =	stream.indirect_vreg.gather [hbm4b:s3+s2], $0x80, v4, vm0, $0xb8;
	[tilespmem:$0x10100] =	vst v63  }
0x7e: {  	_ = 	snop  }
0x7f: {  	[tilespmem:s14], [sflag:$0x1] =	stream.indirect_vreg.gather [hbm4b:s3+s2], $0x80, v3, vm0, $0xb8;
	[tilespmem:$0x10100] =	vst v63  }
0x80: {  	v3 =	vld [tilespmem:$0x90];
	_ =	sdelay $0x4  }
0x81: {  	v57 =	vshll.u32 v3, $0x1  }
0x82: {  	v3 =	vand.u32 $0x7, v3;
	v4 =	vand.u32 $0xFFFFFFF0, v57  }
0x83: {  	v3 =	vor.u32 v3, v4  }
0x84: {  	v4 =	vperm.xlane v3, v0;
	_ =	sdelay $0x1  }
0x85: {  	v3 =	vperm.xlane v3, v2;
	v4 =	vadd.s32 v1, v4;
	_ =	sdelay $0x1  }
0x86: {  	v3 =	vadd.s32 v1, v3;
	_ =	sdelay $0x2  }
0x87: {  	[tilespmem:s15], [sflag:$0x1] =	stream.indirect_vreg.gather [hbm4b:s3+s2], $0x80, v4, vm0, $0xb8;
	[tilespmem:$0x10100] =	vst v63  }
0x88: {  	_ = 	snop  }
0x89: {  	[tilespmem:s16], [sflag:$0x1] =	stream.indirect_vreg.gather [hbm4b:s3+s2], $0x80, v3, vm0, $0xb8;
	[tilespmem:$0x10100] =	vst v63  }
0x8a: {  	v3 =	vld [tilespmem:$0xA0];
	_ =	sdelay $0x4  }
0x8b: {  	v58 =	vshll.u32 v3, $0x1  }
0x8c: {  	v3 =	vand.u32 $0x7, v3;
	v4 =	vand.u32 $0xFFFFFFF0, v58  }
0x8d: {  	v3 =	vor.u32 v3, v4  }
0x8e: {  	v4 =	vperm.xlane v3, v0;
	_ =	sdelay $0x1  }
0x8f: {  	v3 =	vperm.xlane v3, v2;
	v4 =	vadd.s32 v1, v4;
	_ =	sdelay $0x1  }
0x90: {  	v3 =	vadd.s32 v1, v3;
	_ =	sdelay $0x2  }
0x91: {  	[tilespmem:s17], [sflag:$0x1] =	stream.indirect_vreg.gather [hbm4b:s3+s2], $0x80, v4, vm0, $0xb8;
	[tilespmem:$0x10100] =	vst v63  }
0x92: {  	_ = 	snop  }
0x93: {  	[tilespmem:s18], [sflag:$0x1] =	stream.indirect_vreg.gather [hbm4b:s3+s2], $0x80, v3, vm0, $0xb8;
	[tilespmem:$0x10100] =	vst v63  }
0x94: {  	v3 =	vld [tilespmem:$0xB0];
	_ =	sdelay $0x4  }
0x95: {  	v59 =	vshll.u32 v3, $0x1  }
0x96: {  	v3 =	vand.u32 $0x7, v3;
	v4 =	vand.u32 $0xFFFFFFF0, v59  }
0x97: {  	v3 =	vor.u32 v3, v4  }
0x98: {  	v4 =	vperm.xlane v3, v0;
	_ =	sdelay $0x1  }
0x99: {  	v3 =	vperm.xlane v3, v2;
	v4 =	vadd.s32 v1, v4;
	_ =	sdelay $0x1  }
0x9a: {  	v3 =	vadd.s32 v1, v3;
	_ =	sdelay $0x2  }
0x9b: {  	[tilespmem:s19], [sflag:$0x1] =	stream.indirect_vreg.gather [hbm4b:s3+s2], $0x80, v4, vm0, $0xb8;
	[tilespmem:$0x10100] =	vst v63  }
0x9c: {  	_ = 	snop  }
0x9d: {  	[tilespmem:s20], [sflag:$0x1] =	stream.indirect_vreg.gather [hbm4b:s3+s2], $0x80, v3, vm0, $0xb8;
	[tilespmem:$0x10100] =	vst v63  }
0x9e: {  	v3 =	vld [tilespmem:$0xC0];
	_ =	sdelay $0x4  }
0x9f: {  	v60 =	vshll.u32 v3, $0x1  }
0xa0: {  	v3 =	vand.u32 $0x7, v3;
	v4 =	vand.u32 $0xFFFFFFF0, v60  }
0xa1: {  	v3 =	vor.u32 v3, v4  }
0xa2: {  	v4 =	vperm.xlane v3, v0;
	_ =	sdelay $0x1  }
0xa3: {  	v3 =	vperm.xlane v3, v2;
	v4 =	vadd.s32 v1, v4;
	_ =	sdelay $0x1  }
0xa4: {  	v3 =	vadd.s32 v1, v3;
	_ =	sdelay $0x2  }
0xa5: {  	[tilespmem:s21], [sflag:$0x1] =	stream.indirect_vreg.gather [hbm4b:s3+s2], $0x80, v4, vm0, $0xb8;
	[tilespmem:$0x10100] =	vst v63  }
0xa6: {  	_ = 	snop  }
0xa7: {  	[tilespmem:s22], [sflag:$0x1] =	stream.indirect_vreg.gather [hbm4b:s3+s2], $0x80, v3, vm0, $0xb8;
	[tilespmem:$0x10100] =	vst v63  }
0xa8: {  	v3 =	vld [tilespmem:$0xD0];
	_ =	sdelay $0x4  }
0xa9: {  	v61 =	vshll.u32 v3, $0x1  }
0xaa: {  	v3 =	vand.u32 $0x7, v3;
	v4 =	vand.u32 $0xFFFFFFF0, v61  }
0xab: {  	v3 =	vor.u32 v3, v4  }
0xac: {  	v4 =	vperm.xlane v3, v0;
	_ =	sdelay $0x1  }
0xad: {  	v3 =	vperm.xlane v3, v2;
	v4 =	vadd.s32 v1, v4;
	_ =	sdelay $0x1  }
0xae: {  	v3 =	vadd.s32 v1, v3;
	_ =	sdelay $0x2  }
0xaf: {  	[tilespmem:s23], [sflag:$0x1] =	stream.indirect_vreg.gather [hbm4b:s3+s2], $0x80, v4, vm0, $0xb8;
	[tilespmem:$0x10100] =	vst v63  }
0xb0: {  	_ = 	snop  }
0xb1: {  	[tilespmem:s24], [sflag:$0x1] =	stream.indirect_vreg.gather [hbm4b:s3+s2], $0x80, v3, vm0, $0xb8;
	[tilespmem:$0x10100] =	vst v63  }
0xb2: {  	v3 =	vld [tilespmem:$0xE0];
	_ =	sdelay $0x4  }
0xb3: {  	v62 =	vshll.u32 v3, $0x1  }
0xb4: {  	v3 =	vand.u32 $0x7, v3;
	v4 =	vand.u32 $0xFFFFFFF0, v62  }
0xb5: {  	v3 =	vor.u32 v3, v4  }
0xb6: {  	v4 =	vperm.xlane v3, v0;
	_ =	sdelay $0x1  }
0xb7: {  	v3 =	vperm.xlane v3, v2;
	v4 =	vadd.s32 v1, v4;
	_ =	sdelay $0x1  }
0xb8: {  	v3 =	vadd.s32 v1, v3;
	_ =	sdelay $0x2  }
0xb9: {  	[tilespmem:s25], [sflag:$0x1] =	stream.indirect_vreg.gather [hbm4b:s3+s2], $0x80, v4, vm0, $0xb8;
	[tilespmem:$0x10100] =	vst v63  }
0xba: {  	_ = 	snop  }
0xbb: {  	[tilespmem:s26], [sflag:$0x1] =	stream.indirect_vreg.gather [hbm4b:s3+s2], $0x80, v3, vm0, $0xb8;
	[tilespmem:$0x10100] =	vst v63  }
0xbc: {  	v3 =	vld [tilespmem:$0xF0];
	_ =	sdelay $0x4  }
0xbd: {  	v63 =	vshll.u32 v3, $0x1  }
0xbe: {  	v3 =	vand.u32 $0x7, v3;
	v4 =	vand.u32 $0xFFFFFFF0, v63  }
0xbf: {  	v3 =	vor.u32 v3, v4  }
0xc0: {  	v4 =	vperm.xlane v3, v0;
	_ =	sdelay $0x1  }
0xc1: {  	v3 =	vperm.xlane v3, v2;
	v4 =	vadd.s32 v1, v4;
	_ =	sdelay $0x1  }
0xc2: {  	v3 =	vadd.s32 v1, v3;
	_ =	sdelay $0x2  }
0xc3: {  	[tilespmem:s28], [sflag:$0x1] =	stream.indirect_vreg.gather [hbm4b:s3+s2], $0x80, v4, vm0, $0xb8;
	[tilespmem:$0x10100] =	vst v63  }
0xc4: {  	_ = 	snop  }
0xc5: {  	[tilespmem:s29], [sflag:$0x1] =	stream.indirect_vreg.gather [hbm4b:s3+s2], $0x80, v3, vm0, $0xb8;
	[tilespmem:$0x10100] =	vst v63  }
0xc6: {  	_ =	swait.ge [sflag:s30], $0x10000  }
0xc7: {  	p0 =	sne.s32 s1, $0x60;
	[sflag:s30] =	ssyncset.done $0x0  }
.Ltmp0:
0xc8: {  	[sflag:s30] =	ssyncadd.s32 $0xFFFF0000;
	(pc) =	sbr.rel @p0 .LBB2_2-.Ltmp0, $4  }
0xc9: {  	[hbm4b:s5+s2] =	stream.linear.scatter [tilespmem:s7], [sflag:$0x2], $0x10000, $0x38;
	[tilespmem:$0x10100] =	vst v63  }
0xca: {  	_ =	swait.ge [sflag:s6], $0x10000  }
0xcb: {  	[sflag:s6] =	ssyncset.done $0x0  }
0xcc: {  	s1 =	sadd.s32 $0x20, s1;
	s5 =	sadd.s32 $0x2000, s5;
	[sflag:s6] =	ssyncadd.s32 $0xFFFF0000  }
0xcd: {  	s31 =	sadd.s32 $0x1, s31;
	s0 =	rddreg [dreg:$0xe]  }
0xce: {  	p0 =	sne.s32 s31, s0  }
.Ltmp1:
0xcf: {  	_ = 	snop;
	(pc) =	sbr.rel @p0 .LBB2_1-.Ltmp1, $1  }
0xd0: {  	_ =	sdelay $0x3  }
0xd1: {  	_ =	sfence.sel $0x180000  }
0xd2: {  	[bflag:$0x0] =	sbarrier.arrive $0xFFFF  }
0xd3: {  	_ =	strace $0x9000004D  }
0xd4: {  	s0 =	stileid.u32;
	[bflag:$0x2] =	sbarrier.arrive $0xFFFF  }
0xd5: {  	p0 =	sne.s32 s0, $0x0;
	s0 =	rddreg [dreg:$0x2]  }
0xd6: {  	s0 =	sadd.s32 @!p0 $0x100000, s0  }
0xd7: {  	[sflag:s0] =	ssyncadd.tile.s32 @!p0 $0x1;
	_ =	shalt  }
.Lfunc_end2:
_tile_overlayer_lowered:
.L_overlay_start_2:
0xd8: {  	(tag) =	ssettag $0x2  }
0xd9: {  	s0 =	rddreg [dreg:$0x0];
	s2 =	stileid.u32  }
0xda: {  	s1 =	rddreg [dreg:$0x1];
	p0 =	sne.s32 s2, $0x0  }
0xdb: {  	s3 =	rddreg [dreg:$0x2];
	[bflag:$0x3] =	sbarrier.arrive $0xFFFF;
	s2 =	simm.s32 @!p0 $0x1C02  }
0xdc: {  	[timem:s3], [sflag:s2] =	dma.local @!p0 [hbm:s0], s1  }
0xdd: {  	s0 =	simm.s32 @!p0 $0x2  }
0xde: {  	_ =	swait.ge @!p0 [sflag:s0], s1  }
0xdf: {  	s1 =	ssub.s32 @!p0 $0x0, s1;
	[sflag:s0] =	ssyncset.done @!p0 $0x0  }
0xe0: {  	[sflag:s0] =	ssyncadd.s32 @!p0 s1  }
0xe1: {  	[bflag:$0x3] =	sbarrier.arrive $0xFFFF  }
0xe2: {  	_ =	shalt  }

</sc_bundles>
